<compile_context>
chip_gen: v7x
topology: tpu7x:2x2x1
jax: 0.10.2.dev20260603
libtpu: 0.0.44.dev20260713+nightly
codegen_flags: <defaults>
</compile_context>

<pallas_src>
import functools

import jax
import jax.numpy as jnp
import numpy as np
from jax import lax
from jax.experimental import pallas as pl
from jax.experimental.pallas import tpu as pltpu
from jax.experimental.pallas import tpu_sc as plsc

N = 10000
E = 320000
HID = 128
NUM_RBF = 50
RBF_PAD = 64
L = 4
G = 64
CUTOFF = 4.0
VOCAB = 128

_STEP = np.float32(CUTOFF) * (np.float32(1.0) / np.float32(NUM_RBF - 1))
_COEFF = -0.5 / float(_STEP) ** 2

_PA = np.concatenate([np.arange(32 * j, 32 * j + 16) for j in range(HID // 32)])
_PB = _PA + 16

_NBLK = 1000


def _embed_xl_body(x_ref, emb_ref, lw_ref, lb_ref, h_ref, xl_ref):
    xv = x_ref[0]
    ids = lax.broadcasted_iota(jnp.int32, (VOCAB, _NBLK), 0)
    oh = (ids == jnp.broadcast_to(xv, (VOCAB, _NBLK))).astype(jnp.float32)
    h = lax.dot_general(oh, emb_ref[...], (((0,), (0,)), ((), ())),
                        preferred_element_type=jnp.float32)
    h_ref[...] = h
    xl_ref[...] = jnp.dot(h, lw_ref[...],
                          preferred_element_type=jnp.float32) + lb_ref[...]


def _embed_xl(x3, emb, lw0, lb0):
    return pl.pallas_call(
        _embed_xl_body,
        grid=(N // _NBLK,),
        in_specs=[
            pl.BlockSpec((1, 1, _NBLK), lambda i: (i, 0, 0)),
            pl.BlockSpec((VOCAB, HID), lambda i: (0, 0)),
            pl.BlockSpec((HID, HID), lambda i: (0, 0)),
            pl.BlockSpec((1, HID), lambda i: (0, 0)),
        ],
        out_specs=[
            pl.BlockSpec((_NBLK, HID), lambda i: (i, 0)),
            pl.BlockSpec((_NBLK, HID), lambda i: (i, 0)),
        ],
        out_shape=[
            jax.ShapeDtypeStruct((N, HID), jnp.float32),
            jax.ShapeDtypeStruct((N, HID), jnp.float32),
        ],
    )(x3, emb, lw0, lb0)


_EBLK = 2000


def _filter_body(attr_ref, fw1_ref, fb1_ref, fw2a_ref, fb2a_ref, fw2b_ref,
                 fb2b_ref, o_ref):
    a = attr_ref[0]
    ab = jnp.broadcast_to(a, (RBF_PAD, _EBLK))
    off = lax.broadcasted_iota(jnp.int32, (RBF_PAD, _EBLK), 0).astype(jnp.float32) * _STEP
    d = ab - off
    rbf_t = jnp.exp(_COEFF * d * d)
    t = lax.dot_general(rbf_t, fw1_ref[...], (((0,), (0,)), ((), ())),
                        preferred_element_type=jnp.float32) + fb1_ref[...]
    t = jnp.maximum(t, 0.0)
    wa = jnp.dot(t, fw2a_ref[...], preferred_element_type=jnp.float32) + fb2a_ref[...]
    wb = jnp.dot(t, fw2b_ref[...], preferred_element_type=jnp.float32) + fb2b_ref[...]
    ia = lax.bitcast_convert_type(wa, jnp.int32) + jnp.int32(0x8000)
    ib = lax.bitcast_convert_type(wb, jnp.int32) + jnp.int32(0x8000)
    lo = lax.shift_right_logical(ia, 16)
    hi = lax.bitwise_and(ib, jnp.int32(-65536))
    o_ref[...] = lax.bitwise_or(lo, hi)


def _filter(attr3, fw1p, fb1, fw2a, fb2a, fw2b, fb2b):
    return pl.pallas_call(
        _filter_body,
        grid=(E // _EBLK,),
        in_specs=[
            pl.BlockSpec((1, 1, _EBLK), lambda i: (i, 0, 0)),
            pl.BlockSpec((RBF_PAD, HID), lambda i: (0, 0)),
            pl.BlockSpec((1, HID), lambda i: (0, 0)),
            pl.BlockSpec((HID, HID // 2), lambda i: (0, 0)),
            pl.BlockSpec((1, HID // 2), lambda i: (0, 0)),
            pl.BlockSpec((HID, HID // 2), lambda i: (0, 0)),
            pl.BlockSpec((1, HID // 2), lambda i: (0, 0)),
        ],
        out_specs=pl.BlockSpec((_EBLK, HID // 2), lambda i: (i, 0)),
        out_shape=jax.ShapeDtypeStruct((E, HID // 2), jnp.int32),
    )(attr3, fw1p, fb1, fw2a, fb2a, fw2b, fb2b)



def _ln(h_ref, p0_ref, p1_ref, g_ref, b_ref):
    hn = h_ref[...] + p0_ref[...] + p1_ref[...]
    mu = jnp.mean(hn, axis=-1, keepdims=True)
    cen = hn - mu
    var = jnp.mean(cen * cen, axis=-1, keepdims=True)
    return cen * lax.rsqrt(var + 1e-5) * g_ref[...] + b_ref[...]


def _combine_xl_body(h_ref, p0_ref, p1_ref, g_ref, b_ref, lw_ref, lb_ref,
                     ho_ref, xl_ref):
    hn = _ln(h_ref, p0_ref, p1_ref, g_ref, b_ref)
    ho_ref[...] = hn
    xl_ref[...] = jnp.dot(hn, lw_ref[...],
                          preferred_element_type=jnp.float32) + lb_ref[...]


def _combine_xl(h, p0, p1, g, b, lw, lb):
    return pl.pallas_call(
        _combine_xl_body,
        grid=(N // _NBLK,),
        in_specs=[
            pl.BlockSpec((_NBLK, HID), lambda i: (i, 0)),
            pl.BlockSpec((_NBLK, HID), lambda i: (i, 0)),
            pl.BlockSpec((_NBLK, HID), lambda i: (i, 0)),
            pl.BlockSpec((1, HID), lambda i: (0, 0)),
            pl.BlockSpec((1, HID), lambda i: (0, 0)),
            pl.BlockSpec((HID, HID), lambda i: (0, 0)),
            pl.BlockSpec((1, HID), lambda i: (0, 0)),
        ],
        out_specs=[
            pl.BlockSpec((_NBLK, HID), lambda i: (i, 0)),
            pl.BlockSpec((_NBLK, HID), lambda i: (i, 0)),
        ],
        out_shape=[
            jax.ShapeDtypeStruct((N, HID), jnp.float32),
            jax.ShapeDtypeStruct((N, HID), jnp.float32),
        ],
    )(h, p0, p1, g, b, lw, lb)



def _combine_pool_body(h_ref, p0_ref, p1_ref, g_ref, b_ref, b3_ref, o_ref,
                       acc, cnt):
    i = pl.program_id(0)

    @pl.when(i == 0)
    def _():
        acc[...] = jnp.zeros((G, HID), jnp.float32)
        cnt[...] = jnp.zeros((G, HID), jnp.float32)

    hn = _ln(h_ref, p0_ref, p1_ref, g_ref, b_ref)
    bv = b3_ref[0]
    gids = lax.broadcasted_iota(jnp.int32, (G, _NBLK), 0)
    oh = (gids == jnp.broadcast_to(bv, (G, _NBLK))).astype(jnp.float32)
    acc[...] += jnp.dot(oh, hn, preferred_element_type=jnp.float32)
    cnt[...] += jnp.broadcast_to(jnp.sum(oh, axis=1, keepdims=True), (G, HID))

    @pl.when(i == pl.num_programs(0) - 1)
    def _():
        o_ref[...] = acc[...] / jnp.maximum(cnt[...], 1.0)


def _combine_pool(h, p0, p1, g, b, b3):
    return pl.pallas_call(
        _combine_pool_body,
        grid=(N // _NBLK,),
        in_specs=[
            pl.BlockSpec((_NBLK, HID), lambda i: (i, 0)),
            pl.BlockSpec((_NBLK, HID), lambda i: (i, 0)),
            pl.BlockSpec((_NBLK, HID), lambda i: (i, 0)),
            pl.BlockSpec((1, HID), lambda i: (0, 0)),
            pl.BlockSpec((1, HID), lambda i: (0, 0)),
            pl.BlockSpec((1, 1, _NBLK), lambda i: (i, 0, 0)),
        ],
        out_specs=pl.BlockSpec((G, HID), lambda i: (0, 0)),
        out_shape=jax.ShapeDtypeStruct((G, HID), jnp.float32),
        scratch_shapes=[
            pltpu.VMEM((G, HID), jnp.float32),
            pltpu.VMEM((G, HID), jnp.float32),
        ],
    )(h, p0, p1, g, b, b3)


_NCORE = 2
_NSUB = 16
_EC = 80
_E_PER_TILE = E // (_NCORE * _NSUB)
_NCHUNK = _E_PER_TILE // _EC
_NPAD = 10240
_R_PER_TILE = _NPAD // _NSUB
_ZR = 128


_NBUF = 2


def _sc_body(xl_hbm, w_hbm, col_hbm, row_hbm, out_hbm, acc, *scr):
    col_v = scr[0:_NBUF]
    row_v = scr[_NBUF:2 * _NBUF]
    row_s = scr[2 * _NBUF:3 * _NBUF]
    w_v = scr[3 * _NBUF:4 * _NBUF]
    g_v = scr[4 * _NBUF:5 * _NBUF]
    sem_i = scr[5 * _NBUF:6 * _NBUF]
    sem_w = scr[6 * _NBUF:7 * _NBUF]
    sem_g = scr[7 * _NBUF:8 * _NBUF]
    sem_s = scr[8 * _NBUF:9 * _NBUF]

    cid = lax.axis_index("c")
    sid = lax.axis_index("s")

    def _zrow(i, carry):
        for j in range(HID // 16):
            g_v[0][i, pl.ds(j * 16, 16)] = jnp.zeros((16,), jnp.float32)
        return carry
    lax.fori_loop(0, _EC, _zrow, 0)
    for t in range(_EC // 16):
        row_s[1][pl.ds(t * 16, 16)] = jnp.zeros((16,), jnp.int32)
    for t in range(_R_PER_TILE // _EC):
        pltpu.sync_copy(g_v[0], acc.at[pl.ds(sid * _R_PER_TILE + t * _EC, _EC)])
    pltpu.async_copy(g_v[0], acc.at[row_s[1]], sem_s[1], add=True)
    plsc.subcore_barrier()

    base = cid * (E // _NCORE) + sid * _E_PER_TILE

    def _issue_loads(c, b):
        off = base + c * _EC
        pltpu.async_copy(col_hbm.at[pl.ds(off, _EC)], col_v[b], sem_i[b])
        pltpu.async_copy(row_hbm.at[pl.ds(off, _EC)], row_v[b], sem_i[b])
        pltpu.async_copy(w_hbm.at[pl.ds(off, _EC)], w_v[b], sem_w[b])

    def _wait_idx(b):
        pltpu.make_async_copy(col_hbm.at[pl.ds(0, _EC)], col_v[b], sem_i[b]).wait()
        pltpu.make_async_copy(row_hbm.at[pl.ds(0, _EC)], row_v[b], sem_i[b]).wait()

    def _wait_w(b):
        pltpu.make_async_copy(w_hbm.at[pl.ds(0, _EC)], w_v[b], sem_w[b]).wait()

    def _issue_gather(b):
        pltpu.async_copy(xl_hbm.at[col_v[b]], g_v[b], sem_g[b])

    def _wait_gather(b):
        pltpu.make_async_copy(xl_hbm.at[col_v[b]], g_v[b], sem_g[b]).wait()

    def _issue_scatter(b):
        pltpu.async_copy(g_v[b], acc.at[row_s[b]], sem_s[b], add=True)

    def _wait_scatter(b):
        pltpu.make_async_copy(g_v[b], acc.at[row_s[b]], sem_s[b]).wait()

    def _mul(b):
        def _m(q, c2):
            for u in range(4):
                e = q * 4 + u
                for j in range(HID // 32):
                    wi = w_v[b][e, pl.ds(j * 16, 16)]
                    wa = lax.shift_left(wi, 16).view(jnp.float32)
                    wb = lax.bitwise_and(wi, jnp.int32(-65536)).view(jnp.float32)
                    sa = pl.ds(j * 32, 16)
                    sb = pl.ds(j * 32 + 16, 16)
                    g_v[b][e, sa] = g_v[b][e, sa] * wa
                    g_v[b][e, sb] = g_v[b][e, sb] * wb
            return c2
        lax.fori_loop(0, _EC // 4, _m, 0)

    def _copy_row(b):
        for t in range(_EC // 16):
            s = pl.ds(t * 16, 16)
            row_s[b][s] = row_v[b][s]

    def _process(b):
        _wait_gather(b)
        _wait_w(b)
        _mul(b)
        _copy_row(b)
        _issue_scatter(b)

    _issue_loads(0, 0)
    _issue_loads(1, 1)
    _wait_idx(0)
    _issue_gather(0)

    def _iter(k, carry):
        c2 = lax.rem(2 * k + 2, _NCHUNK)
        c3 = lax.rem(2 * k + 3, _NCHUNK)
        _wait_idx(1)
        _wait_scatter(1)
        _issue_gather(1)
        _process(0)
        _issue_loads(c2, 0)
        _process(1)
        _issue_loads(c3, 1)
        _wait_idx(0)
        _wait_scatter(0)
        _issue_gather(0)
        return carry

    lax.fori_loop(0, _NCHUNK // 2, _iter, 0)
    _process(0)
    _wait_scatter(0)
    _wait_scatter(1)
    _wait_idx(1)
    _wait_w(1)
    plsc.subcore_barrier()

    for t in range(_R_PER_TILE // _ZR):
        r0 = sid * _R_PER_TILE + t * _ZR
        pltpu.sync_copy(acc.at[pl.ds(r0, _ZR)], out_hbm.at[cid, pl.ds(r0, _ZR)])


@functools.partial(jax.jit, static_argnames=())
def _sc_scatter(xl, w, col, row):
    mesh = plsc.VectorSubcoreMesh(core_axis_name="c", subcore_axis_name="s")
    kfn = pl.kernel(
        _sc_body,
        mesh=mesh,
        out_type=jax.ShapeDtypeStruct((_NCORE, _NPAD, HID), jnp.float32),
        scratch_types=(
            [pltpu.VMEM_SHARED((_NPAD, HID), jnp.float32)]
            + [pltpu.VMEM((_EC,), jnp.int32) for _ in range(3 * _NBUF)]
            + [pltpu.VMEM((_EC, HID // 2), jnp.int32) for _ in range(_NBUF)]
            + [pltpu.VMEM((_EC, HID), jnp.float32) for _ in range(_NBUF)]
            + [pltpu.SemaphoreType.DMA for _ in range(4 * _NBUF)]
        ),
    )
    return kfn(xl, w, col, row)



def kernel(x, edge_index, edge_attr, batch, emb, fw1, fb1, fw2, fb2, lw, lb, ln_g, ln_b):
    x3 = x.astype(jnp.int32).reshape(N // _NBLK, 1, _NBLK)
    b3 = batch.astype(jnp.int32).reshape(N // _NBLK, 1, _NBLK)
    attr3 = edge_attr.reshape(E // _EBLK, 1, _EBLK)
    row = edge_index[0].astype(jnp.int32)
    col = edge_index[1].astype(jnp.int32)
    fw1p = jnp.pad(fw1, ((0, 0), (0, RBF_PAD - NUM_RBF), (0, 0)))
    fw2a, fb2a = fw2[:, :, _PA], fb2[:, _PA]
    fw2b, fb2b = fw2[:, :, _PB], fb2[:, _PB]

    ws = [_filter(attr3, fw1p[i], fb1[i][None, :], fw2a[i], fb2a[i][None, :],
                  fw2b[i], fb2b[i][None, :])
          for i in range(L)]
    h, xl = _embed_xl(x3, emb, lw[0], lb[0][None, :])
    for i in range(L):
        parts = _sc_scatter(xl, ws[i], col, row)
        if i + 1 < L:
            h, xl = _combine_xl(h, parts[0, :N], parts[1, :N],
                                ln_g[i][None, :], ln_b[i][None, :],
                                lw[i + 1], lb[i + 1][None, :])
        else:
            return _combine_pool(h, parts[0, :N], parts[1, :N],
                                 ln_g[i][None, :], ln_b[i][None, :], b3)

# --- scband reference (transcript-rebuilt; emitter-appended) ---
"""Pipeline reference for scband-spatial-mpnn-46342697124300 (READ-ONLY COPY).

The authoritative reference and input builder live on the scoring server;
editing this copy changes nothing except your own understanding.
"""

import jax, jax.numpy as jnp
import numpy as np

N = 10000
E = 320000
HID = 128
NUM_RBF = 50
L = 4
G = 64
CUTOFF = 4.0
VOCAB = 128


def setup_inputs(seed: int = 0) -> dict:
    key = jax.random.key(seed)
    ks = jax.random.split(key, 16)
    x = jax.random.randint(ks[0], (N,), 0, VOCAB, dtype=jnp.int64 if jax.config.read('jax_enable_x64') else jnp.int32)
    edge_index = jax.random.randint(ks[1], (2, E), 0, N)
    edge_attr = jax.random.uniform(ks[2], (E,), dtype=jnp.float32) * CUTOFF
    batch = jnp.sort(jax.random.randint(ks[3], (N,), 0, G))
    emb = jax.random.normal(ks[4], (VOCAB, HID), dtype=jnp.float32) * 0.02
    fw1 = jax.random.normal(ks[5], (L, NUM_RBF, HID), dtype=jnp.float32) * (1.0 / np.sqrt(NUM_RBF))
    fb1 = jnp.zeros((L, HID), dtype=jnp.float32)
    fw2 = jax.random.normal(ks[6], (L, HID, HID), dtype=jnp.float32) * (1.0 / np.sqrt(HID))
    fb2 = jnp.zeros((L, HID), dtype=jnp.float32)
    lw = jax.random.normal(ks[7], (L, HID, HID), dtype=jnp.float32) * (1.0 / np.sqrt(HID))
    lb = jnp.zeros((L, HID), dtype=jnp.float32)
    ln_g = jnp.ones((L, HID), dtype=jnp.float32)
    ln_b = jnp.zeros((L, HID), dtype=jnp.float32)
    return {"x": x, "edge_index": edge_index, "edge_attr": edge_attr, "batch": batch,
            "emb": emb, "fw1": fw1, "fb1": fb1, "fw2": fw2, "fb2": fb2,
            "lw": lw, "lb": lb, "ln_g": ln_g, "ln_b": ln_b}


def _layer_norm(h, g, b, eps=1e-5):
    mu = jnp.mean(h, axis=-1, keepdims=True)
    var = jnp.mean((h - mu) ** 2, axis=-1, keepdims=True)
    return (h - mu) / jnp.sqrt(var + eps) * g + b


def reference(x, edge_index, edge_attr, batch, emb, fw1, fb1, fw2, fb2, lw, lb, ln_g, ln_b):
    # GaussianSmearing
    offset = jnp.linspace(0.0, CUTOFF, NUM_RBF)
    _i1 = np.float32(1.0) / np.float32(NUM_RBF - 1)
    _step = np.float32(0.0) * (np.float32(1.0) - _i1) + np.float32(CUTOFF) * _i1
    coeff = -0.5 / float(_step - np.float32(0.0)) ** 2
    d = edge_attr.reshape(-1, 1) - offset.reshape(1, -1)
    edge_rbf = jnp.exp(coeff * d ** 2)  # [E, NUM_RBF]

    h = emb[x]  # embedding lookup -> [N, HID]
    row = edge_index[0]
    col = edge_index[1]
    for i in range(L):
        # FilterNet: Linear -> ReLU -> Linear
        w = jax.nn.relu(edge_rbf @ fw1[i] + fb1[i]) @ fw2[i] + fb2[i]  # [E, HID]
        xl = h @ lw[i] + lb[i]  # [N, HID]
        msg = jnp.take(xl, col, axis=0) * w  # gather + elementwise
        out = jax.ops.segment_sum(msg, row, num_segments=N)  # scatter-add
        h = h + out
        h = _layer_norm(h, ln_g[i], ln_b[i])
    # global mean pool
    sums = jax.ops.segment_sum(h, batch, num_segments=G)
    counts = jax.ops.segment_sum(jnp.ones((N,), dtype=h.dtype), batch, num_segments=G)
    h_graph = sums / jnp.clip(counts, 1.0, None)[:, None]
    return h_graph

if __name__ == "__main__":
    import jax
    _d = setup_inputs()
    print(jax.jit(kernel)(*tuple(_d.values())))

</pallas_src>

<mosaic_0001>
#map = affine_map<(d0, d1) -> (0, 0)>
#map1 = affine_map<(d0, d1) -> (0)>
#map2 = affine_map<(d0, d1) -> (0, 0, 0)>
module attributes {stable_mosaic.version = 14 : i64} {
  func.func @_sc_body(%arg0: i32, %arg1: i32, %arg2: memref<10000x128xf32, #tpu.memory_space<hbm>>, %arg3: memref<320000x64xi32, #tpu.memory_space<hbm>>, %arg4: memref<320000xi32, #tpu.memory_space<hbm>>, %arg5: memref<320000xi32, #tpu.memory_space<hbm>>, %arg6: memref<2x10240x128xf32, #tpu.memory_space<hbm>>, %arg7: memref<10240x128xf32, #tpu.memory_space<vmem_shared>>, %arg8: memref<80xi32, #tpu.memory_space<vmem>>, %arg9: memref<80xi32, #tpu.memory_space<vmem>>, %arg10: memref<80xi32, #tpu.memory_space<vmem>>, %arg11: memref<80xi32, #tpu.memory_space<vmem>>, %arg12: memref<80xi32, #tpu.memory_space<vmem>>, %arg13: memref<80xi32, #tpu.memory_space<vmem>>, %arg14: memref<80x64xi32, #tpu.memory_space<vmem>>, %arg15: memref<80x64xi32, #tpu.memory_space<vmem>>, %arg16: memref<80x128xf32, #tpu.memory_space<vmem>>, %arg17: memref<80x128xf32, #tpu.memory_space<vmem>>, %arg18: memref<!tpu.dma_semaphore, #tpu.memory_space<semaphore_mem>>, %arg19: memref<!tpu.dma_semaphore, #tpu.memory_space<semaphore_mem>>, %arg20: memref<!tpu.dma_semaphore, #tpu.memory_space<semaphore_mem>>, %arg21: memref<!tpu.dma_semaphore, #tpu.memory_space<semaphore_mem>>, %arg22: memref<!tpu.dma_semaphore, #tpu.memory_space<semaphore_mem>>, %arg23: memref<!tpu.dma_semaphore, #tpu.memory_space<semaphore_mem>>, %arg24: memref<!tpu.dma_semaphore, #tpu.memory_space<semaphore_mem>>, %arg25: memref<!tpu.dma_semaphore, #tpu.memory_space<semaphore_mem>>) attributes {dimension_semantics = [#tpu.dimension_semantics<core_parallel>, #tpu.dimension_semantics<subcore_parallel>], iteration_bounds = array<i64: 2, 16>, scalar_prefetch = 0 : i64, scratch_operands = 19 : i64, tpu.core_type = #tpu.core_type<sc_vector_subcore>, window_params = [{transform_indices = #map}, {transform_indices = #map}, {transform_indices = #map1}, {transform_indices = #map1}, {transform_indices = #map2}]} {
    %scan3A = arith.constant 0 : i32
    %scan3A_0 = arith.constant 0 : i32
    %scan3A_1 = arith.constant 80 : i32
    %scan3A_2 = arith.addi %scan3A_0, %scan3A_1 : i32
    %scan3A_3 = arith.constant 1 : i32
    scf.for %scan3A_199 = %scan3A_0 to %scan3A_2 step %scan3A_3  : i32 {
      %broadcast_in_dim3A_200 = arith.constant 0.000000e+00 : f32
      %broadcast_in_dim3A_201 = vector.broadcast %broadcast_in_dim3A_200 : f32 to vector<16xf32>
      %swap3A_202 = arith.index_cast %scan3A_199 : i32 to index
      %swap3A_203 = arith.constant 0 : index
      %swap3A_204 = tpu.vector_load %arg16[%swap3A_202, %swap3A_203] {strides = array<i32>} : memref<80x128xf32, #tpu.memory_space<vmem>>, vector<1x16xf32>,
      %swap3A_205 = vector.shape_cast %swap3A_204 : vector<1x16xf32> to vector<16xf32>
      %swap3A_206 = vector.shape_cast %broadcast_in_dim3A_201 : vector<16xf32> to vector<1x16xf32>
      tpu.vector_store %arg16[%swap3A_202, %swap3A_203], %swap3A_206 {strides = array<i32>} : memref<80x128xf32, #tpu.memory_space<vmem>>, vector<1x16xf32>,
      %broadcast_in_dim3A_207 = arith.constant 0.000000e+00 : f32
      %broadcast_in_dim3A_208 = vector.broadcast %broadcast_in_dim3A_207 : f32 to vector<16xf32>
      %swap3A_209 = arith.index_cast %scan3A_199 : i32 to index
      %swap3A_210 = arith.constant 16 : index
      %swap3A_211 = tpu.vector_load %arg16[%swap3A_209, %swap3A_210] {strides = array<i32>} : memref<80x128xf32, #tpu.memory_space<vmem>>, vector<1x16xf32>,
      %swap3A_212 = vector.shape_cast %swap3A_211 : vector<1x16xf32> to vector<16xf32>
      %swap3A_213 = vector.shape_cast %broadcast_in_dim3A_208 : vector<16xf32> to vector<1x16xf32>
      tpu.vector_store %arg16[%swap3A_209, %swap3A_210], %swap3A_213 {strides = array<i32>} : memref<80x128xf32, #tpu.memory_space<vmem>>, vector<1x16xf32>,
      %broadcast_in_dim3A_214 = arith.constant 0.000000e+00 : f32
      %broadcast_in_dim3A_215 = vector.broadcast %broadcast_in_dim3A_214 : f32 to vector<16xf32>
      %swap3A_216 = arith.index_cast %scan3A_199 : i32 to index
      %swap3A_217 = arith.constant 32 : index
      %swap3A_218 = tpu.vector_load %arg16[%swap3A_216, %swap3A_217] {strides = array<i32>} : memref<80x128xf32, #tpu.memory_space<vmem>>, vector<1x16xf32>,
      %swap3A_219 = vector.shape_cast %swap3A_218 : vector<1x16xf32> to vector<16xf32>
      %swap3A_220 = vector.shape_cast %broadcast_in_dim3A_215 : vector<16xf32> to vector<1x16xf32>
      tpu.vector_store %arg16[%swap3A_216, %swap3A_217], %swap3A_220 {strides = array<i32>} : memref<80x128xf32, #tpu.memory_space<vmem>>, vector<1x16xf32>,
      %broadcast_in_dim3A_221 = arith.constant 0.000000e+00 : f32
      %broadcast_in_dim3A_222 = vector.broadcast %broadcast_in_dim3A_221 : f32 to vector<16xf32>
      %swap3A_223 = arith.index_cast %scan3A_199 : i32 to index
      %swap3A_224 = arith.constant 48 : index
      %swap3A_225 = tpu.vector_load %arg16[%swap3A_223, %swap3A_224] {strides = array<i32>} : memref<80x128xf32, #tpu.memory_space<vmem>>, vector<1x16xf32>,
      %swap3A_226 = vector.shape_cast %swap3A_225 : vector<1x16xf32> to vector<16xf32>
      %swap3A_227 = vector.shape_cast %broadcast_in_dim3A_222 : vector<16xf32> to vector<1x16xf32>
      tpu.vector_store %arg16[%swap3A_223, %swap3A_224], %swap3A_227 {strides = array<i32>} : memref<80x128xf32, #tpu.memory_space<vmem>>, vector<1x16xf32>,
      %broadcast_in_dim3A_228 = arith.constant 0.000000e+00 : f32
      %broadcast_in_dim3A_229 = vector.broadcast %broadcast_in_dim3A_228 : f32 to vector<16xf32>
      %swap3A_230 = arith.index_cast %scan3A_199 : i32 to index
      %swap3A_231 = arith.constant 64 : index
      %swap3A_232 = tpu.vector_load %arg16[%swap3A_230, %swap3A_231] {strides = array<i32>} : memref<80x128xf32, #tpu.memory_space<vmem>>, vector<1x16xf32>,
      %swap3A_233 = vector.shape_cast %swap3A_232 : vector<1x16xf32> to vector<16xf32>
      %swap3A_234 = vector.shape_cast %broadcast_in_dim3A_229 : vector<16xf32> to vector<1x16xf32>
      tpu.vector_store %arg16[%swap3A_230, %swap3A_231], %swap3A_234 {strides = array<i32>} : memref<80x128xf32, #tpu.memory_space<vmem>>, vector<1x16xf32>,
      %broadcast_in_dim3A_235 = arith.constant 0.000000e+00 : f32
      %broadcast_in_dim3A_236 = vector.broadcast %broadcast_in_dim3A_235 : f32 to vector<16xf32>
      %swap3A_237 = arith.index_cast %scan3A_199 : i32 to index
      %swap3A_238 = arith.constant 80 : index
      %swap3A_239 = tpu.vector_load %arg16[%swap3A_237, %swap3A_238] {strides = array<i32>} : memref<80x128xf32, #tpu.memory_space<vmem>>, vector<1x16xf32>,
      %swap3A_240 = vector.shape_cast %swap3A_239 : vector<1x16xf32> to vector<16xf32>
      %swap3A_241 = vector.shape_cast %broadcast_in_dim3A_236 : vector<16xf32> to vector<1x16xf32>
      tpu.vector_store %arg16[%swap3A_237, %swap3A_238], %swap3A_241 {strides = array<i32>} : memref<80x128xf32, #tpu.memory_space<vmem>>, vector<1x16xf32>,
      %broadcast_in_dim3A_242 = arith.constant 0.000000e+00 : f32
      %broadcast_in_dim3A_243 = vector.broadcast %broadcast_in_dim3A_242 : f32 to vector<16xf32>
      %swap3A_244 = arith.index_cast %scan3A_199 : i32 to index
      %swap3A_245 = arith.constant 96 : index
      %swap3A_246 = tpu.vector_load %arg16[%swap3A_244, %swap3A_245] {strides = array<i32>} : memref<80x128xf32, #tpu.memory_space<vmem>>, vector<1x16xf32>,
      %swap3A_247 = vector.shape_cast %swap3A_246 : vector<1x16xf32> to vector<16xf32>
      %swap3A_248 = vector.shape_cast %broadcast_in_dim3A_243 : vector<16xf32> to vector<1x16xf32>
      tpu.vector_store %arg16[%swap3A_244, %swap3A_245], %swap3A_248 {strides = array<i32>} : memref<80x128xf32, #tpu.memory_space<vmem>>, vector<1x16xf32>,
      %broadcast_in_dim3A_249 = arith.constant 0.000000e+00 : f32
      %broadcast_in_dim3A_250 = vector.broadcast %broadcast_in_dim3A_249 : f32 to vector<16xf32>
      %swap3A_251 = arith.index_cast %scan3A_199 : i32 to index
      %swap3A_252 = arith.constant 112 : index
      %swap3A_253 = tpu.vector_load %arg16[%swap3A_251, %swap3A_252] {strides = array<i32>} : memref<80x128xf32, #tpu.memory_space<vmem>>, vector<1x16xf32>,
      %swap3A_254 = vector.shape_cast %swap3A_253 : vector<1x16xf32> to vector<16xf32>
      %swap3A_255 = vector.shape_cast %broadcast_in_dim3A_250 : vector<16xf32> to vector<1x16xf32>
      tpu.vector_store %arg16[%swap3A_251, %swap3A_252], %swap3A_255 {strides = array<i32>} : memref<80x128xf32, #tpu.memory_space<vmem>>, vector<1x16xf32>,
    }
    %scan3A_4 = arith.constant 80 : i32
    %broadcast_in_dim3A = arith.constant 0 : i32
    %broadcast_in_dim3A_5 = vector.broadcast %broadcast_in_dim3A : i32 to vector<16xi32>
    %swap3A = arith.constant 0 : index
    %swap3A_6 = tpu.vector_load %arg13[%swap3A] {strides = array<i32>} : memref<80xi32, #tpu.memory_space<vmem>>, vector<16xi32>,
    %swap3A_7 = vector.shape_cast %swap3A_6 : vector<16xi32> to vector<16xi32>
    %swap3A_8 = vector.shape_cast %broadcast_in_dim3A_5 : vector<16xi32> to vector<16xi32>
    tpu.vector_store %arg13[%swap3A], %swap3A_8 {strides = array<i32>} : memref<80xi32, #tpu.memory_space<vmem>>, vector<16xi32>,
    %broadcast_in_dim3A_9 = arith.constant 0 : i32
    %broadcast_in_dim3A_10 = vector.broadcast %broadcast_in_dim3A_9 : i32 to vector<16xi32>
    %swap3A_11 = arith.constant 16 : index
    %swap3A_12 = tpu.vector_load %arg13[%swap3A_11] {strides = array<i32>} : memref<80xi32, #tpu.memory_space<vmem>>, vector<16xi32>,
    %swap3A_13 = vector.shape_cast %swap3A_12 : vector<16xi32> to vector<16xi32>
    %swap3A_14 = vector.shape_cast %broadcast_in_dim3A_10 : vector<16xi32> to vector<16xi32>
    tpu.vector_store %arg13[%swap3A_11], %swap3A_14 {strides = array<i32>} : memref<80xi32, #tpu.memory_space<vmem>>, vector<16xi32>,
    %broadcast_in_dim3A_15 = arith.constant 0 : i32
    %broadcast_in_dim3A_16 = vector.broadcast %broadcast_in_dim3A_15 : i32 to vector<16xi32>
    %swap3A_17 = arith.constant 32 : index
    %swap3A_18 = tpu.vector_load %arg13[%swap3A_17] {strides = array<i32>} : memref<80xi32, #tpu.memory_space<vmem>>, vector<16xi32>,
    %swap3A_19 = vector.shape_cast %swap3A_18 : vector<16xi32> to vector<16xi32>
    %swap3A_20 = vector.shape_cast %broadcast_in_dim3A_16 : vector<16xi32> to vector<16xi32>
    tpu.vector_store %arg13[%swap3A_17], %swap3A_20 {strides = array<i32>} : memref<80xi32, #tpu.memory_space<vmem>>, vector<16xi32>,
    %broadcast_in_dim3A_21 = arith.constant 0 : i32
    %broadcast_in_dim3A_22 = vector.broadcast %broadcast_in_dim3A_21 : i32 to vector<16xi32>
    %swap3A_23 = arith.constant 48 : index
    %swap3A_24 = tpu.vector_load %arg13[%swap3A_23] {strides = array<i32>} : memref<80xi32, #tpu.memory_space<vmem>>, vector<16xi32>,
    %swap3A_25 = vector.shape_cast %swap3A_24 : vector<16xi32> to vector<16xi32>
    %swap3A_26 = vector.shape_cast %broadcast_in_dim3A_22 : vector<16xi32> to vector<16xi32>
    tpu.vector_store %arg13[%swap3A_23], %swap3A_26 {strides = array<i32>} : memref<80xi32, #tpu.memory_space<vmem>>, vector<16xi32>,
    %broadcast_in_dim3A_27 = arith.constant 0 : i32
    %broadcast_in_dim3A_28 = vector.broadcast %broadcast_in_dim3A_27 : i32 to vector<16xi32>
    %swap3A_29 = arith.constant 64 : index
    %swap3A_30 = tpu.vector_load %arg13[%swap3A_29] {strides = array<i32>} : memref<80xi32, #tpu.memory_space<vmem>>, vector<16xi32>,
    %swap3A_31 = vector.shape_cast %swap3A_30 : vector<16xi32> to vector<16xi32>
    %swap3A_32 = vector.shape_cast %broadcast_in_dim3A_28 : vector<16xi32> to vector<16xi32>
    tpu.vector_store %arg13[%swap3A_29], %swap3A_32 {strides = array<i32>} : memref<80xi32, #tpu.memory_space<vmem>>, vector<16xi32>,
    %mul3A = arith.constant 640 : i32
    %mul3A_33 = arith.muli %arg1, %mul3A : i32
    %add3A = arith.constant 0 : i32
    %add3A_34 = arith.addi %mul3A_33, %add3A : i32
    "tpu.region"() ({
      %run_scoped3A = tpu.sem_alloc : memref<!tpu.dma_semaphore, #tpu.memory_space<semaphore_mem>>
      %dma_start3A_199 = arith.constant 0 : i32
      %dma_start3A_200 = tpu.memref_slice %arg7[%add3A_34, %dma_start3A_199] : memref<10240x128xf32, #tpu.memory_space<vmem_shared>> -> memref<80x128xf32, #tpu.memory_space<vmem_shared>>
      %dma_start3A_201 = arith.constant 0 : i32
      %dma_start3A_202 = tpu.memref_slice %arg7[%add3A_34, %dma_start3A_201] : memref<10240x128xf32, #tpu.memory_space<vmem_shared>> -> memref<80x128xf32, #tpu.memory_space<vmem_shared>>
      tpu.enqueue_dma source(%arg16 : memref<80x128xf32, #tpu.memory_space<vmem>>) target(%dma_start3A_202 : memref<80x128xf32, #tpu.memory_space<vmem_shared>>) target_semaphore(%run_scoped3A : memref<!tpu.dma_semaphore, #tpu.memory_space<semaphore_mem>>)
      %dma_wait3A_203 = arith.constant 0 : i32
      %dma_wait3A_204 = tpu.memref_slice %arg7[%add3A_34, %dma_wait3A_203] : memref<10240x128xf32, #tpu.memory_space<vmem_shared>> -> memref<80x128xf32, #tpu.memory_space<vmem_shared>>
      %dma_wait3A_205 = arith.constant 0 : i32
      %dma_wait3A_206 = tpu.memref_slice %arg7[%add3A_34, %dma_wait3A_205] : memref<10240x128xf32, #tpu.memory_space<vmem_shared>> -> memref<80x128xf32, #tpu.memory_space<vmem_shared>>
      tpu.wait_dma2 semaphore(%run_scoped3A : memref<!tpu.dma_semaphore, #tpu.memory_space<semaphore_mem>>) src(%arg16 : memref<80x128xf32, #tpu.memory_space<vmem>>) dst(%dma_wait3A_206 : memref<80x128xf32, #tpu.memory_space<vmem_shared>>)
      tpu.yield
    }) : () -> ()
    %mul3A_35 = arith.constant 640 : i32
    %mul3A_36 = arith.muli %arg1, %mul3A_35 : i32
    %add3A_37 = arith.constant 80 : i32
    %add3A_38 = arith.addi %mul3A_36, %add3A_37 : i32
    "tpu.region"() ({
      %run_scoped3A = tpu.sem_alloc : memref<!tpu.dma_semaphore, #tpu.memory_space<semaphore_mem>>
      %dma_start3A_199 = arith.constant 0 : i32
      %dma_start3A_200 = tpu.memref_slice %arg7[%add3A_38, %dma_start3A_199] : memref<10240x128xf32, #tpu.memory_space<vmem_shared>> -> memref<80x128xf32, #tpu.memory_space<vmem_shared>>
      %dma_start3A_201 = arith.constant 0 : i32
      %dma_start3A_202 = tpu.memref_slice %arg7[%add3A_38, %dma_start3A_201] : memref<10240x128xf32, #tpu.memory_space<vmem_shared>> -> memref<80x128xf32, #tpu.memory_space<vmem_shared>>
      tpu.enqueue_dma source(%arg16 : memref<80x128xf32, #tpu.memory_space<vmem>>) target(%dma_start3A_202 : memref<80x128xf32, #tpu.memory_space<vmem_shared>>) target_semaphore(%run_scoped3A : memref<!tpu.dma_semaphore, #tpu.memory_space<semaphore_mem>>)
      %dma_wait3A_203 = arith.constant 0 : i32
      %dma_wait3A_204 = tpu.memref_slice %arg7[%add3A_38, %dma_wait3A_203] : memref<10240x128xf32, #tpu.memory_space<vmem_shared>> -> memref<80x128xf32, #tpu.memory_space<vmem_shared>>
      %dma_wait3A_205 = arith.constant 0 : i32
      %dma_wait3A_206 = tpu.memref_slice %arg7[%add3A_38, %dma_wait3A_205] : memref<10240x128xf32, #tpu.memory_space<vmem_shared>> -> memref<80x128xf32, #tpu.memory_space<vmem_shared>>
      tpu.wait_dma2 semaphore(%run_scoped3A : memref<!tpu.dma_semaphore, #tpu.memory_space<semaphore_mem>>) src(%arg16 : memref<80x128xf32, #tpu.memory_space<vmem>>) dst(%dma_wait3A_206 : memref<80x128xf32, #tpu.memory_space<vmem_shared>>)
      tpu.yield
    }) : () -> ()
    %mul3A_39 = arith.constant 640 : i32
    %mul3A_40 = arith.muli %arg1, %mul3A_39 : i32
    %add3A_41 = arith.constant 160 : i32
    %add3A_42 = arith.addi %mul3A_40, %add3A_41 : i32
    "tpu.region"() ({
      %run_scoped3A = tpu.sem_alloc : memref<!tpu.dma_semaphore, #tpu.memory_space<semaphore_mem>>
      %dma_start3A_199 = arith.constant 0 : i32
      %dma_start3A_200 = tpu.memref_slice %arg7[%add3A_42, %dma_start3A_199] : memref<10240x128xf32, #tpu.memory_space<vmem_shared>> -> memref<80x128xf32, #tpu.memory_space<vmem_shared>>
      %dma_start3A_201 = arith.constant 0 : i32
      %dma_start3A_202 = tpu.memref_slice %arg7[%add3A_42, %dma_start3A_201] : memref<10240x128xf32, #tpu.memory_space<vmem_shared>> -> memref<80x128xf32, #tpu.memory_space<vmem_shared>>
      tpu.enqueue_dma source(%arg16 : memref<80x128xf32, #tpu.memory_space<vmem>>) target(%dma_start3A_202 : memref<80x128xf32, #tpu.memory_space<vmem_shared>>) target_semaphore(%run_scoped3A : memref<!tpu.dma_semaphore, #tpu.memory_space<semaphore_mem>>)
      %dma_wait3A_203 = arith.constant 0 : i32
      %dma_wait3A_204 = tpu.memref_slice %arg7[%add3A_42, %dma_wait3A_203] : memref<10240x128xf32, #tpu.memory_space<vmem_shared>> -> memref<80x128xf32, #tpu.memory_space<vmem_shared>>
      %dma_wait3A_205 = arith.constant 0 : i32
      %dma_wait3A_206 = tpu.memref_slice %arg7[%add3A_42, %dma_wait3A_205] : memref<10240x128xf32, #tpu.memory_space<vmem_shared>> -> memref<80x128xf32, #tpu.memory_space<vmem_shared>>
      tpu.wait_dma2 semaphore(%run_scoped3A : memref<!tpu.dma_semaphore, #tpu.memory_space<semaphore_mem>>) src(%arg16 : memref<80x128xf32, #tpu.memory_space<vmem>>) dst(%dma_wait3A_206 : memref<80x128xf32, #tpu.memory_space<vmem_shared>>)
      tpu.yield
    }) : () -> ()
    %mul3A_43 = arith.constant 640 : i32
    %mul3A_44 = arith.muli %arg1, %mul3A_43 : i32
    %add3A_45 = arith.constant 240 : i32
    %add3A_46 = arith.addi %mul3A_44, %add3A_45 : i32
    "tpu.region"() ({
      %run_scoped3A = tpu.sem_alloc : memref<!tpu.dma_semaphore, #tpu.memory_space<semaphore_mem>>
      %dma_start3A_199 = arith.constant 0 : i32
      %dma_start3A_200 = tpu.memref_slice %arg7[%add3A_46, %dma_start3A_199] : memref<10240x128xf32, #tpu.memory_space<vmem_shared>> -> memref<80x128xf32, #tpu.memory_space<vmem_shared>>
      %dma_start3A_201 = arith.constant 0 : i32
      %dma_start3A_202 = tpu.memref_slice %arg7[%add3A_46, %dma_start3A_201] : memref<10240x128xf32, #tpu.memory_space<vmem_shared>> -> memref<80x128xf32, #tpu.memory_space<vmem_shared>>
      tpu.enqueue_dma source(%arg16 : memref<80x128xf32, #tpu.memory_space<vmem>>) target(%dma_start3A_202 : memref<80x128xf32, #tpu.memory_space<vmem_shared>>) target_semaphore(%run_scoped3A : memref<!tpu.dma_semaphore, #tpu.memory_space<semaphore_mem>>)
      %dma_wait3A_203 = arith.constant 0 : i32
      %dma_wait3A_204 = tpu.memref_slice %arg7[%add3A_46, %dma_wait3A_203] : memref<10240x128xf32, #tpu.memory_space<vmem_shared>> -> memref<80x128xf32, #tpu.memory_space<vmem_shared>>
      %dma_wait3A_205 = arith.constant 0 : i32
      %dma_wait3A_206 = tpu.memref_slice %arg7[%add3A_46, %dma_wait3A_205] : memref<10240x128xf32, #tpu.memory_space<vmem_shared>> -> memref<80x128xf32, #tpu.memory_space<vmem_shared>>
      tpu.wait_dma2 semaphore(%run_scoped3A : memref<!tpu.dma_semaphore, #tpu.memory_space<semaphore_mem>>) src(%arg16 : memref<80x128xf32, #tpu.memory_space<vmem>>) dst(%dma_wait3A_206 : memref<80x128xf32, #tpu.memory_space<vmem_shared>>)
      tpu.yield
    }) : () -> ()
    %mul3A_47 = arith.constant 640 : i32
    %mul3A_48 = arith.muli %arg1, %mul3A_47 : i32
    %add3A_49 = arith.constant 320 : i32
    %add3A_50 = arith.addi %mul3A_48, %add3A_49 : i32
    "tpu.region"() ({
      %run_scoped3A = tpu.sem_alloc : memref<!tpu.dma_semaphore, #tpu.memory_space<semaphore_mem>>
      %dma_start3A_199 = arith.constant 0 : i32
      %dma_start3A_200 = tpu.memref_slice %arg7[%add3A_50, %dma_start3A_199] : memref<10240x128xf32, #tpu.memory_space<vmem_shared>> -> memref<80x128xf32, #tpu.memory_space<vmem_shared>>
      %dma_start3A_201 = arith.constant 0 : i32
      %dma_start3A_202 = tpu.memref_slice %arg7[%add3A_50, %dma_start3A_201] : memref<10240x128xf32, #tpu.memory_space<vmem_shared>> -> memref<80x128xf32, #tpu.memory_space<vmem_shared>>
      tpu.enqueue_dma source(%arg16 : memref<80x128xf32, #tpu.memory_space<vmem>>) target(%dma_start3A_202 : memref<80x128xf32, #tpu.memory_space<vmem_shared>>) target_semaphore(%run_scoped3A : memref<!tpu.dma_semaphore, #tpu.memory_space<semaphore_mem>>)
      %dma_wait3A_203 = arith.constant 0 : i32
      %dma_wait3A_204 = tpu.memref_slice %arg7[%add3A_50, %dma_wait3A_203] : memref<10240x128xf32, #tpu.memory_space<vmem_shared>> -> memref<80x128xf32, #tpu.memory_space<vmem_shared>>
      %dma_wait3A_205 = arith.constant 0 : i32
      %dma_wait3A_206 = tpu.memref_slice %arg7[%add3A_50, %dma_wait3A_205] : memref<10240x128xf32, #tpu.memory_space<vmem_shared>> -> memref<80x128xf32, #tpu.memory_space<vmem_shared>>
      tpu.wait_dma2 semaphore(%run_scoped3A : memref<!tpu.dma_semaphore, #tpu.memory_space<semaphore_mem>>) src(%arg16 : memref<80x128xf32, #tpu.memory_space<vmem>>) dst(%dma_wait3A_206 : memref<80x128xf32, #tpu.memory_space<vmem_shared>>)
      tpu.yield
    }) : () -> ()
    %mul3A_51 = arith.constant 640 : i32
    %mul3A_52 = arith.muli %arg1, %mul3A_51 : i32
    %add3A_53 = arith.constant 400 : i32
    %add3A_54 = arith.addi %mul3A_52, %add3A_53 : i32
    "tpu.region"() ({
      %run_scoped3A = tpu.sem_alloc : memref<!tpu.dma_semaphore, #tpu.memory_space<semaphore_mem>>
      %dma_start3A_199 = arith.constant 0 : i32
      %dma_start3A_200 = tpu.memref_slice %arg7[%add3A_54, %dma_start3A_199] : memref<10240x128xf32, #tpu.memory_space<vmem_shared>> -> memref<80x128xf32, #tpu.memory_space<vmem_shared>>
      %dma_start3A_201 = arith.constant 0 : i32
      %dma_start3A_202 = tpu.memref_slice %arg7[%add3A_54, %dma_start3A_201] : memref<10240x128xf32, #tpu.memory_space<vmem_shared>> -> memref<80x128xf32, #tpu.memory_space<vmem_shared>>
      tpu.enqueue_dma source(%arg16 : memref<80x128xf32, #tpu.memory_space<vmem>>) target(%dma_start3A_202 : memref<80x128xf32, #tpu.memory_space<vmem_shared>>) target_semaphore(%run_scoped3A : memref<!tpu.dma_semaphore, #tpu.memory_space<semaphore_mem>>)
      %dma_wait3A_203 = arith.constant 0 : i32
      %dma_wait3A_204 = tpu.memref_slice %arg7[%add3A_54, %dma_wait3A_203] : memref<10240x128xf32, #tpu.memory_space<vmem_shared>> -> memref<80x128xf32, #tpu.memory_space<vmem_shared>>
      %dma_wait3A_205 = arith.constant 0 : i32
      %dma_wait3A_206 = tpu.memref_slice %arg7[%add3A_54, %dma_wait3A_205] : memref<10240x128xf32, #tpu.memory_space<vmem_shared>> -> memref<80x128xf32, #tpu.memory_space<vmem_shared>>
      tpu.wait_dma2 semaphore(%run_scoped3A : memref<!tpu.dma_semaphore, #tpu.memory_space<semaphore_mem>>) src(%arg16 : memref<80x128xf32, #tpu.memory_space<vmem>>) dst(%dma_wait3A_206 : memref<80x128xf32, #tpu.memory_space<vmem_shared>>)
      tpu.yield
    }) : () -> ()
    %mul3A_55 = arith.constant 640 : i32
    %mul3A_56 = arith.muli %arg1, %mul3A_55 : i32
    %add3A_57 = arith.constant 480 : i32
    %add3A_58 = arith.addi %mul3A_56, %add3A_57 : i32
    "tpu.region"() ({
      %run_scoped3A = tpu.sem_alloc : memref<!tpu.dma_semaphore, #tpu.memory_space<semaphore_mem>>
      %dma_start3A_199 = arith.constant 0 : i32
      %dma_start3A_200 = tpu.memref_slice %arg7[%add3A_58, %dma_start3A_199] : memref<10240x128xf32, #tpu.memory_space<vmem_shared>> -> memref<80x128xf32, #tpu.memory_space<vmem_shared>>
      %dma_start3A_201 = arith.constant 0 : i32
      %dma_start3A_202 = tpu.memref_slice %arg7[%add3A_58, %dma_start3A_201] : memref<10240x128xf32, #tpu.memory_space<vmem_shared>> -> memref<80x128xf32, #tpu.memory_space<vmem_shared>>
      tpu.enqueue_dma source(%arg16 : memref<80x128xf32, #tpu.memory_space<vmem>>) target(%dma_start3A_202 : memref<80x128xf32, #tpu.memory_space<vmem_shared>>) target_semaphore(%run_scoped3A : memref<!tpu.dma_semaphore, #tpu.memory_space<semaphore_mem>>)
      %dma_wait3A_203 = arith.constant 0 : i32
      %dma_wait3A_204 = tpu.memref_slice %arg7[%add3A_58, %dma_wait3A_203] : memref<10240x128xf32, #tpu.memory_space<vmem_shared>> -> memref<80x128xf32, #tpu.memory_space<vmem_shared>>
      %dma_wait3A_205 = arith.constant 0 : i32
      %dma_wait3A_206 = tpu.memref_slice %arg7[%add3A_58, %dma_wait3A_205] : memref<10240x128xf32, #tpu.memory_space<vmem_shared>> -> memref<80x128xf32, #tpu.memory_space<vmem_shared>>
      tpu.wait_dma2 semaphore(%run_scoped3A : memref<!tpu.dma_semaphore, #tpu.memory_space<semaphore_mem>>) src(%arg16 : memref<80x128xf32, #tpu.memory_space<vmem>>) dst(%dma_wait3A_206 : memref<80x128xf32, #tpu.memory_space<vmem_shared>>)
      tpu.yield
    }) : () -> ()
    %mul3A_59 = arith.constant 640 : i32
    %mul3A_60 = arith.muli %arg1, %mul3A_59 : i32
    %add3A_61 = arith.constant 560 : i32
    %add3A_62 = arith.addi %mul3A_60, %add3A_61 : i32
    "tpu.region"() ({
      %run_scoped3A = tpu.sem_alloc : memref<!tpu.dma_semaphore, #tpu.memory_space<semaphore_mem>>
      %dma_start3A_199 = arith.constant 0 : i32
      %dma_start3A_200 = tpu.memref_slice %arg7[%add3A_62, %dma_start3A_199] : memref<10240x128xf32, #tpu.memory_space<vmem_shared>> -> memref<80x128xf32, #tpu.memory_space<vmem_shared>>
      %dma_start3A_201 = arith.constant 0 : i32
      %dma_start3A_202 = tpu.memref_slice %arg7[%add3A_62, %dma_start3A_201] : memref<10240x128xf32, #tpu.memory_space<vmem_shared>> -> memref<80x128xf32, #tpu.memory_space<vmem_shared>>
      tpu.enqueue_dma source(%arg16 : memref<80x128xf32, #tpu.memory_space<vmem>>) target(%dma_start3A_202 : memref<80x128xf32, #tpu.memory_space<vmem_shared>>) target_semaphore(%run_scoped3A : memref<!tpu.dma_semaphore, #tpu.memory_space<semaphore_mem>>)
      %dma_wait3A_203 = arith.constant 0 : i32
      %dma_wait3A_204 = tpu.memref_slice %arg7[%add3A_62, %dma_wait3A_203] : memref<10240x128xf32, #tpu.memory_space<vmem_shared>> -> memref<80x128xf32, #tpu.memory_space<vmem_shared>>
      %dma_wait3A_205 = arith.constant 0 : i32
      %dma_wait3A_206 = tpu.memref_slice %arg7[%add3A_62, %dma_wait3A_205] : memref<10240x128xf32, #tpu.memory_space<vmem_shared>> -> memref<80x128xf32, #tpu.memory_space<vmem_shared>>
      tpu.wait_dma2 semaphore(%run_scoped3A : memref<!tpu.dma_semaphore, #tpu.memory_space<semaphore_mem>>) src(%arg16 : memref<80x128xf32, #tpu.memory_space<vmem>>) dst(%dma_wait3A_206 : memref<80x128xf32, #tpu.memory_space<vmem_shared>>)
      tpu.yield
    }) : () -> ()
    %dma_start3A = arith.constant 0 : i32
    %dma_start3A_63 = arith.constant 0 : i32
    %dma_start3A_64 = tpu.memref_slice %arg7[%dma_start3A, %dma_start3A_63] : memref<10240x128xf32, #tpu.memory_space<vmem_shared>> -> memref<10240x128xf32, #tpu.memory_space<vmem_shared>>
    tpu.enqueue_indirect_dma source(%arg16 : memref<80x128xf32, #tpu.memory_space<vmem>>) target(%dma_start3A_64 : memref<10240x128xf32, #tpu.memory_space<vmem_shared>>) offsets(%arg13 : memref<80xi32, #tpu.memory_space<vmem>>) semaphore(%arg25 : memref<!tpu.dma_semaphore, #tpu.memory_space<semaphore_mem>>) {add = true}
    %barrier3A = arith.constant 0 : index
    tpu.barrier barrier_id(%barrier3A)
    %mul3A_65 = arith.constant 160000 : i32
    %mul3A_66 = arith.muli %arg0, %mul3A_65 : i32
    %mul3A_67 = arith.constant 10000 : i32
    %mul3A_68 = arith.muli %arg1, %mul3A_67 : i32
    %add3A_69 = arith.addi %mul3A_66, %mul3A_68 : i32
    %add3A_70 = arith.constant 0 : i32
    %add3A_71 = arith.addi %add3A_69, %add3A_70 : i32
    %dma_start3A_72 = tpu.memref_slice %arg4[%add3A_71] : memref<320000xi32, #tpu.memory_space<hbm>> -> memref<80xi32, #tpu.memory_space<hbm>>
    %dma_start3A_73 = tpu.memref_slice %arg4[%add3A_71] : memref<320000xi32, #tpu.memory_space<hbm>> -> memref<80xi32, #tpu.memory_space<hbm>>
    tpu.enqueue_dma source(%dma_start3A_73 : memref<80xi32, #tpu.memory_space<hbm>>) target(%arg8 : memref<80xi32, #tpu.memory_space<vmem>>) target_semaphore(%arg18 : memref<!tpu.dma_semaphore, #tpu.memory_space<semaphore_mem>>)
    %dma_start3A_74 = tpu.memref_slice %arg5[%add3A_71] : memref<320000xi32, #tpu.memory_space<hbm>> -> memref<80xi32, #tpu.memory_space<hbm>>
    %dma_start3A_75 = tpu.memref_slice %arg5[%add3A_71] : memref<320000xi32, #tpu.memory_space<hbm>> -> memref<80xi32, #tpu.memory_space<hbm>>
    tpu.enqueue_dma source(%dma_start3A_75 : memref<80xi32, #tpu.memory_space<hbm>>) target(%arg10 : memref<80xi32, #tpu.memory_space<vmem>>) target_semaphore(%arg18 : memref<!tpu.dma_semaphore, #tpu.memory_space<semaphore_mem>>)
    %dma_start3A_76 = arith.constant 0 : i32
    %dma_start3A_77 = tpu.memref_slice %arg3[%add3A_71, %dma_start3A_76] : memref<320000x64xi32, #tpu.memory_space<hbm>> -> memref<80x64xi32, #tpu.memory_space<hbm>>
    %dma_start3A_78 = arith.constant 0 : i32
    %dma_start3A_79 = tpu.memref_slice %arg3[%add3A_71, %dma_start3A_78] : memref<320000x64xi32, #tpu.memory_space<hbm>> -> memref<80x64xi32, #tpu.memory_space<hbm>>
    tpu.enqueue_dma source(%dma_start3A_79 : memref<80x64xi32, #tpu.memory_space<hbm>>) target(%arg14 : memref<80x64xi32, #tpu.memory_space<vmem>>) target_semaphore(%arg20 : memref<!tpu.dma_semaphore, #tpu.memory_space<semaphore_mem>>)
    %add3A_80 = arith.constant 80 : i32
    %add3A_81 = arith.addi %add3A_69, %add3A_80 : i32
    %dma_start3A_82 = tpu.memref_slice %arg4[%add3A_81] : memref<320000xi32, #tpu.memory_space<hbm>> -> memref<80xi32, #tpu.memory_space<hbm>>
    %dma_start3A_83 = tpu.memref_slice %arg4[%add3A_81] : memref<320000xi32, #tpu.memory_space<hbm>> -> memref<80xi32, #tpu.memory_space<hbm>>
    tpu.enqueue_dma source(%dma_start3A_83 : memref<80xi32, #tpu.memory_space<hbm>>) target(%arg9 : memref<80xi32, #tpu.memory_space<vmem>>) target_semaphore(%arg19 : memref<!tpu.dma_semaphore, #tpu.memory_space<semaphore_mem>>)
    %dma_start3A_84 = tpu.memref_slice %arg5[%add3A_81] : memref<320000xi32, #tpu.memory_space<hbm>> -> memref<80xi32, #tpu.memory_space<hbm>>
    %dma_start3A_85 = tpu.memref_slice %arg5[%add3A_81] : memref<320000xi32, #tpu.memory_space<hbm>> -> memref<80xi32, #tpu.memory_space<hbm>>
    tpu.enqueue_dma source(%dma_start3A_85 : memref<80xi32, #tpu.memory_space<hbm>>) target(%arg11 : memref<80xi32, #tpu.memory_space<vmem>>) target_semaphore(%arg19 : memref<!tpu.dma_semaphore, #tpu.memory_space<semaphore_mem>>)
    %dma_start3A_86 = arith.constant 0 : i32
    %dma_start3A_87 = tpu.memref_slice %arg3[%add3A_81, %dma_start3A_86] : memref<320000x64xi32, #tpu.memory_space<hbm>> -> memref<80x64xi32, #tpu.memory_space<hbm>>
    %dma_start3A_88 = arith.constant 0 : i32
    %dma_start3A_89 = tpu.memref_slice %arg3[%add3A_81, %dma_start3A_88] : memref<320000x64xi32, #tpu.memory_space<hbm>> -> memref<80x64xi32, #tpu.memory_space<hbm>>
    tpu.enqueue_dma source(%dma_start3A_89 : memref<80x64xi32, #tpu.memory_space<hbm>>) target(%arg15 : memref<80x64xi32, #tpu.memory_space<vmem>>) target_semaphore(%arg21 : memref<!tpu.dma_semaphore, #tpu.memory_space<semaphore_mem>>)
    %dma_wait3A = arith.constant 0 : i32
    %dma_wait3A_90 = tpu.memref_slice %arg4[%dma_wait3A] : memref<320000xi32, #tpu.memory_space<hbm>> -> memref<80xi32, #tpu.memory_space<hbm>>
    %dma_wait3A_91 = arith.constant 0 : i32
    %dma_wait3A_92 = tpu.memref_slice %arg4[%dma_wait3A_91] : memref<320000xi32, #tpu.memory_space<hbm>> -> memref<80xi32, #tpu.memory_space<hbm>>
    tpu.wait_dma2 semaphore(%arg18 : memref<!tpu.dma_semaphore, #tpu.memory_space<semaphore_mem>>) src(%dma_wait3A_92 : memref<80xi32, #tpu.memory_space<hbm>>) dst(%arg8 : memref<80xi32, #tpu.memory_space<vmem>>)
    %dma_wait3A_93 = arith.constant 0 : i32
    %dma_wait3A_94 = tpu.memref_slice %arg5[%dma_wait3A_93] : memref<320000xi32, #tpu.memory_space<hbm>> -> memref<80xi32, #tpu.memory_space<hbm>>
    %dma_wait3A_95 = arith.constant 0 : i32
    %dma_wait3A_96 = tpu.memref_slice %arg5[%dma_wait3A_95] : memref<320000xi32, #tpu.memory_space<hbm>> -> memref<80xi32, #tpu.memory_space<hbm>>
    tpu.wait_dma2 semaphore(%arg18 : memref<!tpu.dma_semaphore, #tpu.memory_space<semaphore_mem>>) src(%dma_wait3A_96 : memref<80xi32, #tpu.memory_space<hbm>>) dst(%arg10 : memref<80xi32, #tpu.memory_space<vmem>>)
    %dma_start3A_97 = arith.constant 0 : i32
    %dma_start3A_98 = arith.constant 0 : i32
    %dma_start3A_99 = tpu.memref_slice %arg2[%dma_start3A_97, %dma_start3A_98] : memref<10000x128xf32, #tpu.memory_space<hbm>> -> memref<10000x128xf32, #tpu.memory_space<hbm>>
    tpu.enqueue_indirect_dma source(%dma_start3A_99 : memref<10000x128xf32, #tpu.memory_space<hbm>>) target(%arg16 : memref<80x128xf32, #tpu.memory_space<vmem>>) offsets(%arg8 : memref<80xi32, #tpu.memory_space<vmem>>) semaphore(%arg22 : memref<!tpu.dma_semaphore, #tpu.memory_space<semaphore_mem>>)
    %scan3A_100 = arith.constant 0 : i32
    %scan3A_101 = arith.constant 0 : i32
    %scan3A_102 = arith.constant 62 : i32
    %scan3A_103 = arith.addi %scan3A_101, %scan3A_102 : i32
    %scan3A_104 = arith.constant 1 : i32
    scf.for %scan3A_199 = %scan3A_101 to %scan3A_103 step %scan3A_104  : i32 {
      %mul3A_200 = arith.constant 2 : i32
      %mul3A_201 = arith.muli %mul3A_200, %scan3A_199 : i32
      %add3A_202 = arith.constant 2 : i32
      %add3A_203 = arith.addi %mul3A_201, %add3A_202 : i32
      %rem3A = arith.constant 125 : i32
      %rem3A_204 = arith.remsi %add3A_203, %rem3A : i32
      %mul3A_205 = arith.constant 2 : i32
      %mul3A_206 = arith.muli %mul3A_205, %scan3A_199 : i32
      %add3A_207 = arith.constant 3 : i32
      %add3A_208 = arith.addi %mul3A_206, %add3A_207 : i32
      %rem3A_209 = arith.constant 125 : i32
      %rem3A_210 = arith.remsi %add3A_208, %rem3A_209 : i32
      %dma_wait3A_211 = arith.constant 0 : i32
      %dma_wait3A_212 = tpu.memref_slice %arg4[%dma_wait3A_211] : memref<320000xi32, #tpu.memory_space<hbm>> -> memref<80xi32, #tpu.memory_space<hbm>>
      %dma_wait3A_213 = arith.constant 0 : i32
      %dma_wait3A_214 = tpu.memref_slice %arg4[%dma_wait3A_213] : memref<320000xi32, #tpu.memory_space<hbm>> -> memref<80xi32, #tpu.memory_space<hbm>>
      tpu.wait_dma2 semaphore(%arg19 : memref<!tpu.dma_semaphore, #tpu.memory_space<semaphore_mem>>) src(%dma_wait3A_214 : memref<80xi32, #tpu.memory_space<hbm>>) dst(%arg9 : memref<80xi32, #tpu.memory_space<vmem>>)
      %dma_wait3A_215 = arith.constant 0 : i32
      %dma_wait3A_216 = tpu.memref_slice %arg5[%dma_wait3A_215] : memref<320000xi32, #tpu.memory_space<hbm>> -> memref<80xi32, #tpu.memory_space<hbm>>
      %dma_wait3A_217 = arith.constant 0 : i32
      %dma_wait3A_218 = tpu.memref_slice %arg5[%dma_wait3A_217] : memref<320000xi32, #tpu.memory_space<hbm>> -> memref<80xi32, #tpu.memory_space<hbm>>
      tpu.wait_dma2 semaphore(%arg19 : memref<!tpu.dma_semaphore, #tpu.memory_space<semaphore_mem>>) src(%dma_wait3A_218 : memref<80xi32, #tpu.memory_space<hbm>>) dst(%arg11 : memref<80xi32, #tpu.memory_space<vmem>>)
      %dma_wait3A_219 = arith.constant 0 : i32
      %dma_wait3A_220 = arith.constant 0 : i32
      %dma_wait3A_221 = tpu.memref_slice %arg7[%dma_wait3A_219, %dma_wait3A_220] : memref<10240x128xf32, #tpu.memory_space<vmem_shared>> -> memref<10240x128xf32, #tpu.memory_space<vmem_shared>>
      tpu.wait_indirect_dma semaphore(%arg25 : memref<!tpu.dma_semaphore, #tpu.memory_space<semaphore_mem>>) src(%arg17 : memref<80x128xf32, #tpu.memory_space<vmem>>) dst(%dma_wait3A_221 : memref<10240x128xf32, #tpu.memory_space<vmem_shared>>)
      %dma_start3A_222 = arith.constant 0 : i32
      %dma_start3A_223 = arith.constant 0 : i32
      %dma_start3A_224 = tpu.memref_slice %arg2[%dma_start3A_222, %dma_start3A_223] : memref<10000x128xf32, #tpu.memory_space<hbm>> -> memref<10000x128xf32, #tpu.memory_space<hbm>>
      tpu.enqueue_indirect_dma source(%dma_start3A_224 : memref<10000x128xf32, #tpu.memory_space<hbm>>) target(%arg17 : memref<80x128xf32, #tpu.memory_space<vmem>>) offsets(%arg9 : memref<80xi32, #tpu.memory_space<vmem>>) semaphore(%arg23 : memref<!tpu.dma_semaphore, #tpu.memory_space<semaphore_mem>>)
      %dma_wait3A_225 = arith.constant 0 : i32
      %dma_wait3A_226 = arith.constant 0 : i32
      %dma_wait3A_227 = tpu.memref_slice %arg2[%dma_wait3A_225, %dma_wait3A_226] : memref<10000x128xf32, #tpu.memory_space<hbm>> -> memref<10000x128xf32, #tpu.memory_space<hbm>>
      tpu.wait_indirect_dma semaphore(%arg22 : memref<!tpu.dma_semaphore, #tpu.memory_space<semaphore_mem>>) src(%dma_wait3A_227 : memref<10000x128xf32, #tpu.memory_space<hbm>>) dst(%arg16 : memref<80x128xf32, #tpu.memory_space<vmem>>)
      %dma_wait3A_228 = arith.constant 0 : i32
      %dma_wait3A_229 = arith.constant 0 : i32
      %dma_wait3A_230 = tpu.memref_slice %arg3[%dma_wait3A_228, %dma_wait3A_229] : memref<320000x64xi32, #tpu.memory_space<hbm>> -> memref<80x64xi32, #tpu.memory_space<hbm>>
      %dma_wait3A_231 = arith.constant 0 : i32
      %dma_wait3A_232 = arith.constant 0 : i32
      %dma_wait3A_233 = tpu.memref_slice %arg3[%dma_wait3A_231, %dma_wait3A_232] : memref<320000x64xi32, #tpu.memory_space<hbm>> -> memref<80x64xi32, #tpu.memory_space<hbm>>
      tpu.wait_dma2 semaphore(%arg20 : memref<!tpu.dma_semaphore, #tpu.memory_space<semaphore_mem>>) src(%dma_wait3A_233 : memref<80x64xi32, #tpu.memory_space<hbm>>) dst(%arg14 : memref<80x64xi32, #tpu.memory_space<vmem>>)
      %scan3A_234 = arith.constant 0 : i32
      %scan3A_235 = arith.constant 0 : i32
      %scan3A_236 = arith.constant 20 : i32
      %scan3A_237 = arith.addi %scan3A_235, %scan3A_236 : i32
      %scan3A_238 = arith.constant 1 : i32
      scf.for %scan3A_367 = %scan3A_235 to %scan3A_237 step %scan3A_238  : i32 {
        %mul3A_368 = arith.constant 4 : i32
        %mul3A_369 = arith.muli %scan3A_367, %mul3A_368 : i32
        %add3A_370 = arith.constant 0 : i32
        %add3A_371 = arith.addi %mul3A_369, %add3A_370 : i32
        %get3A_372 = arith.index_cast %add3A_371 : i32 to index
        %get3A_373 = arith.constant 0 : index
        %get3A_374 = tpu.vector_load %arg14[%get3A_372, %get3A_373] {strides = array<i32>} : memref<80x64xi32, #tpu.memory_space<vmem>>, vector<1x16xi32>,
        %get3A_375 = vector.shape_cast %get3A_374 : vector<1x16xi32> to vector<16xi32>
        %shift_left3A = arith.constant 16 : i32
        %shift_left3A_376 = vector.broadcast %shift_left3A : i32 to vector<16xi32>
        %shift_left3A_377 = arith.shli %get3A_375, %shift_left3A_376 : vector<16xi32>
        %bitcast_convert_type3A = tpu.bitcast %shift_left3A_377 : vector<16xi32> -> vector<16xf32>
        %and3A = arith.constant -65536 : i32
        %and3A_378 = vector.broadcast %and3A : i32 to vector<16xi32>
        %and3A_379 = arith.andi %get3A_375, %and3A_378 : vector<16xi32>
        %bitcast_convert_type3A_380 = tpu.bitcast %and3A_379 : vector<16xi32> -> vector<16xf32>
        %get3A_381 = arith.index_cast %add3A_371 : i32 to index
        %get3A_382 = arith.constant 0 : index
        %get3A_383 = tpu.vector_load %arg16[%get3A_381, %get3A_382] {strides = array<i32>} : memref<80x128xf32, #tpu.memory_space<vmem>>, vector<1x16xf32>,
        %get3A_384 = vector.shape_cast %get3A_383 : vector<1x16xf32> to vector<16xf32>
        %mul3A_385 = arith.mulf %get3A_384, %bitcast_convert_type3A : vector<16xf32>
        %swap3A_386 = arith.index_cast %add3A_371 : i32 to index
        %swap3A_387 = arith.constant 0 : index
        %swap3A_388 = tpu.vector_load %arg16[%swap3A_386, %swap3A_387] {strides = array<i32>} : memref<80x128xf32, #tpu.memory_space<vmem>>, vector<1x16xf32>,
        %swap3A_389 = vector.shape_cast %swap3A_388 : vector<1x16xf32> to vector<16xf32>
        %swap3A_390 = vector.shape_cast %mul3A_385 : vector<16xf32> to vector<1x16xf32>
        tpu.vector_store %arg16[%swap3A_386, %swap3A_387], %swap3A_390 {strides = array<i32>} : memref<80x128xf32, #tpu.memory_space<vmem>>, vector<1x16xf32>,
        %get3A_391 = arith.index_cast %add3A_371 : i32 to index
        %get3A_392 = arith.constant 16 : index
        %get3A_393 = tpu.vector_load %arg16[%get3A_391, %get3A_392] {strides = array<i32>} : memref<80x128xf32, #tpu.memory_space<vmem>>, vector<1x16xf32>,
        %get3A_394 = vector.shape_cast %get3A_393 : vector<1x16xf32> to vector<16xf32>
        %mul3A_395 = arith.mulf %get3A_394, %bitcast_convert_type3A_380 : vector<16xf32>
        %swap3A_396 = arith.index_cast %add3A_371 : i32 to index
        %swap3A_397 = arith.constant 16 : index
        %swap3A_398 = tpu.vector_load %arg16[%swap3A_396, %swap3A_397] {strides = array<i32>} : memref<80x128xf32, #tpu.memory_space<vmem>>, vector<1x16xf32>,
        %swap3A_399 = vector.shape_cast %swap3A_398 : vector<1x16xf32> to vector<16xf32>
        %swap3A_400 = vector.shape_cast %mul3A_395 : vector<16xf32> to vector<1x16xf32>
        tpu.vector_store %arg16[%swap3A_396, %swap3A_397], %swap3A_400 {strides = array<i32>} : memref<80x128xf32, #tpu.memory_space<vmem>>, vector<1x16xf32>,
        %get3A_401 = arith.index_cast %add3A_371 : i32 to index
        %get3A_402 = arith.constant 16 : index
        %get3A_403 = tpu.vector_load %arg14[%get3A_401, %get3A_402] {strides = array<i32>} : memref<80x64xi32, #tpu.memory_space<vmem>>, vector<1x16xi32>,
        %get3A_404 = vector.shape_cast %get3A_403 : vector<1x16xi32> to vector<16xi32>
        %shift_left3A_405 = arith.constant 16 : i32
        %shift_left3A_406 = vector.broadcast %shift_left3A_405 : i32 to vector<16xi32>
        %shift_left3A_407 = arith.shli %get3A_404, %shift_left3A_406 : vector<16xi32>
        %bitcast_convert_type3A_408 = tpu.bitcast %shift_left3A_407 : vector<16xi32> -> vector<16xf32>
        %and3A_409 = arith.constant -65536 : i32
        %and3A_410 = vector.broadcast %and3A_409 : i32 to vector<16xi32>
        %and3A_411 = arith.andi %get3A_404, %and3A_410 : vector<16xi32>
        %bitcast_convert_type3A_412 = tpu.bitcast %and3A_411 : vector<16xi32> -> vector<16xf32>
        %get3A_413 = arith.index_cast %add3A_371 : i32 to index
        %get3A_414 = arith.constant 32 : index
        %get3A_415 = tpu.vector_load %arg16[%get3A_413, %get3A_414] {strides = array<i32>} : memref<80x128xf32, #tpu.memory_space<vmem>>, vector<1x16xf32>,
        %get3A_416 = vector.shape_cast %get3A_415 : vector<1x16xf32> to vector<16xf32>
        %mul3A_417 = arith.mulf %get3A_416, %bitcast_convert_type3A_408 : vector<16xf32>
        %swap3A_418 = arith.index_cast %add3A_371 : i32 to index
        %swap3A_419 = arith.constant 32 : index
        %swap3A_420 = tpu.vector_load %arg16[%swap3A_418, %swap3A_419] {strides = array<i32>} : memref<80x128xf32, #tpu.memory_space<vmem>>, vector<1x16xf32>,
        %swap3A_421 = vector.shape_cast %swap3A_420 : vector<1x16xf32> to vector<16xf32>
        %swap3A_422 = vector.shape_cast %mul3A_417 : vector<16xf32> to vector<1x16xf32>
        tpu.vector_store %arg16[%swap3A_418, %swap3A_419], %swap3A_422 {strides = array<i32>} : memref<80x128xf32, #tpu.memory_space<vmem>>, vector<1x16xf32>,
        %get3A_423 = arith.index_cast %add3A_371 : i32 to index
        %get3A_424 = arith.constant 48 : index
        %get3A_425 = tpu.vector_load %arg16[%get3A_423, %get3A_424] {strides = array<i32>} : memref<80x128xf32, #tpu.memory_space<vmem>>, vector<1x16xf32>,
        %get3A_426 = vector.shape_cast %get3A_425 : vector<1x16xf32> to vector<16xf32>
        %mul3A_427 = arith.mulf %get3A_426, %bitcast_convert_type3A_412 : vector<16xf32>
        %swap3A_428 = arith.index_cast %add3A_371 : i32 to index
        %swap3A_429 = arith.constant 48 : index
        %swap3A_430 = tpu.vector_load %arg16[%swap3A_428, %swap3A_429] {strides = array<i32>} : memref<80x128xf32, #tpu.memory_space<vmem>>, vector<1x16xf32>,
        %swap3A_431 = vector.shape_cast %swap3A_430 : vector<1x16xf32> to vector<16xf32>
        %swap3A_432 = vector.shape_cast %mul3A_427 : vector<16xf32> to vector<1x16xf32>
        tpu.vector_store %arg16[%swap3A_428, %swap3A_429], %swap3A_432 {strides = array<i32>} : memref<80x128xf32, #tpu.memory_space<vmem>>, vector<1x16xf32>,
        %get3A_433 = arith.index_cast %add3A_371 : i32 to index
        %get3A_434 = arith.constant 32 : index
        %get3A_435 = tpu.vector_load %arg14[%get3A_433, %get3A_434] {strides = array<i32>} : memref<80x64xi32, #tpu.memory_space<vmem>>, vector<1x16xi32>,
        %get3A_436 = vector.shape_cast %get3A_435 : vector<1x16xi32> to vector<16xi32>
        %shift_left3A_437 = arith.constant 16 : i32
        %shift_left3A_438 = vector.broadcast %shift_left3A_437 : i32 to vector<16xi32>
        %shift_left3A_439 = arith.shli %get3A_436, %shift_left3A_438 : vector<16xi32>
        %bitcast_convert_type3A_440 = tpu.bitcast %shift_left3A_439 : vector<16xi32> -> vector<16xf32>
        %and3A_441 = arith.constant -65536 : i32
        %and3A_442 = vector.broadcast %and3A_441 : i32 to vector<16xi32>
        %and3A_443 = arith.andi %get3A_436, %and3A_442 : vector<16xi32>
        %bitcast_convert_type3A_444 = tpu.bitcast %and3A_443 : vector<16xi32> -> vector<16xf32>
        %get3A_445 = arith.index_cast %add3A_371 : i32 to index
        %get3A_446 = arith.constant 64 : index
        %get3A_447 = tpu.vector_load %arg16[%get3A_445, %get3A_446] {strides = array<i32>} : memref<80x128xf32, #tpu.memory_space<vmem>>, vector<1x16xf32>,
        %get3A_448 = vector.shape_cast %get3A_447 : vector<1x16xf32> to vector<16xf32>
        %mul3A_449 = arith.mulf %get3A_448, %bitcast_convert_type3A_440 : vector<16xf32>
        %swap3A_450 = arith.index_cast %add3A_371 : i32 to index
        %swap3A_451 = arith.constant 64 : index
        %swap3A_452 = tpu.vector_load %arg16[%swap3A_450, %swap3A_451] {strides = array<i32>} : memref<80x128xf32, #tpu.memory_space<vmem>>, vector<1x16xf32>,
        %swap3A_453 = vector.shape_cast %swap3A_452 : vector<1x16xf32> to vector<16xf32>
        %swap3A_454 = vector.shape_cast %mul3A_449 : vector<16xf32> to vector<1x16xf32>
        tpu.vector_store %arg16[%swap3A_450, %swap3A_451], %swap3A_454 {strides = array<i32>} : memref<80x128xf32, #tpu.memory_space<vmem>>, vector<1x16xf32>,
        %get3A_455 = arith.index_cast %add3A_371 : i32 to index
        %get3A_456 = arith.constant 80 : index
        %get3A_457 = tpu.vector_load %arg16[%get3A_455, %get3A_456] {strides = array<i32>} : memref<80x128xf32, #tpu.memory_space<vmem>>, vector<1x16xf32>,
        %get3A_458 = vector.shape_cast %get3A_457 : vector<1x16xf32> to vector<16xf32>
        %mul3A_459 = arith.mulf %get3A_458, %bitcast_convert_type3A_444 : vector<16xf32>
        %swap3A_460 = arith.index_cast %add3A_371 : i32 to index
        %swap3A_461 = arith.constant 80 : index
        %swap3A_462 = tpu.vector_load %arg16[%swap3A_460, %swap3A_461] {strides = array<i32>} : memref<80x128xf32, #tpu.memory_space<vmem>>, vector<1x16xf32>,
        %swap3A_463 = vector.shape_cast %swap3A_462 : vector<1x16xf32> to vector<16xf32>
        %swap3A_464 = vector.shape_cast %mul3A_459 : vector<16xf32> to vector<1x16xf32>
        tpu.vector_store %arg16[%swap3A_460, %swap3A_461], %swap3A_464 {strides = array<i32>} : memref<80x128xf32, #tpu.memory_space<vmem>>, vector<1x16xf32>,
        %get3A_465 = arith.index_cast %add3A_371 : i32 to index
        %get3A_466 = arith.constant 48 : index
        %get3A_467 = tpu.vector_load %arg14[%get3A_465, %get3A_466] {strides = array<i32>} : memref<80x64xi32, #tpu.memory_space<vmem>>, vector<1x16xi32>,
        %get3A_468 = vector.shape_cast %get3A_467 : vector<1x16xi32> to vector<16xi32>
        %shift_left3A_469 = arith.constant 16 : i32
        %shift_left3A_470 = vector.broadcast %shift_left3A_469 : i32 to vector<16xi32>
        %shift_left3A_471 = arith.shli %get3A_468, %shift_left3A_470 : vector<16xi32>
        %bitcast_convert_type3A_472 = tpu.bitcast %shift_left3A_471 : vector<16xi32> -> vector<16xf32>
        %and3A_473 = arith.constant -65536 : i32
        %and3A_474 = vector.broadcast %and3A_473 : i32 to vector<16xi32>
        %and3A_475 = arith.andi %get3A_468, %and3A_474 : vector<16xi32>
        %bitcast_convert_type3A_476 = tpu.bitcast %and3A_475 : vector<16xi32> -> vector<16xf32>
        %get3A_477 = arith.index_cast %add3A_371 : i32 to index
        %get3A_478 = arith.constant 96 : index
        %get3A_479 = tpu.vector_load %arg16[%get3A_477, %get3A_478] {strides = array<i32>} : memref<80x128xf32, #tpu.memory_space<vmem>>, vector<1x16xf32>,
        %get3A_480 = vector.shape_cast %get3A_479 : vector<1x16xf32> to vector<16xf32>
        %mul3A_481 = arith.mulf %get3A_480, %bitcast_convert_type3A_472 : vector<16xf32>
        %swap3A_482 = arith.index_cast %add3A_371 : i32 to index
        %swap3A_483 = arith.constant 96 : index
        %swap3A_484 = tpu.vector_load %arg16[%swap3A_482, %swap3A_483] {strides = array<i32>} : memref<80x128xf32, #tpu.memory_space<vmem>>, vector<1x16xf32>,
        %swap3A_485 = vector.shape_cast %swap3A_484 : vector<1x16xf32> to vector<16xf32>
        %swap3A_486 = vector.shape_cast %mul3A_481 : vector<16xf32> to vector<1x16xf32>
        tpu.vector_store %arg16[%swap3A_482, %swap3A_483], %swap3A_486 {strides = array<i32>} : memref<80x128xf32, #tpu.memory_space<vmem>>, vector<1x16xf32>,
        %get3A_487 = arith.index_cast %add3A_371 : i32 to index
        %get3A_488 = arith.constant 112 : index
        %get3A_489 = tpu.vector_load %arg16[%get3A_487, %get3A_488] {strides = array<i32>} : memref<80x128xf32, #tpu.memory_space<vmem>>, vector<1x16xf32>,
        %get3A_490 = vector.shape_cast %get3A_489 : vector<1x16xf32> to vector<16xf32>
        %mul3A_491 = arith.mulf %get3A_490, %bitcast_convert_type3A_476 : vector<16xf32>
        %swap3A_492 = arith.index_cast %add3A_371 : i32 to index
        %swap3A_493 = arith.constant 112 : index
        %swap3A_494 = tpu.vector_load %arg16[%swap3A_492, %swap3A_493] {strides = array<i32>} : memref<80x128xf32, #tpu.memory_space<vmem>>, vector<1x16xf32>,
        %swap3A_495 = vector.shape_cast %swap3A_494 : vector<1x16xf32> to vector<16xf32>
        %swap3A_496 = vector.shape_cast %mul3A_491 : vector<16xf32> to vector<1x16xf32>
        tpu.vector_store %arg16[%swap3A_492, %swap3A_493], %swap3A_496 {strides = array<i32>} : memref<80x128xf32, #tpu.memory_space<vmem>>, vector<1x16xf32>,
        %mul3A_497 = arith.constant 4 : i32
        %mul3A_498 = arith.muli %scan3A_367, %mul3A_497 : i32
        %add3A_499 = arith.constant 1 : i32
        %add3A_500 = arith.addi %mul3A_498, %add3A_499 : i32
        %get3A_501 = arith.index_cast %add3A_500 : i32 to index
        %get3A_502 = arith.constant 0 : index
        %get3A_503 = tpu.vector_load %arg14[%get3A_501, %get3A_502] {strides = array<i32>} : memref<80x64xi32, #tpu.memory_space<vmem>>, vector<1x16xi32>,
        %get3A_504 = vector.shape_cast %get3A_503 : vector<1x16xi32> to vector<16xi32>
        %shift_left3A_505 = arith.constant 16 : i32
        %shift_left3A_506 = vector.broadcast %shift_left3A_505 : i32 to vector<16xi32>
        %shift_left3A_507 = arith.shli %get3A_504, %shift_left3A_506 : vector<16xi32>
        %bitcast_convert_type3A_508 = tpu.bitcast %shift_left3A_507 : vector<16xi32> -> vector<16xf32>
        %and3A_509 = arith.constant -65536 : i32
        %and3A_510 = vector.broadcast %and3A_509 : i32 to vector<16xi32>
        %and3A_511 = arith.andi %get3A_504, %and3A_510 : vector<16xi32>
        %bitcast_convert_type3A_512 = tpu.bitcast %and3A_511 : vector<16xi32> -> vector<16xf32>
        %get3A_513 = arith.index_cast %add3A_500 : i32 to index
        %get3A_514 = arith.constant 0 : index
        %get3A_515 = tpu.vector_load %arg16[%get3A_513, %get3A_514] {strides = array<i32>} : memref<80x128xf32, #tpu.memory_space<vmem>>, vector<1x16xf32>,
        %get3A_516 = vector.shape_cast %get3A_515 : vector<1x16xf32> to vector<16xf32>
        %mul3A_517 = arith.mulf %get3A_516, %bitcast_convert_type3A_508 : vector<16xf32>
        %swap3A_518 = arith.index_cast %add3A_500 : i32 to index
        %swap3A_519 = arith.constant 0 : index
        %swap3A_520 = tpu.vector_load %arg16[%swap3A_518, %swap3A_519] {strides = array<i32>} : memref<80x128xf32, #tpu.memory_space<vmem>>, vector<1x16xf32>,
        %swap3A_521 = vector.shape_cast %swap3A_520 : vector<1x16xf32> to vector<16xf32>
        %swap3A_522 = vector.shape_cast %mul3A_517 : vector<16xf32> to vector<1x16xf32>
        tpu.vector_store %arg16[%swap3A_518, %swap3A_519], %swap3A_522 {strides = array<i32>} : memref<80x128xf32, #tpu.memory_space<vmem>>, vector<1x16xf32>,
        %get3A_523 = arith.index_cast %add3A_500 : i32 to index
        %get3A_524 = arith.constant 16 : index
        %get3A_525 = tpu.vector_load %arg16[%get3A_523, %get3A_524] {strides = array<i32>} : memref<80x128xf32, #tpu.memory_space<vmem>>, vector<1x16xf32>,
        %get3A_526 = vector.shape_cast %get3A_525 : vector<1x16xf32> to vector<16xf32>
        %mul3A_527 = arith.mulf %get3A_526, %bitcast_convert_type3A_512 : vector<16xf32>
        %swap3A_528 = arith.index_cast %add3A_500 : i32 to index
        %swap3A_529 = arith.constant 16 : index
        %swap3A_530 = tpu.vector_load %arg16[%swap3A_528, %swap3A_529] {strides = array<i32>} : memref<80x128xf32, #tpu.memory_space<vmem>>, vector<1x16xf32>,
        %swap3A_531 = vector.shape_cast %swap3A_530 : vector<1x16xf32> to vector<16xf32>
        %swap3A_532 = vector.shape_cast %mul3A_527 : vector<16xf32> to vector<1x16xf32>
        tpu.vector_store %arg16[%swap3A_528, %swap3A_529], %swap3A_532 {strides = array<i32>} : memref<80x128xf32, #tpu.memory_space<vmem>>, vector<1x16xf32>,
        %get3A_533 = arith.index_cast %add3A_500 : i32 to index
        %get3A_534 = arith.constant 16 : index
        %get3A_535 = tpu.vector_load %arg14[%get3A_533, %get3A_534] {strides = array<i32>} : memref<80x64xi32, #tpu.memory_space<vmem>>, vector<1x16xi32>,
        %get3A_536 = vector.shape_cast %get3A_535 : vector<1x16xi32> to vector<16xi32>
        %shift_left3A_537 = arith.constant 16 : i32
        %shift_left3A_538 = vector.broadcast %shift_left3A_537 : i32 to vector<16xi32>
        %shift_left3A_539 = arith.shli %get3A_536, %shift_left3A_538 : vector<16xi32>
        %bitcast_convert_type3A_540 = tpu.bitcast %shift_left3A_539 : vector<16xi32> -> vector<16xf32>
        %and3A_541 = arith.constant -65536 : i32
        %and3A_542 = vector.broadcast %and3A_541 : i32 to vector<16xi32>
        %and3A_543 = arith.andi %get3A_536, %and3A_542 : vector<16xi32>
        %bitcast_convert_type3A_544 = tpu.bitcast %and3A_543 : vector<16xi32> -> vector<16xf32>
        %get3A_545 = arith.index_cast %add3A_500 : i32 to index
        %get3A_546 = arith.constant 32 : index
        %get3A_547 = tpu.vector_load %arg16[%get3A_545, %get3A_546] {strides = array<i32>} : memref<80x128xf32, #tpu.memory_space<vmem>>, vector<1x16xf32>,
        %get3A_548 = vector.shape_cast %get3A_547 : vector<1x16xf32> to vector<16xf32>
        %mul3A_549 = arith.mulf %get3A_548, %bitcast_convert_type3A_540 : vector<16xf32>
        %swap3A_550 = arith.index_cast %add3A_500 : i32 to index
        %swap3A_551 = arith.constant 32 : index
        %swap3A_552 = tpu.vector_load %arg16[%swap3A_550, %swap3A_551] {strides = array<i32>} : memref<80x128xf32, #tpu.memory_space<vmem>>, vector<1x16xf32>,
        %swap3A_553 = vector.shape_cast %swap3A_552 : vector<1x16xf32> to vector<16xf32>
        %swap3A_554 = vector.shape_cast %mul3A_549 : vector<16xf32> to vector<1x16xf32>
        tpu.vector_store %arg16[%swap3A_550, %swap3A_551], %swap3A_554 {strides = array<i32>} : memref<80x128xf32, #tpu.memory_space<vmem>>, vector<1x16xf32>,
        %get3A_555 = arith.index_cast %add3A_500 : i32 to index
        %get3A_556 = arith.constant 48 : index
        %get3A_557 = tpu.vector_load %arg16[%get3A_555, %get3A_556] {strides = array<i32>} : memref<80x128xf32, #tpu.memory_space<vmem>>, vector<1x16xf32>,
        %get3A_558 = vector.shape_cast %get3A_557 : vector<1x16xf32> to vector<16xf32>
        %mul3A_559 = arith.mulf %get3A_558, %bitcast_convert_type3A_544 : vector<16xf32>
        %swap3A_560 = arith.index_cast %add3A_500 : i32 to index
        %swap3A_561 = arith.constant 48 : index
        %swap3A_562 = tpu.vector_load %arg16[%swap3A_560, %swap3A_561] {strides = array<i32>} : memref<80x128xf32, #tpu.memory_space<vmem>>, vector<1x16xf32>,
        %swap3A_563 = vector.shape_cast %swap3A_562 : vector<1x16xf32> to vector<16xf32>
        %swap3A_564 = vector.shape_cast %mul3A_559 : vector<16xf32> to vector<1x16xf32>
        tpu.vector_store %arg16[%swap3A_560, %swap3A_561], %swap3A_564 {strides = array<i32>} : memref<80x128xf32, #tpu.memory_space<vmem>>, vector<1x16xf32>,
        %get3A_565 = arith.index_cast %add3A_500 : i32 to index
        %get3A_566 = arith.constant 32 : index
        %get3A_567 = tpu.vector_load %arg14[%get3A_565, %get3A_566] {strides = array<i32>} : memref<80x64xi32, #tpu.memory_space<vmem>>, vector<1x16xi32>,
        %get3A_568 = vector.shape_cast %get3A_567 : vector<1x16xi32> to vector<16xi32>
        %shift_left3A_569 = arith.constant 16 : i32
        %shift_left3A_570 = vector.broadcast %shift_left3A_569 : i32 to vector<16xi32>
        %shift_left3A_571 = arith.shli %get3A_568, %shift_left3A_570 : vector<16xi32>
        %bitcast_convert_type3A_572 = tpu.bitcast %shift_left3A_571 : vector<16xi32> -> vector<16xf32>
        %and3A_573 = arith.constant -65536 : i32
        %and3A_574 = vector.broadcast %and3A_573 : i32 to vector<16xi32>
        %and3A_575 = arith.andi %get3A_568, %and3A_574 : vector<16xi32>
        %bitcast_convert_type3A_576 = tpu.bitcast %and3A_575 : vector<16xi32> -> vector<16xf32>
        %get3A_577 = arith.index_cast %add3A_500 : i32 to index
        %get3A_578 = arith.constant 64 : index
        %get3A_579 = tpu.vector_load %arg16[%get3A_577, %get3A_578] {strides = array<i32>} : memref<80x128xf32, #tpu.memory_space<vmem>>, vector<1x16xf32>,
        %get3A_580 = vector.shape_cast %get3A_579 : vector<1x16xf32> to vector<16xf32>
        %mul3A_581 = arith.mulf %get3A_580, %bitcast_convert_type3A_572 : vector<16xf32>
        %swap3A_582 = arith.index_cast %add3A_500 : i32 to index
        %swap3A_583 = arith.constant 64 : index
        %swap3A_584 = tpu.vector_load %arg16[%swap3A_582, %swap3A_583] {strides = array<i32>} : memref<80x128xf32, #tpu.memory_space<vmem>>, vector<1x16xf32>,
        %swap3A_585 = vector.shape_cast %swap3A_584 : vector<1x16xf32> to vector<16xf32>
        %swap3A_586 = vector.shape_cast %mul3A_581 : vector<16xf32> to vector<1x16xf32>
        tpu.vector_store %arg16[%swap3A_582, %swap3A_583], %swap3A_586 {strides = array<i32>} : memref<80x128xf32, #tpu.memory_space<vmem>>, vector<1x16xf32>,
        %get3A_587 = arith.index_cast %add3A_500 : i32 to index
        %get3A_588 = arith.constant 80 : index
        %get3A_589 = tpu.vector_load %arg16[%get3A_587, %get3A_588] {strides = array<i32>} : memref<80x128xf32, #tpu.memory_space<vmem>>, vector<1x16xf32>,
        %get3A_590 = vector.shape_cast %get3A_589 : vector<1x16xf32> to vector<16xf32>
        %mul3A_591 = arith.mulf %get3A_590, %bitcast_convert_type3A_576 : vector<16xf32>
        %swap3A_592 = arith.index_cast %add3A_500 : i32 to index
        %swap3A_593 = arith.constant 80 : index
        %swap3A_594 = tpu.vector_load %arg16[%swap3A_592, %swap3A_593] {strides = array<i32>} : memref<80x128xf32, #tpu.memory_space<vmem>>, vector<1x16xf32>,
        %swap3A_595 = vector.shape_cast %swap3A_594 : vector<1x16xf32> to vector<16xf32>
        %swap3A_596 = vector.shape_cast %mul3A_591 : vector<16xf32> to vector<1x16xf32>
        tpu.vector_store %arg16[%swap3A_592, %swap3A_593], %swap3A_596 {strides = array<i32>} : memref<80x128xf32, #tpu.memory_space<vmem>>, vector<1x16xf32>,
        %get3A_597 = arith.index_cast %add3A_500 : i32 to index
        %get3A_598 = arith.constant 48 : index
        %get3A_599 = tpu.vector_load %arg14[%get3A_597, %get3A_598] {strides = array<i32>} : memref<80x64xi32, #tpu.memory_space<vmem>>, vector<1x16xi32>,
        %get3A_600 = vector.shape_cast %get3A_599 : vector<1x16xi32> to vector<16xi32>
        %shift_left3A_601 = arith.constant 16 : i32
        %shift_left3A_602 = vector.broadcast %shift_left3A_601 : i32 to vector<16xi32>
        %shift_left3A_603 = arith.shli %get3A_600, %shift_left3A_602 : vector<16xi32>
        %bitcast_convert_type3A_604 = tpu.bitcast %shift_left3A_603 : vector<16xi32> -> vector<16xf32>
        %and3A_605 = arith.constant -65536 : i32
        %and3A_606 = vector.broadcast %and3A_605 : i32 to vector<16xi32>
        %and3A_607 = arith.andi %get3A_600, %and3A_606 : vector<16xi32>
        %bitcast_convert_type3A_608 = tpu.bitcast %and3A_607 : vector<16xi32> -> vector<16xf32>
        %get3A_609 = arith.index_cast %add3A_500 : i32 to index
        %get3A_610 = arith.constant 96 : index
        %get3A_611 = tpu.vector_load %arg16[%get3A_609, %get3A_610] {strides = array<i32>} : memref<80x128xf32, #tpu.memory_space<vmem>>, vector<1x16xf32>,
        %get3A_612 = vector.shape_cast %get3A_611 : vector<1x16xf32> to vector<16xf32>
        %mul3A_613 = arith.mulf %get3A_612, %bitcast_convert_type3A_604 : vector<16xf32>
        %swap3A_614 = arith.index_cast %add3A_500 : i32 to index
        %swap3A_615 = arith.constant 96 : index
        %swap3A_616 = tpu.vector_load %arg16[%swap3A_614, %swap3A_615] {strides = array<i32>} : memref<80x128xf32, #tpu.memory_space<vmem>>, vector<1x16xf32>,
        %swap3A_617 = vector.shape_cast %swap3A_616 : vector<1x16xf32> to vector<16xf32>
        %swap3A_618 = vector.shape_cast %mul3A_613 : vector<16xf32> to vector<1x16xf32>
        tpu.vector_store %arg16[%swap3A_614, %swap3A_615], %swap3A_618 {strides = array<i32>} : memref<80x128xf32, #tpu.memory_space<vmem>>, vector<1x16xf32>,
        %get3A_619 = arith.index_cast %add3A_500 : i32 to index
        %get3A_620 = arith.constant 112 : index
        %get3A_621 = tpu.vector_load %arg16[%get3A_619, %get3A_620] {strides = array<i32>} : memref<80x128xf32, #tpu.memory_space<vmem>>, vector<1x16xf32>,
        %get3A_622 = vector.shape_cast %get3A_621 : vector<1x16xf32> to vector<16xf32>
        %mul3A_623 = arith.mulf %get3A_622, %bitcast_convert_type3A_608 : vector<16xf32>
        %swap3A_624 = arith.index_cast %add3A_500 : i32 to index
        %swap3A_625 = arith.constant 112 : index
        %swap3A_626 = tpu.vector_load %arg16[%swap3A_624, %swap3A_625] {strides = array<i32>} : memref<80x128xf32, #tpu.memory_space<vmem>>, vector<1x16xf32>,
        %swap3A_627 = vector.shape_cast %swap3A_626 : vector<1x16xf32> to vector<16xf32>
        %swap3A_628 = vector.shape_cast %mul3A_623 : vector<16xf32> to vector<1x16xf32>
        tpu.vector_store %arg16[%swap3A_624, %swap3A_625], %swap3A_628 {strides = array<i32>} : memref<80x128xf32, #tpu.memory_space<vmem>>, vector<1x16xf32>,
        %mul3A_629 = arith.constant 4 : i32
        %mul3A_630 = arith.muli %scan3A_367, %mul3A_629 : i32
        %add3A_631 = arith.constant 2 : i32
        %add3A_632 = arith.addi %mul3A_630, %add3A_631 : i32
        %get3A_633 = arith.index_cast %add3A_632 : i32 to index
        %get3A_634 = arith.constant 0 : index
        %get3A_635 = tpu.vector_load %arg14[%get3A_633, %get3A_634] {strides = array<i32>} : memref<80x64xi32, #tpu.memory_space<vmem>>, vector<1x16xi32>,
        %get3A_636 = vector.shape_cast %get3A_635 : vector<1x16xi32> to vector<16xi32>
        %shift_left3A_637 = arith.constant 16 : i32
        %shift_left3A_638 = vector.broadcast %shift_left3A_637 : i32 to vector<16xi32>
        %shift_left3A_639 = arith.shli %get3A_636, %shift_left3A_638 : vector<16xi32>
        %bitcast_convert_type3A_640 = tpu.bitcast %shift_left3A_639 : vector<16xi32> -> vector<16xf32>
        %and3A_641 = arith.constant -65536 : i32
        %and3A_642 = vector.broadcast %and3A_641 : i32 to vector<16xi32>
        %and3A_643 = arith.andi %get3A_636, %and3A_642 : vector<16xi32>
        %bitcast_convert_type3A_644 = tpu.bitcast %and3A_643 : vector<16xi32> -> vector<16xf32>
        %get3A_645 = arith.index_cast %add3A_632 : i32 to index
        %get3A_646 = arith.constant 0 : index
        %get3A_647 = tpu.vector_load %arg16[%get3A_645, %get3A_646] {strides = array<i32>} : memref<80x128xf32, #tpu.memory_space<vmem>>, vector<1x16xf32>,
        %get3A_648 = vector.shape_cast %get3A_647 : vector<1x16xf32> to vector<16xf32>
        %mul3A_649 = arith.mulf %get3A_648, %bitcast_convert_type3A_640 : vector<16xf32>
        %swap3A_650 = arith.index_cast %add3A_632 : i32 to index
        %swap3A_651 = arith.constant 0 : index
        %swap3A_652 = tpu.vector_load %arg16[%swap3A_650, %swap3A_651] {strides = array<i32>} : memref<80x128xf32, #tpu.memory_space<vmem>>, vector<1x16xf32>,
        %swap3A_653 = vector.shape_cast %swap3A_652 : vector<1x16xf32> to vector<16xf32>
        %swap3A_654 = vector.shape_cast %mul3A_649 : vector<16xf32> to vector<1x16xf32>
        tpu.vector_store %arg16[%swap3A_650, %swap3A_651], %swap3A_654 {strides = array<i32>} : memref<80x128xf32, #tpu.memory_space<vmem>>, vector<1x16xf32>,
        %get3A_655 = arith.index_cast %add3A_632 : i32 to index
        %get3A_656 = arith.constant 16 : index
        %get3A_657 = tpu.vector_load %arg16[%get3A_655, %get3A_656] {strides = array<i32>} : memref<80x128xf32, #tpu.memory_space<vmem>>, vector<1x16xf32>,
        %get3A_658 = vector.shape_cast %get3A_657 : vector<1x16xf32> to vector<16xf32>
        %mul3A_659 = arith.mulf %get3A_658, %bitcast_convert_type3A_644 : vector<16xf32>
        %swap3A_660 = arith.index_cast %add3A_632 : i32 to index
        %swap3A_661 = arith.constant 16 : index
        %swap3A_662 = tpu.vector_load %arg16[%swap3A_660, %swap3A_661] {strides = array<i32>} : memref<80x128xf32, #tpu.memory_space<vmem>>, vector<1x16xf32>,
        %swap3A_663 = vector.shape_cast %swap3A_662 : vector<1x16xf32> to vector<16xf32>
        %swap3A_664 = vector.shape_cast %mul3A_659 : vector<16xf32> to vector<1x16xf32>
        tpu.vector_store %arg16[%swap3A_660, %swap3A_661], %swap3A_664 {strides = array<i32>} : memref<80x128xf32, #tpu.memory_space<vmem>>, vector<1x16xf32>,
        %get3A_665 = arith.index_cast %add3A_632 : i32 to index
        %get3A_666 = arith.constant 16 : index
        %get3A_667 = tpu.vector_load %arg14[%get3A_665, %get3A_666] {strides = array<i32>} : memref<80x64xi32, #tpu.memory_space<vmem>>, vector<1x16xi32>,
        %get3A_668 = vector.shape_cast %get3A_667 : vector<1x16xi32> to vector<16xi32>
        %shift_left3A_669 = arith.constant 16 : i32
        %shift_left3A_670 = vector.broadcast %shift_left3A_669 : i32 to vector<16xi32>
        %shift_left3A_671 = arith.shli %get3A_668, %shift_left3A_670 : vector<16xi32>
        %bitcast_convert_type3A_672 = tpu.bitcast %shift_left3A_671 : vector<16xi32> -> vector<16xf32>
        %and3A_673 = arith.constant -65536 : i32
        %and3A_674 = vector.broadcast %and3A_673 : i32 to vector<16xi32>
        %and3A_675 = arith.andi %get3A_668, %and3A_674 : vector<16xi32>
        %bitcast_convert_type3A_676 = tpu.bitcast %and3A_675 : vector<16xi32> -> vector<16xf32>
        %get3A_677 = arith.index_cast %add3A_632 : i32 to index
        %get3A_678 = arith.constant 32 : index
        %get3A_679 = tpu.vector_load %arg16[%get3A_677, %get3A_678] {strides = array<i32>} : memref<80x128xf32, #tpu.memory_space<vmem>>, vector<1x16xf32>,
        %get3A_680 = vector.shape_cast %get3A_679 : vector<1x16xf32> to vector<16xf32>
        %mul3A_681 = arith.mulf %get3A_680, %bitcast_convert_type3A_672 : vector<16xf32>
        %swap3A_682 = arith.index_cast %add3A_632 : i32 to index
        %swap3A_683 = arith.constant 32 : index
        %swap3A_684 = tpu.vector_load %arg16[%swap3A_682, %swap3A_683] {strides = array<i32>} : memref<80x128xf32, #tpu.memory_space<vmem>>, vector<1x16xf32>,
        %swap3A_685 = vector.shape_cast %swap3A_684 : vector<1x16xf32> to vector<16xf32>
        %swap3A_686 = vector.shape_cast %mul3A_681 : vector<16xf32> to vector<1x16xf32>
        tpu.vector_store %arg16[%swap3A_682, %swap3A_683], %swap3A_686 {strides = array<i32>} : memref<80x128xf32, #tpu.memory_space<vmem>>, vector<1x16xf32>,
        %get3A_687 = arith.index_cast %add3A_632 : i32 to index
        %get3A_688 = arith.constant 48 : index
        %get3A_689 = tpu.vector_load %arg16[%get3A_687, %get3A_688] {strides = array<i32>} : memref<80x128xf32, #tpu.memory_space<vmem>>, vector<1x16xf32>,
        %get3A_690 = vector.shape_cast %get3A_689 : vector<1x16xf32> to vector<16xf32>
        %mul3A_691 = arith.mulf %get3A_690, %bitcast_convert_type3A_676 : vector<16xf32>
        %swap3A_692 = arith.index_cast %add3A_632 : i32 to index
        %swap3A_693 = arith.constant 48 : index
        %swap3A_694 = tpu.vector_load %arg16[%swap3A_692, %swap3A_693] {strides = array<i32>} : memref<80x128xf32, #tpu.memory_space<vmem>>, vector<1x16xf32>,
        %swap3A_695 = vector.shape_cast %swap3A_694 : vector<1x16xf32> to vector<16xf32>
        %swap3A_696 = vector.shape_cast %mul3A_691 : vector<16xf32> to vector<1x16xf32>
        tpu.vector_store %arg16[%swap3A_692, %swap3A_693], %swap3A_696 {strides = array<i32>} : memref<80x128xf32, #tpu.memory_space<vmem>>, vector<1x16xf32>,
        %get3A_697 = arith.index_cast %add3A_632 : i32 to index
        %get3A_698 = arith.constant 32 : index
        %get3A_699 = tpu.vector_load %arg14[%get3A_697, %get3A_698] {strides = array<i32>} : memref<80x64xi32, #tpu.memory_space<vmem>>, vector<1x16xi32>,
        %get3A_700 = vector.shape_cast %get3A_699 : vector<1x16xi32> to vector<16xi32>
        %shift_left3A_701 = arith.constant 16 : i32
        %shift_left3A_702 = vector.broadcast %shift_left3A_701 : i32 to vector<16xi32>
        %shift_left3A_703 = arith.shli %get3A_700, %shift_left3A_702 : vector<16xi32>
        %bitcast_convert_type3A_704 = tpu.bitcast %shift_left3A_703 : vector<16xi32> -> vector<16xf32>
        %and3A_705 = arith.constant -65536 : i32
        %and3A_706 = vector.broadcast %and3A_705 : i32 to vector<16xi32>
        %and3A_707 = arith.andi %get3A_700, %and3A_706 : vector<16xi32>
        %bitcast_convert_type3A_708 = tpu.bitcast %and3A_707 : vector<16xi32> -> vector<16xf32>
        %get3A_709 = arith.index_cast %add3A_632 : i32 to index
        %get3A_710 = arith.constant 64 : index
        %get3A_711 = tpu.vector_load %arg16[%get3A_709, %get3A_710] {strides = array<i32>} : memref<80x128xf32, #tpu.memory_space<vmem>>, vector<1x16xf32>,
        %get3A_712 = vector.shape_cast %get3A_711 : vector<1x16xf32> to vector<16xf32>
        %mul3A_713 = arith.mulf %get3A_712, %bitcast_convert_type3A_704 : vector<16xf32>
        %swap3A_714 = arith.index_cast %add3A_632 : i32 to index
        %swap3A_715 = arith.constant 64 : index
        %swap3A_716 = tpu.vector_load %arg16[%swap3A_714, %swap3A_715] {strides = array<i32>} : memref<80x128xf32, #tpu.memory_space<vmem>>, vector<1x16xf32>,
        %swap3A_717 = vector.shape_cast %swap3A_716 : vector<1x16xf32> to vector<16xf32>
        %swap3A_718 = vector.shape_cast %mul3A_713 : vector<16xf32> to vector<1x16xf32>
        tpu.vector_store %arg16[%swap3A_714, %swap3A_715], %swap3A_718 {strides = array<i32>} : memref<80x128xf32, #tpu.memory_space<vmem>>, vector<1x16xf32>,
        %get3A_719 = arith.index_cast %add3A_632 : i32 to index
        %get3A_720 = arith.constant 80 : index
        %get3A_721 = tpu.vector_load %arg16[%get3A_719, %get3A_720] {strides = array<i32>} : memref<80x128xf32, #tpu.memory_space<vmem>>, vector<1x16xf32>,
        %get3A_722 = vector.shape_cast %get3A_721 : vector<1x16xf32> to vector<16xf32>
        %mul3A_723 = arith.mulf %get3A_722, %bitcast_convert_type3A_708 : vector<16xf32>
        %swap3A_724 = arith.index_cast %add3A_632 : i32 to index
        %swap3A_725 = arith.constant 80 : index
        %swap3A_726 = tpu.vector_load %arg16[%swap3A_724, %swap3A_725] {strides = array<i32>} : memref<80x128xf32, #tpu.memory_space<vmem>>, vector<1x16xf32>,
        %swap3A_727 = vector.shape_cast %swap3A_726 : vector<1x16xf32> to vector<16xf32>
        %swap3A_728 = vector.shape_cast %mul3A_723 : vector<16xf32> to vector<1x16xf32>
        tpu.vector_store %arg16[%swap3A_724, %swap3A_725], %swap3A_728 {strides = array<i32>} : memref<80x128xf32, #tpu.memory_space<vmem>>, vector<1x16xf32>,
        %get3A_729 = arith.index_cast %add3A_632 : i32 to index
        %get3A_730 = arith.constant 48 : index
        %get3A_731 = tpu.vector_load %arg14[%get3A_729, %get3A_730] {strides = array<i32>} : memref<80x64xi32, #tpu.memory_space<vmem>>, vector<1x16xi32>,
        %get3A_732 = vector.shape_cast %get3A_731 : vector<1x16xi32> to vector<16xi32>
        %shift_left3A_733 = arith.constant 16 : i32
        %shift_left3A_734 = vector.broadcast %shift_left3A_733 : i32 to vector<16xi32>
        %shift_left3A_735 = arith.shli %get3A_732, %shift_left3A_734 : vector<16xi32>
        %bitcast_convert_type3A_736 = tpu.bitcast %shift_left3A_735 : vector<16xi32> -> vector<16xf32>
        %and3A_737 = arith.constant -65536 : i32
        %and3A_738 = vector.broadcast %and3A_737 : i32 to vector<16xi32>
        %and3A_739 = arith.andi %get3A_732, %and3A_738 : vector<16xi32>
        %bitcast_convert_type3A_740 = tpu.bitcast %and3A_739 : vector<16xi32> -> vector<16xf32>
        %get3A_741 = arith.index_cast %add3A_632 : i32 to index
        %get3A_742 = arith.constant 96 : index
        %get3A_743 = tpu.vector_load %arg16[%get3A_741, %get3A_742] {strides = array<i32>} : memref<80x128xf32, #tpu.memory_space<vmem>>, vector<1x16xf32>,
        %get3A_744 = vector.shape_cast %get3A_743 : vector<1x16xf32> to vector<16xf32>
        %mul3A_745 = arith.mulf %get3A_744, %bitcast_convert_type3A_736 : vector<16xf32>
        %swap3A_746 = arith.index_cast %add3A_632 : i32 to index
        %swap3A_747 = arith.constant 96 : index
        %swap3A_748 = tpu.vector_load %arg16[%swap3A_746, %swap3A_747] {strides = array<i32>} : memref<80x128xf32, #tpu.memory_space<vmem>>, vector<1x16xf32>,
        %swap3A_749 = vector.shape_cast %swap3A_748 : vector<1x16xf32> to vector<16xf32>
        %swap3A_750 = vector.shape_cast %mul3A_745 : vector<16xf32> to vector<1x16xf32>
        tpu.vector_store %arg16[%swap3A_746, %swap3A_747], %swap3A_750 {strides = array<i32>} : memref<80x128xf32, #tpu.memory_space<vmem>>, vector<1x16xf32>,
        %get3A_751 = arith.index_cast %add3A_632 : i32 to index
        %get3A_752 = arith.constant 112 : index
        %get3A_753 = tpu.vector_load %arg16[%get3A_751, %get3A_752] {strides = array<i32>} : memref<80x128xf32, #tpu.memory_space<vmem>>, vector<1x16xf32>,
        %get3A_754 = vector.shape_cast %get3A_753 : vector<1x16xf32> to vector<16xf32>
        %mul3A_755 = arith.mulf %get3A_754, %bitcast_convert_type3A_740 : vector<16xf32>
        %swap3A_756 = arith.index_cast %add3A_632 : i32 to index
        %swap3A_757 = arith.constant 112 : index
        %swap3A_758 = tpu.vector_load %arg16[%swap3A_756, %swap3A_757] {strides = array<i32>} : memref<80x128xf32, #tpu.memory_space<vmem>>, vector<1x16xf32>,
        %swap3A_759 = vector.shape_cast %swap3A_758 : vector<1x16xf32> to vector<16xf32>
        %swap3A_760 = vector.shape_cast %mul3A_755 : vector<16xf32> to vector<1x16xf32>
        tpu.vector_store %arg16[%swap3A_756, %swap3A_757], %swap3A_760 {strides = array<i32>} : memref<80x128xf32, #tpu.memory_space<vmem>>, vector<1x16xf32>,
        %mul3A_761 = arith.constant 4 : i32
        %mul3A_762 = arith.muli %scan3A_367, %mul3A_761 : i32
        %add3A_763 = arith.constant 3 : i32
        %add3A_764 = arith.addi %mul3A_762, %add3A_763 : i32
        %get3A_765 = arith.index_cast %add3A_764 : i32 to index
        %get3A_766 = arith.constant 0 : index
        %get3A_767 = tpu.vector_load %arg14[%get3A_765, %get3A_766] {strides = array<i32>} : memref<80x64xi32, #tpu.memory_space<vmem>>, vector<1x16xi32>,
        %get3A_768 = vector.shape_cast %get3A_767 : vector<1x16xi32> to vector<16xi32>
        %shift_left3A_769 = arith.constant 16 : i32
        %shift_left3A_770 = vector.broadcast %shift_left3A_769 : i32 to vector<16xi32>
        %shift_left3A_771 = arith.shli %get3A_768, %shift_left3A_770 : vector<16xi32>
        %bitcast_convert_type3A_772 = tpu.bitcast %shift_left3A_771 : vector<16xi32> -> vector<16xf32>
        %and3A_773 = arith.constant -65536 : i32
        %and3A_774 = vector.broadcast %and3A_773 : i32 to vector<16xi32>
        %and3A_775 = arith.andi %get3A_768, %and3A_774 : vector<16xi32>
        %bitcast_convert_type3A_776 = tpu.bitcast %and3A_775 : vector<16xi32> -> vector<16xf32>
        %get3A_777 = arith.index_cast %add3A_764 : i32 to index
        %get3A_778 = arith.constant 0 : index
        %get3A_779 = tpu.vector_load %arg16[%get3A_777, %get3A_778] {strides = array<i32>} : memref<80x128xf32, #tpu.memory_space<vmem>>, vector<1x16xf32>,
        %get3A_780 = vector.shape_cast %get3A_779 : vector<1x16xf32> to vector<16xf32>
        %mul3A_781 = arith.mulf %get3A_780, %bitcast_convert_type3A_772 : vector<16xf32>
        %swap3A_782 = arith.index_cast %add3A_764 : i32 to index
        %swap3A_783 = arith.constant 0 : index
        %swap3A_784 = tpu.vector_load %arg16[%swap3A_782, %swap3A_783] {strides = array<i32>} : memref<80x128xf32, #tpu.memory_space<vmem>>, vector<1x16xf32>,
        %swap3A_785 = vector.shape_cast %swap3A_784 : vector<1x16xf32> to vector<16xf32>
        %swap3A_786 = vector.shape_cast %mul3A_781 : vector<16xf32> to vector<1x16xf32>
        tpu.vector_store %arg16[%swap3A_782, %swap3A_783], %swap3A_786 {strides = array<i32>} : memref<80x128xf32, #tpu.memory_space<vmem>>, vector<1x16xf32>,
        %get3A_787 = arith.index_cast %add3A_764 : i32 to index
        %get3A_788 = arith.constant 16 : index
        %get3A_789 = tpu.vector_load %arg16[%get3A_787, %get3A_788] {strides = array<i32>} : memref<80x128xf32, #tpu.memory_space<vmem>>, vector<1x16xf32>,
        %get3A_790 = vector.shape_cast %get3A_789 : vector<1x16xf32> to vector<16xf32>
        %mul3A_791 = arith.mulf %get3A_790, %bitcast_convert_type3A_776 : vector<16xf32>
        %swap3A_792 = arith.index_cast %add3A_764 : i32 to index
        %swap3A_793 = arith.constant 16 : index
        %swap3A_794 = tpu.vector_load %arg16[%swap3A_792, %swap3A_793] {strides = array<i32>} : memref<80x128xf32, #tpu.memory_space<vmem>>, vector<1x16xf32>,
        %swap3A_795 = vector.shape_cast %swap3A_794 : vector<1x16xf32> to vector<16xf32>
        %swap3A_796 = vector.shape_cast %mul3A_791 : vector<16xf32> to vector<1x16xf32>
        tpu.vector_store %arg16[%swap3A_792, %swap3A_793], %swap3A_796 {strides = array<i32>} : memref<80x128xf32, #tpu.memory_space<vmem>>, vector<1x16xf32>,
        %get3A_797 = arith.index_cast %add3A_764 : i32 to index
        %get3A_798 = arith.constant 16 : index
        %get3A_799 = tpu.vector_load %arg14[%get3A_797, %get3A_798] {strides = array<i32>} : memref<80x64xi32, #tpu.memory_space<vmem>>, vector<1x16xi32>,
        %get3A_800 = vector.shape_cast %get3A_799 : vector<1x16xi32> to vector<16xi32>
        %shift_left3A_801 = arith.constant 16 : i32
        %shift_left3A_802 = vector.broadcast %shift_left3A_801 : i32 to vector<16xi32>
        %shift_left3A_803 = arith.shli %get3A_800, %shift_left3A_802 : vector<16xi32>
        %bitcast_convert_type3A_804 = tpu.bitcast %shift_left3A_803 : vector<16xi32> -> vector<16xf32>
        %and3A_805 = arith.constant -65536 : i32
        %and3A_806 = vector.broadcast %and3A_805 : i32 to vector<16xi32>
        %and3A_807 = arith.andi %get3A_800, %and3A_806 : vector<16xi32>
        %bitcast_convert_type3A_808 = tpu.bitcast %and3A_807 : vector<16xi32> -> vector<16xf32>
        %get3A_809 = arith.index_cast %add3A_764 : i32 to index
        %get3A_810 = arith.constant 32 : index
        %get3A_811 = tpu.vector_load %arg16[%get3A_809, %get3A_810] {strides = array<i32>} : memref<80x128xf32, #tpu.memory_space<vmem>>, vector<1x16xf32>,
        %get3A_812 = vector.shape_cast %get3A_811 : vector<1x16xf32> to vector<16xf32>
        %mul3A_813 = arith.mulf %get3A_812, %bitcast_convert_type3A_804 : vector<16xf32>
        %swap3A_814 = arith.index_cast %add3A_764 : i32 to index
        %swap3A_815 = arith.constant 32 : index
        %swap3A_816 = tpu.vector_load %arg16[%swap3A_814, %swap3A_815] {strides = array<i32>} : memref<80x128xf32, #tpu.memory_space<vmem>>, vector<1x16xf32>,
        %swap3A_817 = vector.shape_cast %swap3A_816 : vector<1x16xf32> to vector<16xf32>
        %swap3A_818 = vector.shape_cast %mul3A_813 : vector<16xf32> to vector<1x16xf32>
        tpu.vector_store %arg16[%swap3A_814, %swap3A_815], %swap3A_818 {strides = array<i32>} : memref<80x128xf32, #tpu.memory_space<vmem>>, vector<1x16xf32>,
        %get3A_819 = arith.index_cast %add3A_764 : i32 to index
        %get3A_820 = arith.constant 48 : index
        %get3A_821 = tpu.vector_load %arg16[%get3A_819, %get3A_820] {strides = array<i32>} : memref<80x128xf32, #tpu.memory_space<vmem>>, vector<1x16xf32>,
        %get3A_822 = vector.shape_cast %get3A_821 : vector<1x16xf32> to vector<16xf32>
        %mul3A_823 = arith.mulf %get3A_822, %bitcast_convert_type3A_808 : vector<16xf32>
        %swap3A_824 = arith.index_cast %add3A_764 : i32 to index
        %swap3A_825 = arith.constant 48 : index
        %swap3A_826 = tpu.vector_load %arg16[%swap3A_824, %swap3A_825] {strides = array<i32>} : memref<80x128xf32, #tpu.memory_space<vmem>>, vector<1x16xf32>,
        %swap3A_827 = vector.shape_cast %swap3A_826 : vector<1x16xf32> to vector<16xf32>
        %swap3A_828 = vector.shape_cast %mul3A_823 : vector<16xf32> to vector<1x16xf32>
        tpu.vector_store %arg16[%swap3A_824, %swap3A_825], %swap3A_828 {strides = array<i32>} : memref<80x128xf32, #tpu.memory_space<vmem>>, vector<1x16xf32>,
        %get3A_829 = arith.index_cast %add3A_764 : i32 to index
        %get3A_830 = arith.constant 32 : index
        %get3A_831 = tpu.vector_load %arg14[%get3A_829, %get3A_830] {strides = array<i32>} : memref<80x64xi32, #tpu.memory_space<vmem>>, vector<1x16xi32>,
        %get3A_832 = vector.shape_cast %get3A_831 : vector<1x16xi32> to vector<16xi32>
        %shift_left3A_833 = arith.constant 16 : i32
        %shift_left3A_834 = vector.broadcast %shift_left3A_833 : i32 to vector<16xi32>
        %shift_left3A_835 = arith.shli %get3A_832, %shift_left3A_834 : vector<16xi32>
        %bitcast_convert_type3A_836 = tpu.bitcast %shift_left3A_835 : vector<16xi32> -> vector<16xf32>
        %and3A_837 = arith.constant -65536 : i32
        %and3A_838 = vector.broadcast %and3A_837 : i32 to vector<16xi32>
        %and3A_839 = arith.andi %get3A_832, %and3A_838 : vector<16xi32>
        %bitcast_convert_type3A_840 = tpu.bitcast %and3A_839 : vector<16xi32> -> vector<16xf32>
        %get3A_841 = arith.index_cast %add3A_764 : i32 to index
        %get3A_842 = arith.constant 64 : index
        %get3A_843 = tpu.vector_load %arg16[%get3A_841, %get3A_842] {strides = array<i32>} : memref<80x128xf32, #tpu.memory_space<vmem>>, vector<1x16xf32>,
        %get3A_844 = vector.shape_cast %get3A_843 : vector<1x16xf32> to vector<16xf32>
        %mul3A_845 = arith.mulf %get3A_844, %bitcast_convert_type3A_836 : vector<16xf32>
        %swap3A_846 = arith.index_cast %add3A_764 : i32 to index
        %swap3A_847 = arith.constant 64 : index
        %swap3A_848 = tpu.vector_load %arg16[%swap3A_846, %swap3A_847] {strides = array<i32>} : memref<80x128xf32, #tpu.memory_space<vmem>>, vector<1x16xf32>,
        %swap3A_849 = vector.shape_cast %swap3A_848 : vector<1x16xf32> to vector<16xf32>
        %swap3A_850 = vector.shape_cast %mul3A_845 : vector<16xf32> to vector<1x16xf32>
        tpu.vector_store %arg16[%swap3A_846, %swap3A_847], %swap3A_850 {strides = array<i32>} : memref<80x128xf32, #tpu.memory_space<vmem>>, vector<1x16xf32>,
        %get3A_851 = arith.index_cast %add3A_764 : i32 to index
        %get3A_852 = arith.constant 80 : index
        %get3A_853 = tpu.vector_load %arg16[%get3A_851, %get3A_852] {strides = array<i32>} : memref<80x128xf32, #tpu.memory_space<vmem>>, vector<1x16xf32>,
        %get3A_854 = vector.shape_cast %get3A_853 : vector<1x16xf32> to vector<16xf32>
        %mul3A_855 = arith.mulf %get3A_854, %bitcast_convert_type3A_840 : vector<16xf32>
        %swap3A_856 = arith.index_cast %add3A_764 : i32 to index
        %swap3A_857 = arith.constant 80 : index
        %swap3A_858 = tpu.vector_load %arg16[%swap3A_856, %swap3A_857] {strides = array<i32>} : memref<80x128xf32, #tpu.memory_space<vmem>>, vector<1x16xf32>,
        %swap3A_859 = vector.shape_cast %swap3A_858 : vector<1x16xf32> to vector<16xf32>
        %swap3A_860 = vector.shape_cast %mul3A_855 : vector<16xf32> to vector<1x16xf32>
        tpu.vector_store %arg16[%swap3A_856, %swap3A_857], %swap3A_860 {strides = array<i32>} : memref<80x128xf32, #tpu.memory_space<vmem>>, vector<1x16xf32>,
        %get3A_861 = arith.index_cast %add3A_764 : i32 to index
        %get3A_862 = arith.constant 48 : index
        %get3A_863 = tpu.vector_load %arg14[%get3A_861, %get3A_862] {strides = array<i32>} : memref<80x64xi32, #tpu.memory_space<vmem>>, vector<1x16xi32>,
        %get3A_864 = vector.shape_cast %get3A_863 : vector<1x16xi32> to vector<16xi32>
        %shift_left3A_865 = arith.constant 16 : i32
        %shift_left3A_866 = vector.broadcast %shift_left3A_865 : i32 to vector<16xi32>
        %shift_left3A_867 = arith.shli %get3A_864, %shift_left3A_866 : vector<16xi32>
        %bitcast_convert_type3A_868 = tpu.bitcast %shift_left3A_867 : vector<16xi32> -> vector<16xf32>
        %and3A_869 = arith.constant -65536 : i32
        %and3A_870 = vector.broadcast %and3A_869 : i32 to vector<16xi32>
        %and3A_871 = arith.andi %get3A_864, %and3A_870 : vector<16xi32>
        %bitcast_convert_type3A_872 = tpu.bitcast %and3A_871 : vector<16xi32> -> vector<16xf32>
        %get3A_873 = arith.index_cast %add3A_764 : i32 to index
        %get3A_874 = arith.constant 96 : index
        %get3A_875 = tpu.vector_load %arg16[%get3A_873, %get3A_874] {strides = array<i32>} : memref<80x128xf32, #tpu.memory_space<vmem>>, vector<1x16xf32>,
        %get3A_876 = vector.shape_cast %get3A_875 : vector<1x16xf32> to vector<16xf32>
        %mul3A_877 = arith.mulf %get3A_876, %bitcast_convert_type3A_868 : vector<16xf32>
        %swap3A_878 = arith.index_cast %add3A_764 : i32 to index
        %swap3A_879 = arith.constant 96 : index
        %swap3A_880 = tpu.vector_load %arg16[%swap3A_878, %swap3A_879] {strides = array<i32>} : memref<80x128xf32, #tpu.memory_space<vmem>>, vector<1x16xf32>,
        %swap3A_881 = vector.shape_cast %swap3A_880 : vector<1x16xf32> to vector<16xf32>
        %swap3A_882 = vector.shape_cast %mul3A_877 : vector<16xf32> to vector<1x16xf32>
        tpu.vector_store %arg16[%swap3A_878, %swap3A_879], %swap3A_882 {strides = array<i32>} : memref<80x128xf32, #tpu.memory_space<vmem>>, vector<1x16xf32>,
        %get3A_883 = arith.index_cast %add3A_764 : i32 to index
        %get3A_884 = arith.constant 112 : index
        %get3A_885 = tpu.vector_load %arg16[%get3A_883, %get3A_884] {strides = array<i32>} : memref<80x128xf32, #tpu.memory_space<vmem>>, vector<1x16xf32>,
        %get3A_886 = vector.shape_cast %get3A_885 : vector<1x16xf32> to vector<16xf32>
        %mul3A_887 = arith.mulf %get3A_886, %bitcast_convert_type3A_872 : vector<16xf32>
        %swap3A_888 = arith.index_cast %add3A_764 : i32 to index
        %swap3A_889 = arith.constant 112 : index
        %swap3A_890 = tpu.vector_load %arg16[%swap3A_888, %swap3A_889] {strides = array<i32>} : memref<80x128xf32, #tpu.memory_space<vmem>>, vector<1x16xf32>,
        %swap3A_891 = vector.shape_cast %swap3A_890 : vector<1x16xf32> to vector<16xf32>
        %swap3A_892 = vector.shape_cast %mul3A_887 : vector<16xf32> to vector<1x16xf32>
        tpu.vector_store %arg16[%swap3A_888, %swap3A_889], %swap3A_892 {strides = array<i32>} : memref<80x128xf32, #tpu.memory_space<vmem>>, vector<1x16xf32>,
      }
      %scan3A_239 = arith.constant 20 : i32
      %get3A_240 = arith.constant 0 : index
      %get3A_241 = tpu.vector_load %arg10[%get3A_240] {strides = array<i32>} : memref<80xi32, #tpu.memory_space<vmem>>, vector<16xi32>,
      %get3A_242 = vector.shape_cast %get3A_241 : vector<16xi32> to vector<16xi32>
      %swap3A_243 = arith.constant 0 : index
      %swap3A_244 = tpu.vector_load %arg12[%swap3A_243] {strides = array<i32>} : memref<80xi32, #tpu.memory_space<vmem>>, vector<16xi32>,
      %swap3A_245 = vector.shape_cast %swap3A_244 : vector<16xi32> to vector<16xi32>
      %swap3A_246 = vector.shape_cast %get3A_242 : vector<16xi32> to vector<16xi32>
      tpu.vector_store %arg12[%swap3A_243], %swap3A_246 {strides = array<i32>} : memref<80xi32, #tpu.memory_space<vmem>>, vector<16xi32>,
      %get3A_247 = arith.constant 16 : index
      %get3A_248 = tpu.vector_load %arg10[%get3A_247] {strides = array<i32>} : memref<80xi32, #tpu.memory_space<vmem>>, vector<16xi32>,
      %get3A_249 = vector.shape_cast %get3A_248 : vector<16xi32> to vector<16xi32>
      %swap3A_250 = arith.constant 16 : index
      %swap3A_251 = tpu.vector_load %arg12[%swap3A_250] {strides = array<i32>} : memref<80xi32, #tpu.memory_space<vmem>>, vector<16xi32>,
      %swap3A_252 = vector.shape_cast %swap3A_251 : vector<16xi32> to vector<16xi32>
      %swap3A_253 = vector.shape_cast %get3A_249 : vector<16xi32> to vector<16xi32>
      tpu.vector_store %arg12[%swap3A_250], %swap3A_253 {strides = array<i32>} : memref<80xi32, #tpu.memory_space<vmem>>, vector<16xi32>,
      %get3A_254 = arith.constant 32 : index
      %get3A_255 = tpu.vector_load %arg10[%get3A_254] {strides = array<i32>} : memref<80xi32, #tpu.memory_space<vmem>>, vector<16xi32>,
      %get3A_256 = vector.shape_cast %get3A_255 : vector<16xi32> to vector<16xi32>
      %swap3A_257 = arith.constant 32 : index
      %swap3A_258 = tpu.vector_load %arg12[%swap3A_257] {strides = array<i32>} : memref<80xi32, #tpu.memory_space<vmem>>, vector<16xi32>,
      %swap3A_259 = vector.shape_cast %swap3A_258 : vector<16xi32> to vector<16xi32>
      %swap3A_260 = vector.shape_cast %get3A_256 : vector<16xi32> to vector<16xi32>
      tpu.vector_store %arg12[%swap3A_257], %swap3A_260 {strides = array<i32>} : memref<80xi32, #tpu.memory_space<vmem>>, vector<16xi32>,
      %get3A_261 = arith.constant 48 : index
      %get3A_262 = tpu.vector_load %arg10[%get3A_261] {strides = array<i32>} : memref<80xi32, #tpu.memory_space<vmem>>, vector<16xi32>,
      %get3A_263 = vector.shape_cast %get3A_262 : vector<16xi32> to vector<16xi32>
      %swap3A_264 = arith.constant 48 : index
      %swap3A_265 = tpu.vector_load %arg12[%swap3A_264] {strides = array<i32>} : memref<80xi32, #tpu.memory_space<vmem>>, vector<16xi32>,
      %swap3A_266 = vector.shape_cast %swap3A_265 : vector<16xi32> to vector<16xi32>
      %swap3A_267 = vector.shape_cast %get3A_263 : vector<16xi32> to vector<16xi32>
      tpu.vector_store %arg12[%swap3A_264], %swap3A_267 {strides = array<i32>} : memref<80xi32, #tpu.memory_space<vmem>>, vector<16xi32>,
      %get3A_268 = arith.constant 64 : index
      %get3A_269 = tpu.vector_load %arg10[%get3A_268] {strides = array<i32>} : memref<80xi32, #tpu.memory_space<vmem>>, vector<16xi32>,
      %get3A_270 = vector.shape_cast %get3A_269 : vector<16xi32> to vector<16xi32>
      %swap3A_271 = arith.constant 64 : index
      %swap3A_272 = tpu.vector_load %arg12[%swap3A_271] {strides = array<i32>} : memref<80xi32, #tpu.memory_space<vmem>>, vector<16xi32>,
      %swap3A_273 = vector.shape_cast %swap3A_272 : vector<16xi32> to vector<16xi32>
      %swap3A_274 = vector.shape_cast %get3A_270 : vector<16xi32> to vector<16xi32>
      tpu.vector_store %arg12[%swap3A_271], %swap3A_274 {strides = array<i32>} : memref<80xi32, #tpu.memory_space<vmem>>, vector<16xi32>,
      %dma_start3A_275 = arith.constant 0 : i32
      %dma_start3A_276 = arith.constant 0 : i32
      %dma_start3A_277 = tpu.memref_slice %arg7[%dma_start3A_275, %dma_start3A_276] : memref<10240x128xf32, #tpu.memory_space<vmem_shared>> -> memref<10240x128xf32, #tpu.memory_space<vmem_shared>>
      tpu.enqueue_indirect_dma source(%arg16 : memref<80x128xf32, #tpu.memory_space<vmem>>) target(%dma_start3A_277 : memref<10240x128xf32, #tpu.memory_space<vmem_shared>>) offsets(%arg12 : memref<80xi32, #tpu.memory_space<vmem>>) semaphore(%arg24 : memref<!tpu.dma_semaphore, #tpu.memory_space<semaphore_mem>>) {add = true}
      %mul3A_278 = arith.constant 80 : i32
      %mul3A_279 = arith.muli %rem3A_204, %mul3A_278 : i32
      %add3A_280 = arith.addi %add3A_69, %mul3A_279 : i32
      %dma_start3A_281 = tpu.memref_slice %arg4[%add3A_280] : memref<320000xi32, #tpu.memory_space<hbm>> -> memref<80xi32, #tpu.memory_space<hbm>>
      %dma_start3A_282 = tpu.memref_slice %arg4[%add3A_280] : memref<320000xi32, #tpu.memory_space<hbm>> -> memref<80xi32, #tpu.memory_space<hbm>>
      tpu.enqueue_dma source(%dma_start3A_282 : memref<80xi32, #tpu.memory_space<hbm>>) target(%arg8 : memref<80xi32, #tpu.memory_space<vmem>>) target_semaphore(%arg18 : memref<!tpu.dma_semaphore, #tpu.memory_space<semaphore_mem>>)
      %dma_start3A_283 = tpu.memref_slice %arg5[%add3A_280] : memref<320000xi32, #tpu.memory_space<hbm>> -> memref<80xi32, #tpu.memory_space<hbm>>
      %dma_start3A_284 = tpu.memref_slice %arg5[%add3A_280] : memref<320000xi32, #tpu.memory_space<hbm>> -> memref<80xi32, #tpu.memory_space<hbm>>
      tpu.enqueue_dma source(%dma_start3A_284 : memref<80xi32, #tpu.memory_space<hbm>>) target(%arg10 : memref<80xi32, #tpu.memory_space<vmem>>) target_semaphore(%arg18 : memref<!tpu.dma_semaphore, #tpu.memory_space<semaphore_mem>>)
      %dma_start3A_285 = arith.constant 0 : i32
      %dma_start3A_286 = tpu.memref_slice %arg3[%add3A_280, %dma_start3A_285] : memref<320000x64xi32, #tpu.memory_space<hbm>> -> memref<80x64xi32, #tpu.memory_space<hbm>>
      %dma_start3A_287 = arith.constant 0 : i32
      %dma_start3A_288 = tpu.memref_slice %arg3[%add3A_280, %dma_start3A_287] : memref<320000x64xi32, #tpu.memory_space<hbm>> -> memref<80x64xi32, #tpu.memory_space<hbm>>
      tpu.enqueue_dma source(%dma_start3A_288 : memref<80x64xi32, #tpu.memory_space<hbm>>) target(%arg14 : memref<80x64xi32, #tpu.memory_space<vmem>>) target_semaphore(%arg20 : memref<!tpu.dma_semaphore, #tpu.memory_space<semaphore_mem>>)
      %dma_wait3A_289 = arith.constant 0 : i32
      %dma_wait3A_290 = arith.constant 0 : i32
      %dma_wait3A_291 = tpu.memref_slice %arg2[%dma_wait3A_289, %dma_wait3A_290] : memref<10000x128xf32, #tpu.memory_space<hbm>> -> memref<10000x128xf32, #tpu.memory_space<hbm>>
      tpu.wait_indirect_dma semaphore(%arg23 : memref<!tpu.dma_semaphore, #tpu.memory_space<semaphore_mem>>) src(%dma_wait3A_291 : memref<10000x128xf32, #tpu.memory_space<hbm>>) dst(%arg17 : memref<80x128xf32, #tpu.memory_space<vmem>>)
      %dma_wait3A_292 = arith.constant 0 : i32
      %dma_wait3A_293 = arith.constant 0 : i32
      %dma_wait3A_294 = tpu.memref_slice %arg3[%dma_wait3A_292, %dma_wait3A_293] : memref<320000x64xi32, #tpu.memory_space<hbm>> -> memref<80x64xi32, #tpu.memory_space<hbm>>
      %dma_wait3A_295 = arith.constant 0 : i32
      %dma_wait3A_296 = arith.constant 0 : i32
      %dma_wait3A_297 = tpu.memref_slice %arg3[%dma_wait3A_295, %dma_wait3A_296] : memref<320000x64xi32, #tpu.memory_space<hbm>> -> memref<80x64xi32, #tpu.memory_space<hbm>>
      tpu.wait_dma2 semaphore(%arg21 : memref<!tpu.dma_semaphore, #tpu.memory_space<semaphore_mem>>) src(%dma_wait3A_297 : memref<80x64xi32, #tpu.memory_space<hbm>>) dst(%arg15 : memref<80x64xi32, #tpu.memory_space<vmem>>)
      %scan3A_298 = arith.constant 0 : i32
      %scan3A_299 = arith.constant 0 : i32
      %scan3A_300 = arith.constant 20 : i32
      %scan3A_301 = arith.addi %scan3A_299, %scan3A_300 : i32
      %scan3A_302 = arith.constant 1 : i32
      scf.for %scan3A_367 = %scan3A_299 to %scan3A_301 step %scan3A_302  : i32 {
        %mul3A_368 = arith.constant 4 : i32
        %mul3A_369 = arith.muli %scan3A_367, %mul3A_368 : i32
        %add3A_370 = arith.constant 0 : i32
        %add3A_371 = arith.addi %mul3A_369, %add3A_370 : i32
        %get3A_372 = arith.index_cast %add3A_371 : i32 to index
        %get3A_373 = arith.constant 0 : index
        %get3A_374 = tpu.vector_load %arg15[%get3A_372, %get3A_373] {strides = array<i32>} : memref<80x64xi32, #tpu.memory_space<vmem>>, vector<1x16xi32>,
        %get3A_375 = vector.shape_cast %get3A_374 : vector<1x16xi32> to vector<16xi32>
        %shift_left3A = arith.constant 16 : i32
        %shift_left3A_376 = vector.broadcast %shift_left3A : i32 to vector<16xi32>
        %shift_left3A_377 = arith.shli %get3A_375, %shift_left3A_376 : vector<16xi32>
        %bitcast_convert_type3A = tpu.bitcast %shift_left3A_377 : vector<16xi32> -> vector<16xf32>
        %and3A = arith.constant -65536 : i32
        %and3A_378 = vector.broadcast %and3A : i32 to vector<16xi32>
        %and3A_379 = arith.andi %get3A_375, %and3A_378 : vector<16xi32>
        %bitcast_convert_type3A_380 = tpu.bitcast %and3A_379 : vector<16xi32> -> vector<16xf32>
        %get3A_381 = arith.index_cast %add3A_371 : i32 to index
        %get3A_382 = arith.constant 0 : index
        %get3A_383 = tpu.vector_load %arg17[%get3A_381, %get3A_382] {strides = array<i32>} : memref<80x128xf32, #tpu.memory_space<vmem>>, vector<1x16xf32>,
        %get3A_384 = vector.shape_cast %get3A_383 : vector<1x16xf32> to vector<16xf32>
        %mul3A_385 = arith.mulf %get3A_384, %bitcast_convert_type3A : vector<16xf32>
        %swap3A_386 = arith.index_cast %add3A_371 : i32 to index
        %swap3A_387 = arith.constant 0 : index
        %swap3A_388 = tpu.vector_load %arg17[%swap3A_386, %swap3A_387] {strides = array<i32>} : memref<80x128xf32, #tpu.memory_space<vmem>>, vector<1x16xf32>,
        %swap3A_389 = vector.shape_cast %swap3A_388 : vector<1x16xf32> to vector<16xf32>
        %swap3A_390 = vector.shape_cast %mul3A_385 : vector<16xf32> to vector<1x16xf32>
        tpu.vector_store %arg17[%swap3A_386, %swap3A_387], %swap3A_390 {strides = array<i32>} : memref<80x128xf32, #tpu.memory_space<vmem>>, vector<1x16xf32>,
        %get3A_391 = arith.index_cast %add3A_371 : i32 to index
        %get3A_392 = arith.constant 16 : index
        %get3A_393 = tpu.vector_load %arg17[%get3A_391, %get3A_392] {strides = array<i32>} : memref<80x128xf32, #tpu.memory_space<vmem>>, vector<1x16xf32>,
        %get3A_394 = vector.shape_cast %get3A_393 : vector<1x16xf32> to vector<16xf32>
        %mul3A_395 = arith.mulf %get3A_394, %bitcast_convert_type3A_380 : vector<16xf32>
        %swap3A_396 = arith.index_cast %add3A_371 : i32 to index
        %swap3A_397 = arith.constant 16 : index
        %swap3A_398 = tpu.vector_load %arg17[%swap3A_396, %swap3A_397] {strides = array<i32>} : memref<80x128xf32, #tpu.memory_space<vmem>>, vector<1x16xf32>,
        %swap3A_399 = vector.shape_cast %swap3A_398 : vector<1x16xf32> to vector<16xf32>
        %swap3A_400 = vector.shape_cast %mul3A_395 : vector<16xf32> to vector<1x16xf32>
        tpu.vector_store %arg17[%swap3A_396, %swap3A_397], %swap3A_400 {strides = array<i32>} : memref<80x128xf32, #tpu.memory_space<vmem>>, vector<1x16xf32>,
        %get3A_401 = arith.index_cast %add3A_371 : i32 to index
        %get3A_402 = arith.constant 16 : index
        %get3A_403 = tpu.vector_load %arg15[%get3A_401, %get3A_402] {strides = array<i32>} : memref<80x64xi32, #tpu.memory_space<vmem>>, vector<1x16xi32>,
        %get3A_404 = vector.shape_cast %get3A_403 : vector<1x16xi32> to vector<16xi32>
        %shift_left3A_405 = arith.constant 16 : i32
        %shift_left3A_406 = vector.broadcast %shift_left3A_405 : i32 to vector<16xi32>
        %shift_left3A_407 = arith.shli %get3A_404, %shift_left3A_406 : vector<16xi32>
        %bitcast_convert_type3A_408 = tpu.bitcast %shift_left3A_407 : vector<16xi32> -> vector<16xf32>
        %and3A_409 = arith.constant -65536 : i32
        %and3A_410 = vector.broadcast %and3A_409 : i32 to vector<16xi32>
        %and3A_411 = arith.andi %get3A_404, %and3A_410 : vector<16xi32>
        %bitcast_convert_type3A_412 = tpu.bitcast %and3A_411 : vector<16xi32> -> vector<16xf32>
        %get3A_413 = arith.index_cast %add3A_371 : i32 to index
        %get3A_414 = arith.constant 32 : index
        %get3A_415 = tpu.vector_load %arg17[%get3A_413, %get3A_414] {strides = array<i32>} : memref<80x128xf32, #tpu.memory_space<vmem>>, vector<1x16xf32>,
        %get3A_416 = vector.shape_cast %get3A_415 : vector<1x16xf32> to vector<16xf32>
        %mul3A_417 = arith.mulf %get3A_416, %bitcast_convert_type3A_408 : vector<16xf32>
        %swap3A_418 = arith.index_cast %add3A_371 : i32 to index
        %swap3A_419 = arith.constant 32 : index
        %swap3A_420 = tpu.vector_load %arg17[%swap3A_418, %swap3A_419] {strides = array<i32>} : memref<80x128xf32, #tpu.memory_space<vmem>>, vector<1x16xf32>,
        %swap3A_421 = vector.shape_cast %swap3A_420 : vector<1x16xf32> to vector<16xf32>
        %swap3A_422 = vector.shape_cast %mul3A_417 : vector<16xf32> to vector<1x16xf32>
        tpu.vector_store %arg17[%swap3A_418, %swap3A_419], %swap3A_422 {strides = array<i32>} : memref<80x128xf32, #tpu.memory_space<vmem>>, vector<1x16xf32>,
        %get3A_423 = arith.index_cast %add3A_371 : i32 to index
        %get3A_424 = arith.constant 48 : index
        %get3A_425 = tpu.vector_load %arg17[%get3A_423, %get3A_424] {strides = array<i32>} : memref<80x128xf32, #tpu.memory_space<vmem>>, vector<1x16xf32>,
        %get3A_426 = vector.shape_cast %get3A_425 : vector<1x16xf32> to vector<16xf32>
        %mul3A_427 = arith.mulf %get3A_426, %bitcast_convert_type3A_412 : vector<16xf32>
        %swap3A_428 = arith.index_cast %add3A_371 : i32 to index
        %swap3A_429 = arith.constant 48 : index
        %swap3A_430 = tpu.vector_load %arg17[%swap3A_428, %swap3A_429] {strides = array<i32>} : memref<80x128xf32, #tpu.memory_space<vmem>>, vector<1x16xf32>,
        %swap3A_431 = vector.shape_cast %swap3A_430 : vector<1x16xf32> to vector<16xf32>
        %swap3A_432 = vector.shape_cast %mul3A_427 : vector<16xf32> to vector<1x16xf32>
        tpu.vector_store %arg17[%swap3A_428, %swap3A_429], %swap3A_432 {strides = array<i32>} : memref<80x128xf32, #tpu.memory_space<vmem>>, vector<1x16xf32>,
        %get3A_433 = arith.index_cast %add3A_371 : i32 to index
        %get3A_434 = arith.constant 32 : index
        %get3A_435 = tpu.vector_load %arg15[%get3A_433, %get3A_434] {strides = array<i32>} : memref<80x64xi32, #tpu.memory_space<vmem>>, vector<1x16xi32>,
        %get3A_436 = vector.shape_cast %get3A_435 : vector<1x16xi32> to vector<16xi32>
        %shift_left3A_437 = arith.constant 16 : i32
        %shift_left3A_438 = vector.broadcast %shift_left3A_437 : i32 to vector<16xi32>
        %shift_left3A_439 = arith.shli %get3A_436, %shift_left3A_438 : vector<16xi32>
        %bitcast_convert_type3A_440 = tpu.bitcast %shift_left3A_439 : vector<16xi32> -> vector<16xf32>
        %and3A_441 = arith.constant -65536 : i32
        %and3A_442 = vector.broadcast %and3A_441 : i32 to vector<16xi32>
        %and3A_443 = arith.andi %get3A_436, %and3A_442 : vector<16xi32>
        %bitcast_convert_type3A_444 = tpu.bitcast %and3A_443 : vector<16xi32> -> vector<16xf32>
        %get3A_445 = arith.index_cast %add3A_371 : i32 to index
        %get3A_446 = arith.constant 64 : index
        %get3A_447 = tpu.vector_load %arg17[%get3A_445, %get3A_446] {strides = array<i32>} : memref<80x128xf32, #tpu.memory_space<vmem>>, vector<1x16xf32>,
        %get3A_448 = vector.shape_cast %get3A_447 : vector<1x16xf32> to vector<16xf32>
        %mul3A_449 = arith.mulf %get3A_448, %bitcast_convert_type3A_440 : vector<16xf32>
        %swap3A_450 = arith.index_cast %add3A_371 : i32 to index
        %swap3A_451 = arith.constant 64 : index
        %swap3A_452 = tpu.vector_load %arg17[%swap3A_450, %swap3A_451] {strides = array<i32>} : memref<80x128xf32, #tpu.memory_space<vmem>>, vector<1x16xf32>,
        %swap3A_453 = vector.shape_cast %swap3A_452 : vector<1x16xf32> to vector<16xf32>
        %swap3A_454 = vector.shape_cast %mul3A_449 : vector<16xf32> to vector<1x16xf32>
        tpu.vector_store %arg17[%swap3A_450, %swap3A_451], %swap3A_454 {strides = array<i32>} : memref<80x128xf32, #tpu.memory_space<vmem>>, vector<1x16xf32>,
        %get3A_455 = arith.index_cast %add3A_371 : i32 to index
        %get3A_456 = arith.constant 80 : index
        %get3A_457 = tpu.vector_load %arg17[%get3A_455, %get3A_456] {strides = array<i32>} : memref<80x128xf32, #tpu.memory_space<vmem>>, vector<1x16xf32>,
        %get3A_458 = vector.shape_cast %get3A_457 : vector<1x16xf32> to vector<16xf32>
        %mul3A_459 = arith.mulf %get3A_458, %bitcast_convert_type3A_444 : vector<16xf32>
        %swap3A_460 = arith.index_cast %add3A_371 : i32 to index
        %swap3A_461 = arith.constant 80 : index
        %swap3A_462 = tpu.vector_load %arg17[%swap3A_460, %swap3A_461] {strides = array<i32>} : memref<80x128xf32, #tpu.memory_space<vmem>>, vector<1x16xf32>,
        %swap3A_463 = vector.shape_cast %swap3A_462 : vector<1x16xf32> to vector<16xf32>
        %swap3A_464 = vector.shape_cast %mul3A_459 : vector<16xf32> to vector<1x16xf32>
        tpu.vector_store %arg17[%swap3A_460, %swap3A_461], %swap3A_464 {strides = array<i32>} : memref<80x128xf32, #tpu.memory_space<vmem>>, vector<1x16xf32>,
        %get3A_465 = arith.index_cast %add3A_371 : i32 to index
        %get3A_466 = arith.constant 48 : index
        %get3A_467 = tpu.vector_load %arg15[%get3A_465, %get3A_466] {strides = array<i32>} : memref<80x64xi32, #tpu.memory_space<vmem>>, vector<1x16xi32>,
        %get3A_468 = vector.shape_cast %get3A_467 : vector<1x16xi32> to vector<16xi32>
        %shift_left3A_469 = arith.constant 16 : i32
        %shift_left3A_470 = vector.broadcast %shift_left3A_469 : i32 to vector<16xi32>
        %shift_left3A_471 = arith.shli %get3A_468, %shift_left3A_470 : vector<16xi32>
        %bitcast_convert_type3A_472 = tpu.bitcast %shift_left3A_471 : vector<16xi32> -> vector<16xf32>
        %and3A_473 = arith.constant -65536 : i32
        %and3A_474 = vector.broadcast %and3A_473 : i32 to vector<16xi32>
        %and3A_475 = arith.andi %get3A_468, %and3A_474 : vector<16xi32>
        %bitcast_convert_type3A_476 = tpu.bitcast %and3A_475 : vector<16xi32> -> vector<16xf32>
        %get3A_477 = arith.index_cast %add3A_371 : i32 to index
        %get3A_478 = arith.constant 96 : index
        %get3A_479 = tpu.vector_load %arg17[%get3A_477, %get3A_478] {strides = array<i32>} : memref<80x128xf32, #tpu.memory_space<vmem>>, vector<1x16xf32>,
        %get3A_480 = vector.shape_cast %get3A_479 : vector<1x16xf32> to vector<16xf32>
        %mul3A_481 = arith.mulf %get3A_480, %bitcast_convert_type3A_472 : vector<16xf32>
        %swap3A_482 = arith.index_cast %add3A_371 : i32 to index
        %swap3A_483 = arith.constant 96 : index
        %swap3A_484 = tpu.vector_load %arg17[%swap3A_482, %swap3A_483] {strides = array<i32>} : memref<80x128xf32, #tpu.memory_space<vmem>>, vector<1x16xf32>,
        %swap3A_485 = vector.shape_cast %swap3A_484 : vector<1x16xf32> to vector<16xf32>
        %swap3A_486 = vector.shape_cast %mul3A_481 : vector<16xf32> to vector<1x16xf32>
        tpu.vector_store %arg17[%swap3A_482, %swap3A_483], %swap3A_486 {strides = array<i32>} : memref<80x128xf32, #tpu.memory_space<vmem>>, vector<1x16xf32>,
        %get3A_487 = arith.index_cast %add3A_371 : i32 to index
        %get3A_488 = arith.constant 112 : index
        %get3A_489 = tpu.vector_load %arg17[%get3A_487, %get3A_488] {strides = array<i32>} : memref<80x128xf32, #tpu.memory_space<vmem>>, vector<1x16xf32>,
        %get3A_490 = vector.shape_cast %get3A_489 : vector<1x16xf32> to vector<16xf32>
        %mul3A_491 = arith.mulf %get3A_490, %bitcast_convert_type3A_476 : vector<16xf32>
        %swap3A_492 = arith.index_cast %add3A_371 : i32 to index
        %swap3A_493 = arith.constant 112 : index
        %swap3A_494 = tpu.vector_load %arg17[%swap3A_492, %swap3A_493] {strides = array<i32>} : memref<80x128xf32, #tpu.memory_space<vmem>>, vector<1x16xf32>,
        %swap3A_495 = vector.shape_cast %swap3A_494 : vector<1x16xf32> to vector<16xf32>
        %swap3A_496 = vector.shape_cast %mul3A_491 : vector<16xf32> to vector<1x16xf32>
        tpu.vector_store %arg17[%swap3A_492, %swap3A_493], %swap3A_496 {strides = array<i32>} : memref<80x128xf32, #tpu.memory_space<vmem>>, vector<1x16xf32>,
        %mul3A_497 = arith.constant 4 : i32
        %mul3A_498 = arith.muli %scan3A_367, %mul3A_497 : i32
        %add3A_499 = arith.constant 1 : i32
        %add3A_500 = arith.addi %mul3A_498, %add3A_499 : i32
        %get3A_501 = arith.index_cast %add3A_500 : i32 to index
        %get3A_502 = arith.constant 0 : index
        %get3A_503 = tpu.vector_load %arg15[%get3A_501, %get3A_502] {strides = array<i32>} : memref<80x64xi32, #tpu.memory_space<vmem>>, vector<1x16xi32>,
        %get3A_504 = vector.shape_cast %get3A_503 : vector<1x16xi32> to vector<16xi32>
        %shift_left3A_505 = arith.constant 16 : i32
        %shift_left3A_506 = vector.broadcast %shift_left3A_505 : i32 to vector<16xi32>
        %shift_left3A_507 = arith.shli %get3A_504, %shift_left3A_506 : vector<16xi32>
        %bitcast_convert_type3A_508 = tpu.bitcast %shift_left3A_507 : vector<16xi32> -> vector<16xf32>
        %and3A_509 = arith.constant -65536 : i32
        %and3A_510 = vector.broadcast %and3A_509 : i32 to vector<16xi32>
        %and3A_511 = arith.andi %get3A_504, %and3A_510 : vector<16xi32>
        %bitcast_convert_type3A_512 = tpu.bitcast %and3A_511 : vector<16xi32> -> vector<16xf32>
        %get3A_513 = arith.index_cast %add3A_500 : i32 to index
        %get3A_514 = arith.constant 0 : index
        %get3A_515 = tpu.vector_load %arg17[%get3A_513, %get3A_514] {strides = array<i32>} : memref<80x128xf32, #tpu.memory_space<vmem>>, vector<1x16xf32>,
        %get3A_516 = vector.shape_cast %get3A_515 : vector<1x16xf32> to vector<16xf32>
        %mul3A_517 = arith.mulf %get3A_516, %bitcast_convert_type3A_508 : vector<16xf32>
        %swap3A_518 = arith.index_cast %add3A_500 : i32 to index
        %swap3A_519 = arith.constant 0 : index
        %swap3A_520 = tpu.vector_load %arg17[%swap3A_518, %swap3A_519] {strides = array<i32>} : memref<80x128xf32, #tpu.memory_space<vmem>>, vector<1x16xf32>,
        %swap3A_521 = vector.shape_cast %swap3A_520 : vector<1x16xf32> to vector<16xf32>
        %swap3A_522 = vector.shape_cast %mul3A_517 : vector<16xf32> to vector<1x16xf32>
        tpu.vector_store %arg17[%swap3A_518, %swap3A_519], %swap3A_522 {strides = array<i32>} : memref<80x128xf32, #tpu.memory_space<vmem>>, vector<1x16xf32>,
        %get3A_523 = arith.index_cast %add3A_500 : i32 to index
        %get3A_524 = arith.constant 16 : index
        %get3A_525 = tpu.vector_load %arg17[%get3A_523, %get3A_524] {strides = array<i32>} : memref<80x128xf32, #tpu.memory_space<vmem>>, vector<1x16xf32>,
        %get3A_526 = vector.shape_cast %get3A_525 : vector<1x16xf32> to vector<16xf32>
        %mul3A_527 = arith.mulf %get3A_526, %bitcast_convert_type3A_512 : vector<16xf32>
        %swap3A_528 = arith.index_cast %add3A_500 : i32 to index
        %swap3A_529 = arith.constant 16 : index
        %swap3A_530 = tpu.vector_load %arg17[%swap3A_528, %swap3A_529] {strides = array<i32>} : memref<80x128xf32, #tpu.memory_space<vmem>>, vector<1x16xf32>,
        %swap3A_531 = vector.shape_cast %swap3A_530 : vector<1x16xf32> to vector<16xf32>
        %swap3A_532 = vector.shape_cast %mul3A_527 : vector<16xf32> to vector<1x16xf32>
        tpu.vector_store %arg17[%swap3A_528, %swap3A_529], %swap3A_532 {strides = array<i32>} : memref<80x128xf32, #tpu.memory_space<vmem>>, vector<1x16xf32>,
        %get3A_533 = arith.index_cast %add3A_500 : i32 to index
        %get3A_534 = arith.constant 16 : index
        %get3A_535 = tpu.vector_load %arg15[%get3A_533, %get3A_534] {strides = array<i32>} : memref<80x64xi32, #tpu.memory_space<vmem>>, vector<1x16xi32>,
        %get3A_536 = vector.shape_cast %get3A_535 : vector<1x16xi32> to vector<16xi32>
        %shift_left3A_537 = arith.constant 16 : i32
        %shift_left3A_538 = vector.broadcast %shift_left3A_537 : i32 to vector<16xi32>
        %shift_left3A_539 = arith.shli %get3A_536, %shift_left3A_538 : vector<16xi32>
        %bitcast_convert_type3A_540 = tpu.bitcast %shift_left3A_539 : vector<16xi32> -> vector<16xf32>
        %and3A_541 = arith.constant -65536 : i32
        %and3A_542 = vector.broadcast %and3A_541 : i32 to vector<16xi32>
        %and3A_543 = arith.andi %get3A_536, %and3A_542 : vector<16xi32>
        %bitcast_convert_type3A_544 = tpu.bitcast %and3A_543 : vector<16xi32> -> vector<16xf32>
        %get3A_545 = arith.index_cast %add3A_500 : i32 to index
        %get3A_546 = arith.constant 32 : index
        %get3A_547 = tpu.vector_load %arg17[%get3A_545, %get3A_546] {strides = array<i32>} : memref<80x128xf32, #tpu.memory_space<vmem>>, vector<1x16xf32>,
        %get3A_548 = vector.shape_cast %get3A_547 : vector<1x16xf32> to vector<16xf32>
        %mul3A_549 = arith.mulf %get3A_548, %bitcast_convert_type3A_540 : vector<16xf32>
        %swap3A_550 = arith.index_cast %add3A_500 : i32 to index
        %swap3A_551 = arith.constant 32 : index
        %swap3A_552 = tpu.vector_load %arg17[%swap3A_550, %swap3A_551] {strides = array<i32>} : memref<80x128xf32, #tpu.memory_space<vmem>>, vector<1x16xf32>,
        %swap3A_553 = vector.shape_cast %swap3A_552 : vector<1x16xf32> to vector<16xf32>
        %swap3A_554 = vector.shape_cast %mul3A_549 : vector<16xf32> to vector<1x16xf32>
        tpu.vector_store %arg17[%swap3A_550, %swap3A_551], %swap3A_554 {strides = array<i32>} : memref<80x128xf32, #tpu.memory_space<vmem>>, vector<1x16xf32>,
        %get3A_555 = arith.index_cast %add3A_500 : i32 to index
        %get3A_556 = arith.constant 48 : index
        %get3A_557 = tpu.vector_load %arg17[%get3A_555, %get3A_556] {strides = array<i32>} : memref<80x128xf32, #tpu.memory_space<vmem>>, vector<1x16xf32>,
        %get3A_558 = vector.shape_cast %get3A_557 : vector<1x16xf32> to vector<16xf32>
        %mul3A_559 = arith.mulf %get3A_558, %bitcast_convert_type3A_544 : vector<16xf32>
        %swap3A_560 = arith.index_cast %add3A_500 : i32 to index
        %swap3A_561 = arith.constant 48 : index
        %swap3A_562 = tpu.vector_load %arg17[%swap3A_560, %swap3A_561] {strides = array<i32>} : memref<80x128xf32, #tpu.memory_space<vmem>>, vector<1x16xf32>,
        %swap3A_563 = vector.shape_cast %swap3A_562 : vector<1x16xf32> to vector<16xf32>
        %swap3A_564 = vector.shape_cast %mul3A_559 : vector<16xf32> to vector<1x16xf32>
        tpu.vector_store %arg17[%swap3A_560, %swap3A_561], %swap3A_564 {strides = array<i32>} : memref<80x128xf32, #tpu.memory_space<vmem>>, vector<1x16xf32>,
        %get3A_565 = arith.index_cast %add3A_500 : i32 to index
        %get3A_566 = arith.constant 32 : index
        %get3A_567 = tpu.vector_load %arg15[%get3A_565, %get3A_566] {strides = array<i32>} : memref<80x64xi32, #tpu.memory_space<vmem>>, vector<1x16xi32>,
        %get3A_568 = vector.shape_cast %get3A_567 : vector<1x16xi32> to vector<16xi32>
        %shift_left3A_569 = arith.constant 16 : i32
        %shift_left3A_570 = vector.broadcast %shift_left3A_569 : i32 to vector<16xi32>
        %shift_left3A_571 = arith.shli %get3A_568, %shift_left3A_570 : vector<16xi32>
        %bitcast_convert_type3A_572 = tpu.bitcast %shift_left3A_571 : vector<16xi32> -> vector<16xf32>
        %and3A_573 = arith.constant -65536 : i32
        %and3A_574 = vector.broadcast %and3A_573 : i32 to vector<16xi32>
        %and3A_575 = arith.andi %get3A_568, %and3A_574 : vector<16xi32>
        %bitcast_convert_type3A_576 = tpu.bitcast %and3A_575 : vector<16xi32> -> vector<16xf32>
        %get3A_577 = arith.index_cast %add3A_500 : i32 to index
        %get3A_578 = arith.constant 64 : index
        %get3A_579 = tpu.vector_load %arg17[%get3A_577, %get3A_578] {strides = array<i32>} : memref<80x128xf32, #tpu.memory_space<vmem>>, vector<1x16xf32>,
        %get3A_580 = vector.shape_cast %get3A_579 : vector<1x16xf32> to vector<16xf32>
        %mul3A_581 = arith.mulf %get3A_580, %bitcast_convert_type3A_572 : vector<16xf32>
        %swap3A_582 = arith.index_cast %add3A_500 : i32 to index
        %swap3A_583 = arith.constant 64 : index
        %swap3A_584 = tpu.vector_load %arg17[%swap3A_582, %swap3A_583] {strides = array<i32>} : memref<80x128xf32, #tpu.memory_space<vmem>>, vector<1x16xf32>,
        %swap3A_585 = vector.shape_cast %swap3A_584 : vector<1x16xf32> to vector<16xf32>
        %swap3A_586 = vector.shape_cast %mul3A_581 : vector<16xf32> to vector<1x16xf32>
        tpu.vector_store %arg17[%swap3A_582, %swap3A_583], %swap3A_586 {strides = array<i32>} : memref<80x128xf32, #tpu.memory_space<vmem>>, vector<1x16xf32>,
        %get3A_587 = arith.index_cast %add3A_500 : i32 to index
        %get3A_588 = arith.constant 80 : index
        %get3A_589 = tpu.vector_load %arg17[%get3A_587, %get3A_588] {strides = array<i32>} : memref<80x128xf32, #tpu.memory_space<vmem>>, vector<1x16xf32>,
        %get3A_590 = vector.shape_cast %get3A_589 : vector<1x16xf32> to vector<16xf32>
        %mul3A_591 = arith.mulf %get3A_590, %bitcast_convert_type3A_576 : vector<16xf32>
        %swap3A_592 = arith.index_cast %add3A_500 : i32 to index
        %swap3A_593 = arith.constant 80 : index
        %swap3A_594 = tpu.vector_load %arg17[%swap3A_592, %swap3A_593] {strides = array<i32>} : memref<80x128xf32, #tpu.memory_space<vmem>>, vector<1x16xf32>,
        %swap3A_595 = vector.shape_cast %swap3A_594 : vector<1x16xf32> to vector<16xf32>
        %swap3A_596 = vector.shape_cast %mul3A_591 : vector<16xf32> to vector<1x16xf32>
        tpu.vector_store %arg17[%swap3A_592, %swap3A_593], %swap3A_596 {strides = array<i32>} : memref<80x128xf32, #tpu.memory_space<vmem>>, vector<1x16xf32>,
        %get3A_597 = arith.index_cast %add3A_500 : i32 to index
        %get3A_598 = arith.constant 48 : index
        %get3A_599 = tpu.vector_load %arg15[%get3A_597, %get3A_598] {strides = array<i32>} : memref<80x64xi32, #tpu.memory_space<vmem>>, vector<1x16xi32>,
        %get3A_600 = vector.shape_cast %get3A_599 : vector<1x16xi32> to vector<16xi32>
        %shift_left3A_601 = arith.constant 16 : i32
        %shift_left3A_602 = vector.broadcast %shift_left3A_601 : i32 to vector<16xi32>
        %shift_left3A_603 = arith.shli %get3A_600, %shift_left3A_602 : vector<16xi32>
        %bitcast_convert_type3A_604 = tpu.bitcast %shift_left3A_603 : vector<16xi32> -> vector<16xf32>
        %and3A_605 = arith.constant -65536 : i32
        %and3A_606 = vector.broadcast %and3A_605 : i32 to vector<16xi32>
        %and3A_607 = arith.andi %get3A_600, %and3A_606 : vector<16xi32>
        %bitcast_convert_type3A_608 = tpu.bitcast %and3A_607 : vector<16xi32> -> vector<16xf32>
        %get3A_609 = arith.index_cast %add3A_500 : i32 to index
        %get3A_610 = arith.constant 96 : index
        %get3A_611 = tpu.vector_load %arg17[%get3A_609, %get3A_610] {strides = array<i32>} : memref<80x128xf32, #tpu.memory_space<vmem>>, vector<1x16xf32>,
        %get3A_612 = vector.shape_cast %get3A_611 : vector<1x16xf32> to vector<16xf32>
        %mul3A_613 = arith.mulf %get3A_612, %bitcast_convert_type3A_604 : vector<16xf32>
        %swap3A_614 = arith.index_cast %add3A_500 : i32 to index
        %swap3A_615 = arith.constant 96 : index
        %swap3A_616 = tpu.vector_load %arg17[%swap3A_614, %swap3A_615] {strides = array<i32>} : memref<80x128xf32, #tpu.memory_space<vmem>>, vector<1x16xf32>,
        %swap3A_617 = vector.shape_cast %swap3A_616 : vector<1x16xf32> to vector<16xf32>
        %swap3A_618 = vector.shape_cast %mul3A_613 : vector<16xf32> to vector<1x16xf32>
        tpu.vector_store %arg17[%swap3A_614, %swap3A_615], %swap3A_618 {strides = array<i32>} : memref<80x128xf32, #tpu.memory_space<vmem>>, vector<1x16xf32>,
        %get3A_619 = arith.index_cast %add3A_500 : i32 to index
        %get3A_620 = arith.constant 112 : index
        %get3A_621 = tpu.vector_load %arg17[%get3A_619, %get3A_620] {strides = array<i32>} : memref<80x128xf32, #tpu.memory_space<vmem>>, vector<1x16xf32>,
        %get3A_622 = vector.shape_cast %get3A_621 : vector<1x16xf32> to vector<16xf32>
        %mul3A_623 = arith.mulf %get3A_622, %bitcast_convert_type3A_608 : vector<16xf32>
        %swap3A_624 = arith.index_cast %add3A_500 : i32 to index
        %swap3A_625 = arith.constant 112 : index
        %swap3A_626 = tpu.vector_load %arg17[%swap3A_624, %swap3A_625] {strides = array<i32>} : memref<80x128xf32, #tpu.memory_space<vmem>>, vector<1x16xf32>,
        %swap3A_627 = vector.shape_cast %swap3A_626 : vector<1x16xf32> to vector<16xf32>
        %swap3A_628 = vector.shape_cast %mul3A_623 : vector<16xf32> to vector<1x16xf32>
        tpu.vector_store %arg17[%swap3A_624, %swap3A_625], %swap3A_628 {strides = array<i32>} : memref<80x128xf32, #tpu.memory_space<vmem>>, vector<1x16xf32>,
        %mul3A_629 = arith.constant 4 : i32
        %mul3A_630 = arith.muli %scan3A_367, %mul3A_629 : i32
        %add3A_631 = arith.constant 2 : i32
        %add3A_632 = arith.addi %mul3A_630, %add3A_631 : i32
        %get3A_633 = arith.index_cast %add3A_632 : i32 to index
        %get3A_634 = arith.constant 0 : index
        %get3A_635 = tpu.vector_load %arg15[%get3A_633, %get3A_634] {strides = array<i32>} : memref<80x64xi32, #tpu.memory_space<vmem>>, vector<1x16xi32>,
        %get3A_636 = vector.shape_cast %get3A_635 : vector<1x16xi32> to vector<16xi32>
        %shift_left3A_637 = arith.constant 16 : i32
        %shift_left3A_638 = vector.broadcast %shift_left3A_637 : i32 to vector<16xi32>
        %shift_left3A_639 = arith.shli %get3A_636, %shift_left3A_638 : vector<16xi32>
        %bitcast_convert_type3A_640 = tpu.bitcast %shift_left3A_639 : vector<16xi32> -> vector<16xf32>
        %and3A_641 = arith.constant -65536 : i32
        %and3A_642 = vector.broadcast %and3A_641 : i32 to vector<16xi32>
        %and3A_643 = arith.andi %get3A_636, %and3A_642 : vector<16xi32>
        %bitcast_convert_type3A_644 = tpu.bitcast %and3A_643 : vector<16xi32> -> vector<16xf32>
        %get3A_645 = arith.index_cast %add3A_632 : i32 to index
        %get3A_646 = arith.constant 0 : index
        %get3A_647 = tpu.vector_load %arg17[%get3A_645, %get3A_646] {strides = array<i32>} : memref<80x128xf32, #tpu.memory_space<vmem>>, vector<1x16xf32>,
        %get3A_648 = vector.shape_cast %get3A_647 : vector<1x16xf32> to vector<16xf32>
        %mul3A_649 = arith.mulf %get3A_648, %bitcast_convert_type3A_640 : vector<16xf32>
        %swap3A_650 = arith.index_cast %add3A_632 : i32 to index
        %swap3A_651 = arith.constant 0 : index
        %swap3A_652 = tpu.vector_load %arg17[%swap3A_650, %swap3A_651] {strides = array<i32>} : memref<80x128xf32, #tpu.memory_space<vmem>>, vector<1x16xf32>,
        %swap3A_653 = vector.shape_cast %swap3A_652 : vector<1x16xf32> to vector<16xf32>
        %swap3A_654 = vector.shape_cast %mul3A_649 : vector<16xf32> to vector<1x16xf32>
        tpu.vector_store %arg17[%swap3A_650, %swap3A_651], %swap3A_654 {strides = array<i32>} : memref<80x128xf32, #tpu.memory_space<vmem>>, vector<1x16xf32>,
        %get3A_655 = arith.index_cast %add3A_632 : i32 to index
        %get3A_656 = arith.constant 16 : index
        %get3A_657 = tpu.vector_load %arg17[%get3A_655, %get3A_656] {strides = array<i32>} : memref<80x128xf32, #tpu.memory_space<vmem>>, vector<1x16xf32>,
        %get3A_658 = vector.shape_cast %get3A_657 : vector<1x16xf32> to vector<16xf32>
        %mul3A_659 = arith.mulf %get3A_658, %bitcast_convert_type3A_644 : vector<16xf32>
        %swap3A_660 = arith.index_cast %add3A_632 : i32 to index
        %swap3A_661 = arith.constant 16 : index
        %swap3A_662 = tpu.vector_load %arg17[%swap3A_660, %swap3A_661] {strides = array<i32>} : memref<80x128xf32, #tpu.memory_space<vmem>>, vector<1x16xf32>,
        %swap3A_663 = vector.shape_cast %swap3A_662 : vector<1x16xf32> to vector<16xf32>
        %swap3A_664 = vector.shape_cast %mul3A_659 : vector<16xf32> to vector<1x16xf32>
        tpu.vector_store %arg17[%swap3A_660, %swap3A_661], %swap3A_664 {strides = array<i32>} : memref<80x128xf32, #tpu.memory_space<vmem>>, vector<1x16xf32>,
        %get3A_665 = arith.index_cast %add3A_632 : i32 to index
        %get3A_666 = arith.constant 16 : index
        %get3A_667 = tpu.vector_load %arg15[%get3A_665, %get3A_666] {strides = array<i32>} : memref<80x64xi32, #tpu.memory_space<vmem>>, vector<1x16xi32>,
        %get3A_668 = vector.shape_cast %get3A_667 : vector<1x16xi32> to vector<16xi32>
        %shift_left3A_669 = arith.constant 16 : i32
        %shift_left3A_670 = vector.broadcast %shift_left3A_669 : i32 to vector<16xi32>
        %shift_left3A_671 = arith.shli %get3A_668, %shift_left3A_670 : vector<16xi32>
        %bitcast_convert_type3A_672 = tpu.bitcast %shift_left3A_671 : vector<16xi32> -> vector<16xf32>
        %and3A_673 = arith.constant -65536 : i32
        %and3A_674 = vector.broadcast %and3A_673 : i32 to vector<16xi32>
        %and3A_675 = arith.andi %get3A_668, %and3A_674 : vector<16xi32>
        %bitcast_convert_type3A_676 = tpu.bitcast %and3A_675 : vector<16xi32> -> vector<16xf32>
        %get3A_677 = arith.index_cast %add3A_632 : i32 to index
        %get3A_678 = arith.constant 32 : index
        %get3A_679 = tpu.vector_load %arg17[%get3A_677, %get3A_678] {strides = array<i32>} : memref<80x128xf32, #tpu.memory_space<vmem>>, vector<1x16xf32>,
        %get3A_680 = vector.shape_cast %get3A_679 : vector<1x16xf32> to vector<16xf32>
        %mul3A_681 = arith.mulf %get3A_680, %bitcast_convert_type3A_672 : vector<16xf32>
        %swap3A_682 = arith.index_cast %add3A_632 : i32 to index
        %swap3A_683 = arith.constant 32 : index
        %swap3A_684 = tpu.vector_load %arg17[%swap3A_682, %swap3A_683] {strides = array<i32>} : memref<80x128xf32, #tpu.memory_space<vmem>>, vector<1x16xf32>,
        %swap3A_685 = vector.shape_cast %swap3A_684 : vector<1x16xf32> to vector<16xf32>
        %swap3A_686 = vector.shape_cast %mul3A_681 : vector<16xf32> to vector<1x16xf32>
        tpu.vector_store %arg17[%swap3A_682, %swap3A_683], %swap3A_686 {strides = array<i32>} : memref<80x128xf32, #tpu.memory_space<vmem>>, vector<1x16xf32>,
        %get3A_687 = arith.index_cast %add3A_632 : i32 to index
        %get3A_688 = arith.constant 48 : index
        %get3A_689 = tpu.vector_load %arg17[%get3A_687, %get3A_688] {strides = array<i32>} : memref<80x128xf32, #tpu.memory_space<vmem>>, vector<1x16xf32>,
        %get3A_690 = vector.shape_cast %get3A_689 : vector<1x16xf32> to vector<16xf32>
        %mul3A_691 = arith.mulf %get3A_690, %bitcast_convert_type3A_676 : vector<16xf32>
        %swap3A_692 = arith.index_cast %add3A_632 : i32 to index
        %swap3A_693 = arith.constant 48 : index
        %swap3A_694 = tpu.vector_load %arg17[%swap3A_692, %swap3A_693] {strides = array<i32>} : memref<80x128xf32, #tpu.memory_space<vmem>>, vector<1x16xf32>,
        %swap3A_695 = vector.shape_cast %swap3A_694 : vector<1x16xf32> to vector<16xf32>
        %swap3A_696 = vector.shape_cast %mul3A_691 : vector<16xf32> to vector<1x16xf32>
        tpu.vector_store %arg17[%swap3A_692, %swap3A_693], %swap3A_696 {strides = array<i32>} : memref<80x128xf32, #tpu.memory_space<vmem>>, vector<1x16xf32>,
        %get3A_697 = arith.index_cast %add3A_632 : i32 to index
        %get3A_698 = arith.constant 32 : index
        %get3A_699 = tpu.vector_load %arg15[%get3A_697, %get3A_698] {strides = array<i32>} : memref<80x64xi32, #tpu.memory_space<vmem>>, vector<1x16xi32>,
        %get3A_700 = vector.shape_cast %get3A_699 : vector<1x16xi32> to vector<16xi32>
        %shift_left3A_701 = arith.constant 16 : i32
        %shift_left3A_702 = vector.broadcast %shift_left3A_701 : i32 to vector<16xi32>
        %shift_left3A_703 = arith.shli %get3A_700, %shift_left3A_702 : vector<16xi32>
        %bitcast_convert_type3A_704 = tpu.bitcast %shift_left3A_703 : vector<16xi32> -> vector<16xf32>
        %and3A_705 = arith.constant -65536 : i32
        %and3A_706 = vector.broadcast %and3A_705 : i32 to vector<16xi32>
        %and3A_707 = arith.andi %get3A_700, %and3A_706 : vector<16xi32>
        %bitcast_convert_type3A_708 = tpu.bitcast %and3A_707 : vector<16xi32> -> vector<16xf32>
        %get3A_709 = arith.index_cast %add3A_632 : i32 to index
        %get3A_710 = arith.constant 64 : index
        %get3A_711 = tpu.vector_load %arg17[%get3A_709, %get3A_710] {strides = array<i32>} : memref<80x128xf32, #tpu.memory_space<vmem>>, vector<1x16xf32>,
        %get3A_712 = vector.shape_cast %get3A_711 : vector<1x16xf32> to vector<16xf32>
        %mul3A_713 = arith.mulf %get3A_712, %bitcast_convert_type3A_704 : vector<16xf32>
        %swap3A_714 = arith.index_cast %add3A_632 : i32 to index
        %swap3A_715 = arith.constant 64 : index
        %swap3A_716 = tpu.vector_load %arg17[%swap3A_714, %swap3A_715] {strides = array<i32>} : memref<80x128xf32, #tpu.memory_space<vmem>>, vector<1x16xf32>,
        %swap3A_717 = vector.shape_cast %swap3A_716 : vector<1x16xf32> to vector<16xf32>
        %swap3A_718 = vector.shape_cast %mul3A_713 : vector<16xf32> to vector<1x16xf32>
        tpu.vector_store %arg17[%swap3A_714, %swap3A_715], %swap3A_718 {strides = array<i32>} : memref<80x128xf32, #tpu.memory_space<vmem>>, vector<1x16xf32>,
        %get3A_719 = arith.index_cast %add3A_632 : i32 to index
        %get3A_720 = arith.constant 80 : index
        %get3A_721 = tpu.vector_load %arg17[%get3A_719, %get3A_720] {strides = array<i32>} : memref<80x128xf32, #tpu.memory_space<vmem>>, vector<1x16xf32>,
        %get3A_722 = vector.shape_cast %get3A_721 : vector<1x16xf32> to vector<16xf32>
        %mul3A_723 = arith.mulf %get3A_722, %bitcast_convert_type3A_708 : vector<16xf32>
        %swap3A_724 = arith.index_cast %add3A_632 : i32 to index
        %swap3A_725 = arith.constant 80 : index
        %swap3A_726 = tpu.vector_load %arg17[%swap3A_724, %swap3A_725] {strides = array<i32>} : memref<80x128xf32, #tpu.memory_space<vmem>>, vector<1x16xf32>,
        %swap3A_727 = vector.shape_cast %swap3A_726 : vector<1x16xf32> to vector<16xf32>
        %swap3A_728 = vector.shape_cast %mul3A_723 : vector<16xf32> to vector<1x16xf32>
        tpu.vector_store %arg17[%swap3A_724, %swap3A_725], %swap3A_728 {strides = array<i32>} : memref<80x128xf32, #tpu.memory_space<vmem>>, vector<1x16xf32>,
        %get3A_729 = arith.index_cast %add3A_632 : i32 to index
        %get3A_730 = arith.constant 48 : index
        %get3A_731 = tpu.vector_load %arg15[%get3A_729, %get3A_730] {strides = array<i32>} : memref<80x64xi32, #tpu.memory_space<vmem>>, vector<1x16xi32>,
        %get3A_732 = vector.shape_cast %get3A_731 : vector<1x16xi32> to vector<16xi32>
        %shift_left3A_733 = arith.constant 16 : i32
        %shift_left3A_734 = vector.broadcast %shift_left3A_733 : i32 to vector<16xi32>
        %shift_left3A_735 = arith.shli %get3A_732, %shift_left3A_734 : vector<16xi32>
        %bitcast_convert_type3A_736 = tpu.bitcast %shift_left3A_735 : vector<16xi32> -> vector<16xf32>
        %and3A_737 = arith.constant -65536 : i32
        %and3A_738 = vector.broadcast %and3A_737 : i32 to vector<16xi32>
        %and3A_739 = arith.andi %get3A_732, %and3A_738 : vector<16xi32>
        %bitcast_convert_type3A_740 = tpu.bitcast %and3A_739 : vector<16xi32> -> vector<16xf32>
        %get3A_741 = arith.index_cast %add3A_632 : i32 to index
        %get3A_742 = arith.constant 96 : index
        %get3A_743 = tpu.vector_load %arg17[%get3A_741, %get3A_742] {strides = array<i32>} : memref<80x128xf32, #tpu.memory_space<vmem>>, vector<1x16xf32>,
        %get3A_744 = vector.shape_cast %get3A_743 : vector<1x16xf32> to vector<16xf32>
        %mul3A_745 = arith.mulf %get3A_744, %bitcast_convert_type3A_736 : vector<16xf32>
        %swap3A_746 = arith.index_cast %add3A_632 : i32 to index
        %swap3A_747 = arith.constant 96 : index
        %swap3A_748 = tpu.vector_load %arg17[%swap3A_746, %swap3A_747] {strides = array<i32>} : memref<80x128xf32, #tpu.memory_space<vmem>>, vector<1x16xf32>,
        %swap3A_749 = vector.shape_cast %swap3A_748 : vector<1x16xf32> to vector<16xf32>
        %swap3A_750 = vector.shape_cast %mul3A_745 : vector<16xf32> to vector<1x16xf32>
        tpu.vector_store %arg17[%swap3A_746, %swap3A_747], %swap3A_750 {strides = array<i32>} : memref<80x128xf32, #tpu.memory_space<vmem>>, vector<1x16xf32>,
        %get3A_751 = arith.index_cast %add3A_632 : i32 to index
        %get3A_752 = arith.constant 112 : index
        %get3A_753 = tpu.vector_load %arg17[%get3A_751, %get3A_752] {strides = array<i32>} : memref<80x128xf32, #tpu.memory_space<vmem>>, vector<1x16xf32>,
        %get3A_754 = vector.shape_cast %get3A_753 : vector<1x16xf32> to vector<16xf32>
        %mul3A_755 = arith.mulf %get3A_754, %bitcast_convert_type3A_740 : vector<16xf32>
        %swap3A_756 = arith.index_cast %add3A_632 : i32 to index
        %swap3A_757 = arith.constant 112 : index
        %swap3A_758 = tpu.vector_load %arg17[%swap3A_756, %swap3A_757] {strides = array<i32>} : memref<80x128xf32, #tpu.memory_space<vmem>>, vector<1x16xf32>,
        %swap3A_759 = vector.shape_cast %swap3A_758 : vector<1x16xf32> to vector<16xf32>
        %swap3A_760 = vector.shape_cast %mul3A_755 : vector<16xf32> to vector<1x16xf32>
        tpu.vector_store %arg17[%swap3A_756, %swap3A_757], %swap3A_760 {strides = array<i32>} : memref<80x128xf32, #tpu.memory_space<vmem>>, vector<1x16xf32>,
        %mul3A_761 = arith.constant 4 : i32
        %mul3A_762 = arith.muli %scan3A_367, %mul3A_761 : i32
        %add3A_763 = arith.constant 3 : i32
        %add3A_764 = arith.addi %mul3A_762, %add3A_763 : i32
        %get3A_765 = arith.index_cast %add3A_764 : i32 to index
        %get3A_766 = arith.constant 0 : index
        %get3A_767 = tpu.vector_load %arg15[%get3A_765, %get3A_766] {strides = array<i32>} : memref<80x64xi32, #tpu.memory_space<vmem>>, vector<1x16xi32>,
        %get3A_768 = vector.shape_cast %get3A_767 : vector<1x16xi32> to vector<16xi32>
        %shift_left3A_769 = arith.constant 16 : i32
        %shift_left3A_770 = vector.broadcast %shift_left3A_769 : i32 to vector<16xi32>
        %shift_left3A_771 = arith.shli %get3A_768, %shift_left3A_770 : vector<16xi32>
        %bitcast_convert_type3A_772 = tpu.bitcast %shift_left3A_771 : vector<16xi32> -> vector<16xf32>
        %and3A_773 = arith.constant -65536 : i32
        %and3A_774 = vector.broadcast %and3A_773 : i32 to vector<16xi32>
        %and3A_775 = arith.andi %get3A_768, %and3A_774 : vector<16xi32>
        %bitcast_convert_type3A_776 = tpu.bitcast %and3A_775 : vector<16xi32> -> vector<16xf32>
        %get3A_777 = arith.index_cast %add3A_764 : i32 to index
        %get3A_778 = arith.constant 0 : index
        %get3A_779 = tpu.vector_load %arg17[%get3A_777, %get3A_778] {strides = array<i32>} : memref<80x128xf32, #tpu.memory_space<vmem>>, vector<1x16xf32>,
        %get3A_780 = vector.shape_cast %get3A_779 : vector<1x16xf32> to vector<16xf32>
        %mul3A_781 = arith.mulf %get3A_780, %bitcast_convert_type3A_772 : vector<16xf32>
        %swap3A_782 = arith.index_cast %add3A_764 : i32 to index
        %swap3A_783 = arith.constant 0 : index
        %swap3A_784 = tpu.vector_load %arg17[%swap3A_782, %swap3A_783] {strides = array<i32>} : memref<80x128xf32, #tpu.memory_space<vmem>>, vector<1x16xf32>,
        %swap3A_785 = vector.shape_cast %swap3A_784 : vector<1x16xf32> to vector<16xf32>
        %swap3A_786 = vector.shape_cast %mul3A_781 : vector<16xf32> to vector<1x16xf32>
        tpu.vector_store %arg17[%swap3A_782, %swap3A_783], %swap3A_786 {strides = array<i32>} : memref<80x128xf32, #tpu.memory_space<vmem>>, vector<1x16xf32>,
        %get3A_787 = arith.index_cast %add3A_764 : i32 to index
        %get3A_788 = arith.constant 16 : index
        %get3A_789 = tpu.vector_load %arg17[%get3A_787, %get3A_788] {strides = array<i32>} : memref<80x128xf32, #tpu.memory_space<vmem>>, vector<1x16xf32>,
        %get3A_790 = vector.shape_cast %get3A_789 : vector<1x16xf32> to vector<16xf32>
        %mul3A_791 = arith.mulf %get3A_790, %bitcast_convert_type3A_776 : vector<16xf32>
        %swap3A_792 = arith.index_cast %add3A_764 : i32 to index
        %swap3A_793 = arith.constant 16 : index
        %swap3A_794 = tpu.vector_load %arg17[%swap3A_792, %swap3A_793] {strides = array<i32>} : memref<80x128xf32, #tpu.memory_space<vmem>>, vector<1x16xf32>,
        %swap3A_795 = vector.shape_cast %swap3A_794 : vector<1x16xf32> to vector<16xf32>
        %swap3A_796 = vector.shape_cast %mul3A_791 : vector<16xf32> to vector<1x16xf32>
        tpu.vector_store %arg17[%swap3A_792, %swap3A_793], %swap3A_796 {strides = array<i32>} : memref<80x128xf32, #tpu.memory_space<vmem>>, vector<1x16xf32>,
        %get3A_797 = arith.index_cast %add3A_764 : i32 to index
        %get3A_798 = arith.constant 16 : index
        %get3A_799 = tpu.vector_load %arg15[%get3A_797, %get3A_798] {strides = array<i32>} : memref<80x64xi32, #tpu.memory_space<vmem>>, vector<1x16xi32>,
        %get3A_800 = vector.shape_cast %get3A_799 : vector<1x16xi32> to vector<16xi32>
        %shift_left3A_801 = arith.constant 16 : i32
        %shift_left3A_802 = vector.broadcast %shift_left3A_801 : i32 to vector<16xi32>
        %shift_left3A_803 = arith.shli %get3A_800, %shift_left3A_802 : vector<16xi32>
        %bitcast_convert_type3A_804 = tpu.bitcast %shift_left3A_803 : vector<16xi32> -> vector<16xf32>
        %and3A_805 = arith.constant -65536 : i32
        %and3A_806 = vector.broadcast %and3A_805 : i32 to vector<16xi32>
        %and3A_807 = arith.andi %get3A_800, %and3A_806 : vector<16xi32>
        %bitcast_convert_type3A_808 = tpu.bitcast %and3A_807 : vector<16xi32> -> vector<16xf32>
        %get3A_809 = arith.index_cast %add3A_764 : i32 to index
        %get3A_810 = arith.constant 32 : index
        %get3A_811 = tpu.vector_load %arg17[%get3A_809, %get3A_810] {strides = array<i32>} : memref<80x128xf32, #tpu.memory_space<vmem>>, vector<1x16xf32>,
        %get3A_812 = vector.shape_cast %get3A_811 : vector<1x16xf32> to vector<16xf32>
        %mul3A_813 = arith.mulf %get3A_812, %bitcast_convert_type3A_804 : vector<16xf32>
        %swap3A_814 = arith.index_cast %add3A_764 : i32 to index
        %swap3A_815 = arith.constant 32 : index
        %swap3A_816 = tpu.vector_load %arg17[%swap3A_814, %swap3A_815] {strides = array<i32>} : memref<80x128xf32, #tpu.memory_space<vmem>>, vector<1x16xf32>,
        %swap3A_817 = vector.shape_cast %swap3A_816 : vector<1x16xf32> to vector<16xf32>
        %swap3A_818 = vector.shape_cast %mul3A_813 : vector<16xf32> to vector<1x16xf32>
        tpu.vector_store %arg17[%swap3A_814, %swap3A_815], %swap3A_818 {strides = array<i32>} : memref<80x128xf32, #tpu.memory_space<vmem>>, vector<1x16xf32>,
        %get3A_819 = arith.index_cast %add3A_764 : i32 to index
        %get3A_820 = arith.constant 48 : index
        %get3A_821 = tpu.vector_load %arg17[%get3A_819, %get3A_820] {strides = array<i32>} : memref<80x128xf32, #tpu.memory_space<vmem>>, vector<1x16xf32>,
        %get3A_822 = vector.shape_cast %get3A_821 : vector<1x16xf32> to vector<16xf32>
        %mul3A_823 = arith.mulf %get3A_822, %bitcast_convert_type3A_808 : vector<16xf32>
        %swap3A_824 = arith.index_cast %add3A_764 : i32 to index
        %swap3A_825 = arith.constant 48 : index
        %swap3A_826 = tpu.vector_load %arg17[%swap3A_824, %swap3A_825] {strides = array<i32>} : memref<80x128xf32, #tpu.memory_space<vmem>>, vector<1x16xf32>,
        %swap3A_827 = vector.shape_cast %swap3A_826 : vector<1x16xf32> to vector<16xf32>
        %swap3A_828 = vector.shape_cast %mul3A_823 : vector<16xf32> to vector<1x16xf32>
        tpu.vector_store %arg17[%swap3A_824, %swap3A_825], %swap3A_828 {strides = array<i32>} : memref<80x128xf32, #tpu.memory_space<vmem>>, vector<1x16xf32>,
        %get3A_829 = arith.index_cast %add3A_764 : i32 to index
        %get3A_830 = arith.constant 32 : index
        %get3A_831 = tpu.vector_load %arg15[%get3A_829, %get3A_830] {strides = array<i32>} : memref<80x64xi32, #tpu.memory_space<vmem>>, vector<1x16xi32>,
        %get3A_832 = vector.shape_cast %get3A_831 : vector<1x16xi32> to vector<16xi32>
        %shift_left3A_833 = arith.constant 16 : i32
        %shift_left3A_834 = vector.broadcast %shift_left3A_833 : i32 to vector<16xi32>
        %shift_left3A_835 = arith.shli %get3A_832, %shift_left3A_834 : vector<16xi32>
        %bitcast_convert_type3A_836 = tpu.bitcast %shift_left3A_835 : vector<16xi32> -> vector<16xf32>
        %and3A_837 = arith.constant -65536 : i32
        %and3A_838 = vector.broadcast %and3A_837 : i32 to vector<16xi32>
        %and3A_839 = arith.andi %get3A_832, %and3A_838 : vector<16xi32>
        %bitcast_convert_type3A_840 = tpu.bitcast %and3A_839 : vector<16xi32> -> vector<16xf32>
        %get3A_841 = arith.index_cast %add3A_764 : i32 to index
        %get3A_842 = arith.constant 64 : index
        %get3A_843 = tpu.vector_load %arg17[%get3A_841, %get3A_842] {strides = array<i32>} : memref<80x128xf32, #tpu.memory_space<vmem>>, vector<1x16xf32>,
        %get3A_844 = vector.shape_cast %get3A_843 : vector<1x16xf32> to vector<16xf32>
        %mul3A_845 = arith.mulf %get3A_844, %bitcast_convert_type3A_836 : vector<16xf32>
        %swap3A_846 = arith.index_cast %add3A_764 : i32 to index
        %swap3A_847 = arith.constant 64 : index
        %swap3A_848 = tpu.vector_load %arg17[%swap3A_846, %swap3A_847] {strides = array<i32>} : memref<80x128xf32, #tpu.memory_space<vmem>>, vector<1x16xf32>,
        %swap3A_849 = vector.shape_cast %swap3A_848 : vector<1x16xf32> to vector<16xf32>
        %swap3A_850 = vector.shape_cast %mul3A_845 : vector<16xf32> to vector<1x16xf32>
        tpu.vector_store %arg17[%swap3A_846, %swap3A_847], %swap3A_850 {strides = array<i32>} : memref<80x128xf32, #tpu.memory_space<vmem>>, vector<1x16xf32>,
        %get3A_851 = arith.index_cast %add3A_764 : i32 to index
        %get3A_852 = arith.constant 80 : index
        %get3A_853 = tpu.vector_load %arg17[%get3A_851, %get3A_852] {strides = array<i32>} : memref<80x128xf32, #tpu.memory_space<vmem>>, vector<1x16xf32>,
        %get3A_854 = vector.shape_cast %get3A_853 : vector<1x16xf32> to vector<16xf32>
        %mul3A_855 = arith.mulf %get3A_854, %bitcast_convert_type3A_840 : vector<16xf32>
        %swap3A_856 = arith.index_cast %add3A_764 : i32 to index
        %swap3A_857 = arith.constant 80 : index
        %swap3A_858 = tpu.vector_load %arg17[%swap3A_856, %swap3A_857] {strides = array<i32>} : memref<80x128xf32, #tpu.memory_space<vmem>>, vector<1x16xf32>,
        %swap3A_859 = vector.shape_cast %swap3A_858 : vector<1x16xf32> to vector<16xf32>
        %swap3A_860 = vector.shape_cast %mul3A_855 : vector<16xf32> to vector<1x16xf32>
        tpu.vector_store %arg17[%swap3A_856, %swap3A_857], %swap3A_860 {strides = array<i32>} : memref<80x128xf32, #tpu.memory_space<vmem>>, vector<1x16xf32>,
        %get3A_861 = arith.index_cast %add3A_764 : i32 to index
        %get3A_862 = arith.constant 48 : index
        %get3A_863 = tpu.vector_load %arg15[%get3A_861, %get3A_862] {strides = array<i32>} : memref<80x64xi32, #tpu.memory_space<vmem>>, vector<1x16xi32>,
        %get3A_864 = vector.shape_cast %get3A_863 : vector<1x16xi32> to vector<16xi32>
        %shift_left3A_865 = arith.constant 16 : i32
        %shift_left3A_866 = vector.broadcast %shift_left3A_865 : i32 to vector<16xi32>
        %shift_left3A_867 = arith.shli %get3A_864, %shift_left3A_866 : vector<16xi32>
        %bitcast_convert_type3A_868 = tpu.bitcast %shift_left3A_867 : vector<16xi32> -> vector<16xf32>
        %and3A_869 = arith.constant -65536 : i32
        %and3A_870 = vector.broadcast %and3A_869 : i32 to vector<16xi32>
        %and3A_871 = arith.andi %get3A_864, %and3A_870 : vector<16xi32>
        %bitcast_convert_type3A_872 = tpu.bitcast %and3A_871 : vector<16xi32> -> vector<16xf32>
        %get3A_873 = arith.index_cast %add3A_764 : i32 to index
        %get3A_874 = arith.constant 96 : index
        %get3A_875 = tpu.vector_load %arg17[%get3A_873, %get3A_874] {strides = array<i32>} : memref<80x128xf32, #tpu.memory_space<vmem>>, vector<1x16xf32>,
        %get3A_876 = vector.shape_cast %get3A_875 : vector<1x16xf32> to vector<16xf32>
        %mul3A_877 = arith.mulf %get3A_876, %bitcast_convert_type3A_868 : vector<16xf32>
        %swap3A_878 = arith.index_cast %add3A_764 : i32 to index
        %swap3A_879 = arith.constant 96 : index
        %swap3A_880 = tpu.vector_load %arg17[%swap3A_878, %swap3A_879] {strides = array<i32>} : memref<80x128xf32, #tpu.memory_space<vmem>>, vector<1x16xf32>,
        %swap3A_881 = vector.shape_cast %swap3A_880 : vector<1x16xf32> to vector<16xf32>
        %swap3A_882 = vector.shape_cast %mul3A_877 : vector<16xf32> to vector<1x16xf32>
        tpu.vector_store %arg17[%swap3A_878, %swap3A_879], %swap3A_882 {strides = array<i32>} : memref<80x128xf32, #tpu.memory_space<vmem>>, vector<1x16xf32>,
        %get3A_883 = arith.index_cast %add3A_764 : i32 to index
        %get3A_884 = arith.constant 112 : index
        %get3A_885 = tpu.vector_load %arg17[%get3A_883, %get3A_884] {strides = array<i32>} : memref<80x128xf32, #tpu.memory_space<vmem>>, vector<1x16xf32>,
        %get3A_886 = vector.shape_cast %get3A_885 : vector<1x16xf32> to vector<16xf32>
        %mul3A_887 = arith.mulf %get3A_886, %bitcast_convert_type3A_872 : vector<16xf32>
        %swap3A_888 = arith.index_cast %add3A_764 : i32 to index
        %swap3A_889 = arith.constant 112 : index
        %swap3A_890 = tpu.vector_load %arg17[%swap3A_888, %swap3A_889] {strides = array<i32>} : memref<80x128xf32, #tpu.memory_space<vmem>>, vector<1x16xf32>,
        %swap3A_891 = vector.shape_cast %swap3A_890 : vector<1x16xf32> to vector<16xf32>
        %swap3A_892 = vector.shape_cast %mul3A_887 : vector<16xf32> to vector<1x16xf32>
        tpu.vector_store %arg17[%swap3A_888, %swap3A_889], %swap3A_892 {strides = array<i32>} : memref<80x128xf32, #tpu.memory_space<vmem>>, vector<1x16xf32>,
      }
      %scan3A_303 = arith.constant 20 : i32
      %get3A_304 = arith.constant 0 : index
      %get3A_305 = tpu.vector_load %arg11[%get3A_304] {strides = array<i32>} : memref<80xi32, #tpu.memory_space<vmem>>, vector<16xi32>,
      %get3A_306 = vector.shape_cast %get3A_305 : vector<16xi32> to vector<16xi32>
      %swap3A_307 = arith.constant 0 : index
      %swap3A_308 = tpu.vector_load %arg13[%swap3A_307] {strides = array<i32>} : memref<80xi32, #tpu.memory_space<vmem>>, vector<16xi32>,
      %swap3A_309 = vector.shape_cast %swap3A_308 : vector<16xi32> to vector<16xi32>
      %swap3A_310 = vector.shape_cast %get3A_306 : vector<16xi32> to vector<16xi32>
      tpu.vector_store %arg13[%swap3A_307], %swap3A_310 {strides = array<i32>} : memref<80xi32, #tpu.memory_space<vmem>>, vector<16xi32>,
      %get3A_311 = arith.constant 16 : index
      %get3A_312 = tpu.vector_load %arg11[%get3A_311] {strides = array<i32>} : memref<80xi32, #tpu.memory_space<vmem>>, vector<16xi32>,
      %get3A_313 = vector.shape_cast %get3A_312 : vector<16xi32> to vector<16xi32>
      %swap3A_314 = arith.constant 16 : index
      %swap3A_315 = tpu.vector_load %arg13[%swap3A_314] {strides = array<i32>} : memref<80xi32, #tpu.memory_space<vmem>>, vector<16xi32>,
      %swap3A_316 = vector.shape_cast %swap3A_315 : vector<16xi32> to vector<16xi32>
      %swap3A_317 = vector.shape_cast %get3A_313 : vector<16xi32> to vector<16xi32>
      tpu.vector_store %arg13[%swap3A_314], %swap3A_317 {strides = array<i32>} : memref<80xi32, #tpu.memory_space<vmem>>, vector<16xi32>,
      %get3A_318 = arith.constant 32 : index
      %get3A_319 = tpu.vector_load %arg11[%get3A_318] {strides = array<i32>} : memref<80xi32, #tpu.memory_space<vmem>>, vector<16xi32>,
      %get3A_320 = vector.shape_cast %get3A_319 : vector<16xi32> to vector<16xi32>
      %swap3A_321 = arith.constant 32 : index
      %swap3A_322 = tpu.vector_load %arg13[%swap3A_321] {strides = array<i32>} : memref<80xi32, #tpu.memory_space<vmem>>, vector<16xi32>,
      %swap3A_323 = vector.shape_cast %swap3A_322 : vector<16xi32> to vector<16xi32>
      %swap3A_324 = vector.shape_cast %get3A_320 : vector<16xi32> to vector<16xi32>
      tpu.vector_store %arg13[%swap3A_321], %swap3A_324 {strides = array<i32>} : memref<80xi32, #tpu.memory_space<vmem>>, vector<16xi32>,
      %get3A_325 = arith.constant 48 : index
      %get3A_326 = tpu.vector_load %arg11[%get3A_325] {strides = array<i32>} : memref<80xi32, #tpu.memory_space<vmem>>, vector<16xi32>,
      %get3A_327 = vector.shape_cast %get3A_326 : vector<16xi32> to vector<16xi32>
      %swap3A_328 = arith.constant 48 : index
      %swap3A_329 = tpu.vector_load %arg13[%swap3A_328] {strides = array<i32>} : memref<80xi32, #tpu.memory_space<vmem>>, vector<16xi32>,
      %swap3A_330 = vector.shape_cast %swap3A_329 : vector<16xi32> to vector<16xi32>
      %swap3A_331 = vector.shape_cast %get3A_327 : vector<16xi32> to vector<16xi32>
      tpu.vector_store %arg13[%swap3A_328], %swap3A_331 {strides = array<i32>} : memref<80xi32, #tpu.memory_space<vmem>>, vector<16xi32>,
      %get3A_332 = arith.constant 64 : index
      %get3A_333 = tpu.vector_load %arg11[%get3A_332] {strides = array<i32>} : memref<80xi32, #tpu.memory_space<vmem>>, vector<16xi32>,
      %get3A_334 = vector.shape_cast %get3A_333 : vector<16xi32> to vector<16xi32>
      %swap3A_335 = arith.constant 64 : index
      %swap3A_336 = tpu.vector_load %arg13[%swap3A_335] {strides = array<i32>} : memref<80xi32, #tpu.memory_space<vmem>>, vector<16xi32>,
      %swap3A_337 = vector.shape_cast %swap3A_336 : vector<16xi32> to vector<16xi32>
      %swap3A_338 = vector.shape_cast %get3A_334 : vector<16xi32> to vector<16xi32>
      tpu.vector_store %arg13[%swap3A_335], %swap3A_338 {strides = array<i32>} : memref<80xi32, #tpu.memory_space<vmem>>, vector<16xi32>,
      %dma_start3A_339 = arith.constant 0 : i32
      %dma_start3A_340 = arith.constant 0 : i32
      %dma_start3A_341 = tpu.memref_slice %arg7[%dma_start3A_339, %dma_start3A_340] : memref<10240x128xf32, #tpu.memory_space<vmem_shared>> -> memref<10240x128xf32, #tpu.memory_space<vmem_shared>>
      tpu.enqueue_indirect_dma source(%arg17 : memref<80x128xf32, #tpu.memory_space<vmem>>) target(%dma_start3A_341 : memref<10240x128xf32, #tpu.memory_space<vmem_shared>>) offsets(%arg13 : memref<80xi32, #tpu.memory_space<vmem>>) semaphore(%arg25 : memref<!tpu.dma_semaphore, #tpu.memory_space<semaphore_mem>>) {add = true}
      %mul3A_342 = arith.constant 80 : i32
      %mul3A_343 = arith.muli %rem3A_210, %mul3A_342 : i32
      %add3A_344 = arith.addi %add3A_69, %mul3A_343 : i32
      %dma_start3A_345 = tpu.memref_slice %arg4[%add3A_344] : memref<320000xi32, #tpu.memory_space<hbm>> -> memref<80xi32, #tpu.memory_space<hbm>>
      %dma_start3A_346 = tpu.memref_slice %arg4[%add3A_344] : memref<320000xi32, #tpu.memory_space<hbm>> -> memref<80xi32, #tpu.memory_space<hbm>>
      tpu.enqueue_dma source(%dma_start3A_346 : memref<80xi32, #tpu.memory_space<hbm>>) target(%arg9 : memref<80xi32, #tpu.memory_space<vmem>>) target_semaphore(%arg19 : memref<!tpu.dma_semaphore, #tpu.memory_space<semaphore_mem>>)
      %dma_start3A_347 = tpu.memref_slice %arg5[%add3A_344] : memref<320000xi32, #tpu.memory_space<hbm>> -> memref<80xi32, #tpu.memory_space<hbm>>
      %dma_start3A_348 = tpu.memref_slice %arg5[%add3A_344] : memref<320000xi32, #tpu.memory_space<hbm>> -> memref<80xi32, #tpu.memory_space<hbm>>
      tpu.enqueue_dma source(%dma_start3A_348 : memref<80xi32, #tpu.memory_space<hbm>>) target(%arg11 : memref<80xi32, #tpu.memory_space<vmem>>) target_semaphore(%arg19 : memref<!tpu.dma_semaphore, #tpu.memory_space<semaphore_mem>>)
      %dma_start3A_349 = arith.constant 0 : i32
      %dma_start3A_350 = tpu.memref_slice %arg3[%add3A_344, %dma_start3A_349] : memref<320000x64xi32, #tpu.memory_space<hbm>> -> memref<80x64xi32, #tpu.memory_space<hbm>>
      %dma_start3A_351 = arith.constant 0 : i32
      %dma_start3A_352 = tpu.memref_slice %arg3[%add3A_344, %dma_start3A_351] : memref<320000x64xi32, #tpu.memory_space<hbm>> -> memref<80x64xi32, #tpu.memory_space<hbm>>
      tpu.enqueue_dma source(%dma_start3A_352 : memref<80x64xi32, #tpu.memory_space<hbm>>) target(%arg15 : memref<80x64xi32, #tpu.memory_space<vmem>>) target_semaphore(%arg21 : memref<!tpu.dma_semaphore, #tpu.memory_space<semaphore_mem>>)
      %dma_wait3A_353 = arith.constant 0 : i32
      %dma_wait3A_354 = tpu.memref_slice %arg4[%dma_wait3A_353] : memref<320000xi32, #tpu.memory_space<hbm>> -> memref<80xi32, #tpu.memory_space<hbm>>
      %dma_wait3A_355 = arith.constant 0 : i32
      %dma_wait3A_356 = tpu.memref_slice %arg4[%dma_wait3A_355] : memref<320000xi32, #tpu.memory_space<hbm>> -> memref<80xi32, #tpu.memory_space<hbm>>
      tpu.wait_dma2 semaphore(%arg18 : memref<!tpu.dma_semaphore, #tpu.memory_space<semaphore_mem>>) src(%dma_wait3A_356 : memref<80xi32, #tpu.memory_space<hbm>>) dst(%arg8 : memref<80xi32, #tpu.memory_space<vmem>>)
      %dma_wait3A_357 = arith.constant 0 : i32
      %dma_wait3A_358 = tpu.memref_slice %arg5[%dma_wait3A_357] : memref<320000xi32, #tpu.memory_space<hbm>> -> memref<80xi32, #tpu.memory_space<hbm>>
      %dma_wait3A_359 = arith.constant 0 : i32
      %dma_wait3A_360 = tpu.memref_slice %arg5[%dma_wait3A_359] : memref<320000xi32, #tpu.memory_space<hbm>> -> memref<80xi32, #tpu.memory_space<hbm>>
      tpu.wait_dma2 semaphore(%arg18 : memref<!tpu.dma_semaphore, #tpu.memory_space<semaphore_mem>>) src(%dma_wait3A_360 : memref<80xi32, #tpu.memory_space<hbm>>) dst(%arg10 : memref<80xi32, #tpu.memory_space<vmem>>)
      %dma_wait3A_361 = arith.constant 0 : i32
      %dma_wait3A_362 = arith.constant 0 : i32
      %dma_wait3A_363 = tpu.memref_slice %arg7[%dma_wait3A_361, %dma_wait3A_362] : memref<10240x128xf32, #tpu.memory_space<vmem_shared>> -> memref<10240x128xf32, #tpu.memory_space<vmem_shared>>
      tpu.wait_indirect_dma semaphore(%arg24 : memref<!tpu.dma_semaphore, #tpu.memory_space<semaphore_mem>>) src(%arg16 : memref<80x128xf32, #tpu.memory_space<vmem>>) dst(%dma_wait3A_363 : memref<10240x128xf32, #tpu.memory_space<vmem_shared>>)
      %dma_start3A_364 = arith.constant 0 : i32
      %dma_start3A_365 = arith.constant 0 : i32
      %dma_start3A_366 = tpu.memref_slice %arg2[%dma_start3A_364, %dma_start3A_365] : memref<10000x128xf32, #tpu.memory_space<hbm>> -> memref<10000x128xf32, #tpu.memory_space<hbm>>
      tpu.enqueue_indirect_dma source(%dma_start3A_366 : memref<10000x128xf32, #tpu.memory_space<hbm>>) target(%arg16 : memref<80x128xf32, #tpu.memory_space<vmem>>) offsets(%arg8 : memref<80xi32, #tpu.memory_space<vmem>>) semaphore(%arg22 : memref<!tpu.dma_semaphore, #tpu.memory_space<semaphore_mem>>)
    }
    %scan3A_105 = arith.constant 62 : i32
    %dma_wait3A_106 = arith.constant 0 : i32
    %dma_wait3A_107 = arith.constant 0 : i32
    %dma_wait3A_108 = tpu.memref_slice %arg2[%dma_wait3A_106, %dma_wait3A_107] : memref<10000x128xf32, #tpu.memory_space<hbm>> -> memref<10000x128xf32, #tpu.memory_space<hbm>>
    tpu.wait_indirect_dma semaphore(%arg22 : memref<!tpu.dma_semaphore, #tpu.memory_space<semaphore_mem>>) src(%dma_wait3A_108 : memref<10000x128xf32, #tpu.memory_space<hbm>>) dst(%arg16 : memref<80x128xf32, #tpu.memory_space<vmem>>)
    %dma_wait3A_109 = arith.constant 0 : i32
    %dma_wait3A_110 = arith.constant 0 : i32
    %dma_wait3A_111 = tpu.memref_slice %arg3[%dma_wait3A_109, %dma_wait3A_110] : memref<320000x64xi32, #tpu.memory_space<hbm>> -> memref<80x64xi32, #tpu.memory_space<hbm>>
    %dma_wait3A_112 = arith.constant 0 : i32
    %dma_wait3A_113 = arith.constant 0 : i32
    %dma_wait3A_114 = tpu.memref_slice %arg3[%dma_wait3A_112, %dma_wait3A_113] : memref<320000x64xi32, #tpu.memory_space<hbm>> -> memref<80x64xi32, #tpu.memory_space<hbm>>
    tpu.wait_dma2 semaphore(%arg20 : memref<!tpu.dma_semaphore, #tpu.memory_space<semaphore_mem>>) src(%dma_wait3A_114 : memref<80x64xi32, #tpu.memory_space<hbm>>) dst(%arg14 : memref<80x64xi32, #tpu.memory_space<vmem>>)
    %scan3A_115 = arith.constant 0 : i32
    %scan3A_116 = arith.constant 0 : i32
    %scan3A_117 = arith.constant 20 : i32
    %scan3A_118 = arith.addi %scan3A_116, %scan3A_117 : i32
    %scan3A_119 = arith.constant 1 : i32
    scf.for %scan3A_199 = %scan3A_116 to %scan3A_118 step %scan3A_119  : i32 {
      %mul3A_200 = arith.constant 4 : i32
      %mul3A_201 = arith.muli %scan3A_199, %mul3A_200 : i32
      %add3A_202 = arith.constant 0 : i32
      %add3A_203 = arith.addi %mul3A_201, %add3A_202 : i32
      %get3A_204 = arith.index_cast %add3A_203 : i32 to index
      %get3A_205 = arith.constant 0 : index
      %get3A_206 = tpu.vector_load %arg14[%get3A_204, %get3A_205] {strides = array<i32>} : memref<80x64xi32, #tpu.memory_space<vmem>>, vector<1x16xi32>,
      %get3A_207 = vector.shape_cast %get3A_206 : vector<1x16xi32> to vector<16xi32>
      %shift_left3A = arith.constant 16 : i32
      %shift_left3A_208 = vector.broadcast %shift_left3A : i32 to vector<16xi32>
      %shift_left3A_209 = arith.shli %get3A_207, %shift_left3A_208 : vector<16xi32>
      %bitcast_convert_type3A = tpu.bitcast %shift_left3A_209 : vector<16xi32> -> vector<16xf32>
      %and3A = arith.constant -65536 : i32
      %and3A_210 = vector.broadcast %and3A : i32 to vector<16xi32>
      %and3A_211 = arith.andi %get3A_207, %and3A_210 : vector<16xi32>
      %bitcast_convert_type3A_212 = tpu.bitcast %and3A_211 : vector<16xi32> -> vector<16xf32>
      %get3A_213 = arith.index_cast %add3A_203 : i32 to index
      %get3A_214 = arith.constant 0 : index
      %get3A_215 = tpu.vector_load %arg16[%get3A_213, %get3A_214] {strides = array<i32>} : memref<80x128xf32, #tpu.memory_space<vmem>>, vector<1x16xf32>,
      %get3A_216 = vector.shape_cast %get3A_215 : vector<1x16xf32> to vector<16xf32>
      %mul3A_217 = arith.mulf %get3A_216, %bitcast_convert_type3A : vector<16xf32>
      %swap3A_218 = arith.index_cast %add3A_203 : i32 to index
      %swap3A_219 = arith.constant 0 : index
      %swap3A_220 = tpu.vector_load %arg16[%swap3A_218, %swap3A_219] {strides = array<i32>} : memref<80x128xf32, #tpu.memory_space<vmem>>, vector<1x16xf32>,
      %swap3A_221 = vector.shape_cast %swap3A_220 : vector<1x16xf32> to vector<16xf32>
      %swap3A_222 = vector.shape_cast %mul3A_217 : vector<16xf32> to vector<1x16xf32>
      tpu.vector_store %arg16[%swap3A_218, %swap3A_219], %swap3A_222 {strides = array<i32>} : memref<80x128xf32, #tpu.memory_space<vmem>>, vector<1x16xf32>,
      %get3A_223 = arith.index_cast %add3A_203 : i32 to index
      %get3A_224 = arith.constant 16 : index
      %get3A_225 = tpu.vector_load %arg16[%get3A_223, %get3A_224] {strides = array<i32>} : memref<80x128xf32, #tpu.memory_space<vmem>>, vector<1x16xf32>,
      %get3A_226 = vector.shape_cast %get3A_225 : vector<1x16xf32> to vector<16xf32>
      %mul3A_227 = arith.mulf %get3A_226, %bitcast_convert_type3A_212 : vector<16xf32>
      %swap3A_228 = arith.index_cast %add3A_203 : i32 to index
      %swap3A_229 = arith.constant 16 : index
      %swap3A_230 = tpu.vector_load %arg16[%swap3A_228, %swap3A_229] {strides = array<i32>} : memref<80x128xf32, #tpu.memory_space<vmem>>, vector<1x16xf32>,
      %swap3A_231 = vector.shape_cast %swap3A_230 : vector<1x16xf32> to vector<16xf32>
      %swap3A_232 = vector.shape_cast %mul3A_227 : vector<16xf32> to vector<1x16xf32>
      tpu.vector_store %arg16[%swap3A_228, %swap3A_229], %swap3A_232 {strides = array<i32>} : memref<80x128xf32, #tpu.memory_space<vmem>>, vector<1x16xf32>,
      %get3A_233 = arith.index_cast %add3A_203 : i32 to index
      %get3A_234 = arith.constant 16 : index
      %get3A_235 = tpu.vector_load %arg14[%get3A_233, %get3A_234] {strides = array<i32>} : memref<80x64xi32, #tpu.memory_space<vmem>>, vector<1x16xi32>,
      %get3A_236 = vector.shape_cast %get3A_235 : vector<1x16xi32> to vector<16xi32>
      %shift_left3A_237 = arith.constant 16 : i32
      %shift_left3A_238 = vector.broadcast %shift_left3A_237 : i32 to vector<16xi32>
      %shift_left3A_239 = arith.shli %get3A_236, %shift_left3A_238 : vector<16xi32>
      %bitcast_convert_type3A_240 = tpu.bitcast %shift_left3A_239 : vector<16xi32> -> vector<16xf32>
      %and3A_241 = arith.constant -65536 : i32
      %and3A_242 = vector.broadcast %and3A_241 : i32 to vector<16xi32>
      %and3A_243 = arith.andi %get3A_236, %and3A_242 : vector<16xi32>
      %bitcast_convert_type3A_244 = tpu.bitcast %and3A_243 : vector<16xi32> -> vector<16xf32>
      %get3A_245 = arith.index_cast %add3A_203 : i32 to index
      %get3A_246 = arith.constant 32 : index
      %get3A_247 = tpu.vector_load %arg16[%get3A_245, %get3A_246] {strides = array<i32>} : memref<80x128xf32, #tpu.memory_space<vmem>>, vector<1x16xf32>,
      %get3A_248 = vector.shape_cast %get3A_247 : vector<1x16xf32> to vector<16xf32>
      %mul3A_249 = arith.mulf %get3A_248, %bitcast_convert_type3A_240 : vector<16xf32>
      %swap3A_250 = arith.index_cast %add3A_203 : i32 to index
      %swap3A_251 = arith.constant 32 : index
      %swap3A_252 = tpu.vector_load %arg16[%swap3A_250, %swap3A_251] {strides = array<i32>} : memref<80x128xf32, #tpu.memory_space<vmem>>, vector<1x16xf32>,
      %swap3A_253 = vector.shape_cast %swap3A_252 : vector<1x16xf32> to vector<16xf32>
      %swap3A_254 = vector.shape_cast %mul3A_249 : vector<16xf32> to vector<1x16xf32>
      tpu.vector_store %arg16[%swap3A_250, %swap3A_251], %swap3A_254 {strides = array<i32>} : memref<80x128xf32, #tpu.memory_space<vmem>>, vector<1x16xf32>,
      %get3A_255 = arith.index_cast %add3A_203 : i32 to index
      %get3A_256 = arith.constant 48 : index
      %get3A_257 = tpu.vector_load %arg16[%get3A_255, %get3A_256] {strides = array<i32>} : memref<80x128xf32, #tpu.memory_space<vmem>>, vector<1x16xf32>,
      %get3A_258 = vector.shape_cast %get3A_257 : vector<1x16xf32> to vector<16xf32>
      %mul3A_259 = arith.mulf %get3A_258, %bitcast_convert_type3A_244 : vector<16xf32>
      %swap3A_260 = arith.index_cast %add3A_203 : i32 to index
      %swap3A_261 = arith.constant 48 : index
      %swap3A_262 = tpu.vector_load %arg16[%swap3A_260, %swap3A_261] {strides = array<i32>} : memref<80x128xf32, #tpu.memory_space<vmem>>, vector<1x16xf32>,
      %swap3A_263 = vector.shape_cast %swap3A_262 : vector<1x16xf32> to vector<16xf32>
      %swap3A_264 = vector.shape_cast %mul3A_259 : vector<16xf32> to vector<1x16xf32>
      tpu.vector_store %arg16[%swap3A_260, %swap3A_261], %swap3A_264 {strides = array<i32>} : memref<80x128xf32, #tpu.memory_space<vmem>>, vector<1x16xf32>,
      %get3A_265 = arith.index_cast %add3A_203 : i32 to index
      %get3A_266 = arith.constant 32 : index
      %get3A_267 = tpu.vector_load %arg14[%get3A_265, %get3A_266] {strides = array<i32>} : memref<80x64xi32, #tpu.memory_space<vmem>>, vector<1x16xi32>,
      %get3A_268 = vector.shape_cast %get3A_267 : vector<1x16xi32> to vector<16xi32>
      %shift_left3A_269 = arith.constant 16 : i32
      %shift_left3A_270 = vector.broadcast %shift_left3A_269 : i32 to vector<16xi32>
      %shift_left3A_271 = arith.shli %get3A_268, %shift_left3A_270 : vector<16xi32>
      %bitcast_convert_type3A_272 = tpu.bitcast %shift_left3A_271 : vector<16xi32> -> vector<16xf32>
      %and3A_273 = arith.constant -65536 : i32
      %and3A_274 = vector.broadcast %and3A_273 : i32 to vector<16xi32>
      %and3A_275 = arith.andi %get3A_268, %and3A_274 : vector<16xi32>
      %bitcast_convert_type3A_276 = tpu.bitcast %and3A_275 : vector<16xi32> -> vector<16xf32>
      %get3A_277 = arith.index_cast %add3A_203 : i32 to index
      %get3A_278 = arith.constant 64 : index
      %get3A_279 = tpu.vector_load %arg16[%get3A_277, %get3A_278] {strides = array<i32>} : memref<80x128xf32, #tpu.memory_space<vmem>>, vector<1x16xf32>,
      %get3A_280 = vector.shape_cast %get3A_279 : vector<1x16xf32> to vector<16xf32>
      %mul3A_281 = arith.mulf %get3A_280, %bitcast_convert_type3A_272 : vector<16xf32>
      %swap3A_282 = arith.index_cast %add3A_203 : i32 to index
      %swap3A_283 = arith.constant 64 : index
      %swap3A_284 = tpu.vector_load %arg16[%swap3A_282, %swap3A_283] {strides = array<i32>} : memref<80x128xf32, #tpu.memory_space<vmem>>, vector<1x16xf32>,
      %swap3A_285 = vector.shape_cast %swap3A_284 : vector<1x16xf32> to vector<16xf32>
      %swap3A_286 = vector.shape_cast %mul3A_281 : vector<16xf32> to vector<1x16xf32>
      tpu.vector_store %arg16[%swap3A_282, %swap3A_283], %swap3A_286 {strides = array<i32>} : memref<80x128xf32, #tpu.memory_space<vmem>>, vector<1x16xf32>,
      %get3A_287 = arith.index_cast %add3A_203 : i32 to index
      %get3A_288 = arith.constant 80 : index
      %get3A_289 = tpu.vector_load %arg16[%get3A_287, %get3A_288] {strides = array<i32>} : memref<80x128xf32, #tpu.memory_space<vmem>>, vector<1x16xf32>,
      %get3A_290 = vector.shape_cast %get3A_289 : vector<1x16xf32> to vector<16xf32>
      %mul3A_291 = arith.mulf %get3A_290, %bitcast_convert_type3A_276 : vector<16xf32>
      %swap3A_292 = arith.index_cast %add3A_203 : i32 to index
      %swap3A_293 = arith.constant 80 : index
      %swap3A_294 = tpu.vector_load %arg16[%swap3A_292, %swap3A_293] {strides = array<i32>} : memref<80x128xf32, #tpu.memory_space<vmem>>, vector<1x16xf32>,
      %swap3A_295 = vector.shape_cast %swap3A_294 : vector<1x16xf32> to vector<16xf32>
      %swap3A_296 = vector.shape_cast %mul3A_291 : vector<16xf32> to vector<1x16xf32>
      tpu.vector_store %arg16[%swap3A_292, %swap3A_293], %swap3A_296 {strides = array<i32>} : memref<80x128xf32, #tpu.memory_space<vmem>>, vector<1x16xf32>,
      %get3A_297 = arith.index_cast %add3A_203 : i32 to index
      %get3A_298 = arith.constant 48 : index
      %get3A_299 = tpu.vector_load %arg14[%get3A_297, %get3A_298] {strides = array<i32>} : memref<80x64xi32, #tpu.memory_space<vmem>>, vector<1x16xi32>,
      %get3A_300 = vector.shape_cast %get3A_299 : vector<1x16xi32> to vector<16xi32>
      %shift_left3A_301 = arith.constant 16 : i32
      %shift_left3A_302 = vector.broadcast %shift_left3A_301 : i32 to vector<16xi32>
      %shift_left3A_303 = arith.shli %get3A_300, %shift_left3A_302 : vector<16xi32>
      %bitcast_convert_type3A_304 = tpu.bitcast %shift_left3A_303 : vector<16xi32> -> vector<16xf32>
      %and3A_305 = arith.constant -65536 : i32
      %and3A_306 = vector.broadcast %and3A_305 : i32 to vector<16xi32>
      %and3A_307 = arith.andi %get3A_300, %and3A_306 : vector<16xi32>
      %bitcast_convert_type3A_308 = tpu.bitcast %and3A_307 : vector<16xi32> -> vector<16xf32>
      %get3A_309 = arith.index_cast %add3A_203 : i32 to index
      %get3A_310 = arith.constant 96 : index
      %get3A_311 = tpu.vector_load %arg16[%get3A_309, %get3A_310] {strides = array<i32>} : memref<80x128xf32, #tpu.memory_space<vmem>>, vector<1x16xf32>,
      %get3A_312 = vector.shape_cast %get3A_311 : vector<1x16xf32> to vector<16xf32>
      %mul3A_313 = arith.mulf %get3A_312, %bitcast_convert_type3A_304 : vector<16xf32>
      %swap3A_314 = arith.index_cast %add3A_203 : i32 to index
      %swap3A_315 = arith.constant 96 : index
      %swap3A_316 = tpu.vector_load %arg16[%swap3A_314, %swap3A_315] {strides = array<i32>} : memref<80x128xf32, #tpu.memory_space<vmem>>, vector<1x16xf32>,
      %swap3A_317 = vector.shape_cast %swap3A_316 : vector<1x16xf32> to vector<16xf32>
      %swap3A_318 = vector.shape_cast %mul3A_313 : vector<16xf32> to vector<1x16xf32>
      tpu.vector_store %arg16[%swap3A_314, %swap3A_315], %swap3A_318 {strides = array<i32>} : memref<80x128xf32, #tpu.memory_space<vmem>>, vector<1x16xf32>,
      %get3A_319 = arith.index_cast %add3A_203 : i32 to index
      %get3A_320 = arith.constant 112 : index
      %get3A_321 = tpu.vector_load %arg16[%get3A_319, %get3A_320] {strides = array<i32>} : memref<80x128xf32, #tpu.memory_space<vmem>>, vector<1x16xf32>,
      %get3A_322 = vector.shape_cast %get3A_321 : vector<1x16xf32> to vector<16xf32>
      %mul3A_323 = arith.mulf %get3A_322, %bitcast_convert_type3A_308 : vector<16xf32>
      %swap3A_324 = arith.index_cast %add3A_203 : i32 to index
      %swap3A_325 = arith.constant 112 : index
      %swap3A_326 = tpu.vector_load %arg16[%swap3A_324, %swap3A_325] {strides = array<i32>} : memref<80x128xf32, #tpu.memory_space<vmem>>, vector<1x16xf32>,
      %swap3A_327 = vector.shape_cast %swap3A_326 : vector<1x16xf32> to vector<16xf32>
      %swap3A_328 = vector.shape_cast %mul3A_323 : vector<16xf32> to vector<1x16xf32>
      tpu.vector_store %arg16[%swap3A_324, %swap3A_325], %swap3A_328 {strides = array<i32>} : memref<80x128xf32, #tpu.memory_space<vmem>>, vector<1x16xf32>,
      %mul3A_329 = arith.constant 4 : i32
      %mul3A_330 = arith.muli %scan3A_199, %mul3A_329 : i32
      %add3A_331 = arith.constant 1 : i32
      %add3A_332 = arith.addi %mul3A_330, %add3A_331 : i32
      %get3A_333 = arith.index_cast %add3A_332 : i32 to index
      %get3A_334 = arith.constant 0 : index
      %get3A_335 = tpu.vector_load %arg14[%get3A_333, %get3A_334] {strides = array<i32>} : memref<80x64xi32, #tpu.memory_space<vmem>>, vector<1x16xi32>,
      %get3A_336 = vector.shape_cast %get3A_335 : vector<1x16xi32> to vector<16xi32>
      %shift_left3A_337 = arith.constant 16 : i32
      %shift_left3A_338 = vector.broadcast %shift_left3A_337 : i32 to vector<16xi32>
      %shift_left3A_339 = arith.shli %get3A_336, %shift_left3A_338 : vector<16xi32>
      %bitcast_convert_type3A_340 = tpu.bitcast %shift_left3A_339 : vector<16xi32> -> vector<16xf32>
      %and3A_341 = arith.constant -65536 : i32
      %and3A_342 = vector.broadcast %and3A_341 : i32 to vector<16xi32>
      %and3A_343 = arith.andi %get3A_336, %and3A_342 : vector<16xi32>
      %bitcast_convert_type3A_344 = tpu.bitcast %and3A_343 : vector<16xi32> -> vector<16xf32>
      %get3A_345 = arith.index_cast %add3A_332 : i32 to index
      %get3A_346 = arith.constant 0 : index
      %get3A_347 = tpu.vector_load %arg16[%get3A_345, %get3A_346] {strides = array<i32>} : memref<80x128xf32, #tpu.memory_space<vmem>>, vector<1x16xf32>,
      %get3A_348 = vector.shape_cast %get3A_347 : vector<1x16xf32> to vector<16xf32>
      %mul3A_349 = arith.mulf %get3A_348, %bitcast_convert_type3A_340 : vector<16xf32>
      %swap3A_350 = arith.index_cast %add3A_332 : i32 to index
      %swap3A_351 = arith.constant 0 : index
      %swap3A_352 = tpu.vector_load %arg16[%swap3A_350, %swap3A_351] {strides = array<i32>} : memref<80x128xf32, #tpu.memory_space<vmem>>, vector<1x16xf32>,
      %swap3A_353 = vector.shape_cast %swap3A_352 : vector<1x16xf32> to vector<16xf32>
      %swap3A_354 = vector.shape_cast %mul3A_349 : vector<16xf32> to vector<1x16xf32>
      tpu.vector_store %arg16[%swap3A_350, %swap3A_351], %swap3A_354 {strides = array<i32>} : memref<80x128xf32, #tpu.memory_space<vmem>>, vector<1x16xf32>,
      %get3A_355 = arith.index_cast %add3A_332 : i32 to index
      %get3A_356 = arith.constant 16 : index
      %get3A_357 = tpu.vector_load %arg16[%get3A_355, %get3A_356] {strides = array<i32>} : memref<80x128xf32, #tpu.memory_space<vmem>>, vector<1x16xf32>,
      %get3A_358 = vector.shape_cast %get3A_357 : vector<1x16xf32> to vector<16xf32>
      %mul3A_359 = arith.mulf %get3A_358, %bitcast_convert_type3A_344 : vector<16xf32>
      %swap3A_360 = arith.index_cast %add3A_332 : i32 to index
      %swap3A_361 = arith.constant 16 : index
      %swap3A_362 = tpu.vector_load %arg16[%swap3A_360, %swap3A_361] {strides = array<i32>} : memref<80x128xf32, #tpu.memory_space<vmem>>, vector<1x16xf32>,
      %swap3A_363 = vector.shape_cast %swap3A_362 : vector<1x16xf32> to vector<16xf32>
      %swap3A_364 = vector.shape_cast %mul3A_359 : vector<16xf32> to vector<1x16xf32>
      tpu.vector_store %arg16[%swap3A_360, %swap3A_361], %swap3A_364 {strides = array<i32>} : memref<80x128xf32, #tpu.memory_space<vmem>>, vector<1x16xf32>,
      %get3A_365 = arith.index_cast %add3A_332 : i32 to index
      %get3A_366 = arith.constant 16 : index
      %get3A_367 = tpu.vector_load %arg14[%get3A_365, %get3A_366] {strides = array<i32>} : memref<80x64xi32, #tpu.memory_space<vmem>>, vector<1x16xi32>,
      %get3A_368 = vector.shape_cast %get3A_367 : vector<1x16xi32> to vector<16xi32>
      %shift_left3A_369 = arith.constant 16 : i32
      %shift_left3A_370 = vector.broadcast %shift_left3A_369 : i32 to vector<16xi32>
      %shift_left3A_371 = arith.shli %get3A_368, %shift_left3A_370 : vector<16xi32>
      %bitcast_convert_type3A_372 = tpu.bitcast %shift_left3A_371 : vector<16xi32> -> vector<16xf32>
      %and3A_373 = arith.constant -65536 : i32
      %and3A_374 = vector.broadcast %and3A_373 : i32 to vector<16xi32>
      %and3A_375 = arith.andi %get3A_368, %and3A_374 : vector<16xi32>
      %bitcast_convert_type3A_376 = tpu.bitcast %and3A_375 : vector<16xi32> -> vector<16xf32>
      %get3A_377 = arith.index_cast %add3A_332 : i32 to index
      %get3A_378 = arith.constant 32 : index
      %get3A_379 = tpu.vector_load %arg16[%get3A_377, %get3A_378] {strides = array<i32>} : memref<80x128xf32, #tpu.memory_space<vmem>>, vector<1x16xf32>,
      %get3A_380 = vector.shape_cast %get3A_379 : vector<1x16xf32> to vector<16xf32>
      %mul3A_381 = arith.mulf %get3A_380, %bitcast_convert_type3A_372 : vector<16xf32>
      %swap3A_382 = arith.index_cast %add3A_332 : i32 to index
      %swap3A_383 = arith.constant 32 : index
      %swap3A_384 = tpu.vector_load %arg16[%swap3A_382, %swap3A_383] {strides = array<i32>} : memref<80x128xf32, #tpu.memory_space<vmem>>, vector<1x16xf32>,
      %swap3A_385 = vector.shape_cast %swap3A_384 : vector<1x16xf32> to vector<16xf32>
      %swap3A_386 = vector.shape_cast %mul3A_381 : vector<16xf32> to vector<1x16xf32>
      tpu.vector_store %arg16[%swap3A_382, %swap3A_383], %swap3A_386 {strides = array<i32>} : memref<80x128xf32, #tpu.memory_space<vmem>>, vector<1x16xf32>,
      %get3A_387 = arith.index_cast %add3A_332 : i32 to index
      %get3A_388 = arith.constant 48 : index
      %get3A_389 = tpu.vector_load %arg16[%get3A_387, %get3A_388] {strides = array<i32>} : memref<80x128xf32, #tpu.memory_space<vmem>>, vector<1x16xf32>,
      %get3A_390 = vector.shape_cast %get3A_389 : vector<1x16xf32> to vector<16xf32>
      %mul3A_391 = arith.mulf %get3A_390, %bitcast_convert_type3A_376 : vector<16xf32>
      %swap3A_392 = arith.index_cast %add3A_332 : i32 to index
      %swap3A_393 = arith.constant 48 : index
      %swap3A_394 = tpu.vector_load %arg16[%swap3A_392, %swap3A_393] {strides = array<i32>} : memref<80x128xf32, #tpu.memory_space<vmem>>, vector<1x16xf32>,
      %swap3A_395 = vector.shape_cast %swap3A_394 : vector<1x16xf32> to vector<16xf32>
      %swap3A_396 = vector.shape_cast %mul3A_391 : vector<16xf32> to vector<1x16xf32>
      tpu.vector_store %arg16[%swap3A_392, %swap3A_393], %swap3A_396 {strides = array<i32>} : memref<80x128xf32, #tpu.memory_space<vmem>>, vector<1x16xf32>,
      %get3A_397 = arith.index_cast %add3A_332 : i32 to index
      %get3A_398 = arith.constant 32 : index
      %get3A_399 = tpu.vector_load %arg14[%get3A_397, %get3A_398] {strides = array<i32>} : memref<80x64xi32, #tpu.memory_space<vmem>>, vector<1x16xi32>,
      %get3A_400 = vector.shape_cast %get3A_399 : vector<1x16xi32> to vector<16xi32>
      %shift_left3A_401 = arith.constant 16 : i32
      %shift_left3A_402 = vector.broadcast %shift_left3A_401 : i32 to vector<16xi32>
      %shift_left3A_403 = arith.shli %get3A_400, %shift_left3A_402 : vector<16xi32>
      %bitcast_convert_type3A_404 = tpu.bitcast %shift_left3A_403 : vector<16xi32> -> vector<16xf32>
      %and3A_405 = arith.constant -65536 : i32
      %and3A_406 = vector.broadcast %and3A_405 : i32 to vector<16xi32>
      %and3A_407 = arith.andi %get3A_400, %and3A_406 : vector<16xi32>
      %bitcast_convert_type3A_408 = tpu.bitcast %and3A_407 : vector<16xi32> -> vector<16xf32>
      %get3A_409 = arith.index_cast %add3A_332 : i32 to index
      %get3A_410 = arith.constant 64 : index
      %get3A_411 = tpu.vector_load %arg16[%get3A_409, %get3A_410] {strides = array<i32>} : memref<80x128xf32, #tpu.memory_space<vmem>>, vector<1x16xf32>,
      %get3A_412 = vector.shape_cast %get3A_411 : vector<1x16xf32> to vector<16xf32>
      %mul3A_413 = arith.mulf %get3A_412, %bitcast_convert_type3A_404 : vector<16xf32>
      %swap3A_414 = arith.index_cast %add3A_332 : i32 to index
      %swap3A_415 = arith.constant 64 : index
      %swap3A_416 = tpu.vector_load %arg16[%swap3A_414, %swap3A_415] {strides = array<i32>} : memref<80x128xf32, #tpu.memory_space<vmem>>, vector<1x16xf32>,
      %swap3A_417 = vector.shape_cast %swap3A_416 : vector<1x16xf32> to vector<16xf32>
      %swap3A_418 = vector.shape_cast %mul3A_413 : vector<16xf32> to vector<1x16xf32>
      tpu.vector_store %arg16[%swap3A_414, %swap3A_415], %swap3A_418 {strides = array<i32>} : memref<80x128xf32, #tpu.memory_space<vmem>>, vector<1x16xf32>,
      %get3A_419 = arith.index_cast %add3A_332 : i32 to index
      %get3A_420 = arith.constant 80 : index
      %get3A_421 = tpu.vector_load %arg16[%get3A_419, %get3A_420] {strides = array<i32>} : memref<80x128xf32, #tpu.memory_space<vmem>>, vector<1x16xf32>,
      %get3A_422 = vector.shape_cast %get3A_421 : vector<1x16xf32> to vector<16xf32>
      %mul3A_423 = arith.mulf %get3A_422, %bitcast_convert_type3A_408 : vector<16xf32>
      %swap3A_424 = arith.index_cast %add3A_332 : i32 to index
      %swap3A_425 = arith.constant 80 : index
      %swap3A_426 = tpu.vector_load %arg16[%swap3A_424, %swap3A_425] {strides = array<i32>} : memref<80x128xf32, #tpu.memory_space<vmem>>, vector<1x16xf32>,
      %swap3A_427 = vector.shape_cast %swap3A_426 : vector<1x16xf32> to vector<16xf32>
      %swap3A_428 = vector.shape_cast %mul3A_423 : vector<16xf32> to vector<1x16xf32>
      tpu.vector_store %arg16[%swap3A_424, %swap3A_425], %swap3A_428 {strides = array<i32>} : memref<80x128xf32, #tpu.memory_space<vmem>>, vector<1x16xf32>,
      %get3A_429 = arith.index_cast %add3A_332 : i32 to index
      %get3A_430 = arith.constant 48 : index
      %get3A_431 = tpu.vector_load %arg14[%get3A_429, %get3A_430] {strides = array<i32>} : memref<80x64xi32, #tpu.memory_space<vmem>>, vector<1x16xi32>,
      %get3A_432 = vector.shape_cast %get3A_431 : vector<1x16xi32> to vector<16xi32>
      %shift_left3A_433 = arith.constant 16 : i32
      %shift_left3A_434 = vector.broadcast %shift_left3A_433 : i32 to vector<16xi32>
      %shift_left3A_435 = arith.shli %get3A_432, %shift_left3A_434 : vector<16xi32>
      %bitcast_convert_type3A_436 = tpu.bitcast %shift_left3A_435 : vector<16xi32> -> vector<16xf32>
      %and3A_437 = arith.constant -65536 : i32
      %and3A_438 = vector.broadcast %and3A_437 : i32 to vector<16xi32>
      %and3A_439 = arith.andi %get3A_432, %and3A_438 : vector<16xi32>
      %bitcast_convert_type3A_440 = tpu.bitcast %and3A_439 : vector<16xi32> -> vector<16xf32>
      %get3A_441 = arith.index_cast %add3A_332 : i32 to index
      %get3A_442 = arith.constant 96 : index
      %get3A_443 = tpu.vector_load %arg16[%get3A_441, %get3A_442] {strides = array<i32>} : memref<80x128xf32, #tpu.memory_space<vmem>>, vector<1x16xf32>,
      %get3A_444 = vector.shape_cast %get3A_443 : vector<1x16xf32> to vector<16xf32>
      %mul3A_445 = arith.mulf %get3A_444, %bitcast_convert_type3A_436 : vector<16xf32>
      %swap3A_446 = arith.index_cast %add3A_332 : i32 to index
      %swap3A_447 = arith.constant 96 : index
      %swap3A_448 = tpu.vector_load %arg16[%swap3A_446, %swap3A_447] {strides = array<i32>} : memref<80x128xf32, #tpu.memory_space<vmem>>, vector<1x16xf32>,
      %swap3A_449 = vector.shape_cast %swap3A_448 : vector<1x16xf32> to vector<16xf32>
      %swap3A_450 = vector.shape_cast %mul3A_445 : vector<16xf32> to vector<1x16xf32>
      tpu.vector_store %arg16[%swap3A_446, %swap3A_447], %swap3A_450 {strides = array<i32>} : memref<80x128xf32, #tpu.memory_space<vmem>>, vector<1x16xf32>,
      %get3A_451 = arith.index_cast %add3A_332 : i32 to index
      %get3A_452 = arith.constant 112 : index
      %get3A_453 = tpu.vector_load %arg16[%get3A_451, %get3A_452] {strides = array<i32>} : memref<80x128xf32, #tpu.memory_space<vmem>>, vector<1x16xf32>,
      %get3A_454 = vector.shape_cast %get3A_453 : vector<1x16xf32> to vector<16xf32>
      %mul3A_455 = arith.mulf %get3A_454, %bitcast_convert_type3A_440 : vector<16xf32>
      %swap3A_456 = arith.index_cast %add3A_332 : i32 to index
      %swap3A_457 = arith.constant 112 : index
      %swap3A_458 = tpu.vector_load %arg16[%swap3A_456, %swap3A_457] {strides = array<i32>} : memref<80x128xf32, #tpu.memory_space<vmem>>, vector<1x16xf32>,
      %swap3A_459 = vector.shape_cast %swap3A_458 : vector<1x16xf32> to vector<16xf32>
      %swap3A_460 = vector.shape_cast %mul3A_455 : vector<16xf32> to vector<1x16xf32>
      tpu.vector_store %arg16[%swap3A_456, %swap3A_457], %swap3A_460 {strides = array<i32>} : memref<80x128xf32, #tpu.memory_space<vmem>>, vector<1x16xf32>,
      %mul3A_461 = arith.constant 4 : i32
      %mul3A_462 = arith.muli %scan3A_199, %mul3A_461 : i32
      %add3A_463 = arith.constant 2 : i32
      %add3A_464 = arith.addi %mul3A_462, %add3A_463 : i32
      %get3A_465 = arith.index_cast %add3A_464 : i32 to index
      %get3A_466 = arith.constant 0 : index
      %get3A_467 = tpu.vector_load %arg14[%get3A_465, %get3A_466] {strides = array<i32>} : memref<80x64xi32, #tpu.memory_space<vmem>>, vector<1x16xi32>,
      %get3A_468 = vector.shape_cast %get3A_467 : vector<1x16xi32> to vector<16xi32>
      %shift_left3A_469 = arith.constant 16 : i32
      %shift_left3A_470 = vector.broadcast %shift_left3A_469 : i32 to vector<16xi32>
      %shift_left3A_471 = arith.shli %get3A_468, %shift_left3A_470 : vector<16xi32>
      %bitcast_convert_type3A_472 = tpu.bitcast %shift_left3A_471 : vector<16xi32> -> vector<16xf32>
      %and3A_473 = arith.constant -65536 : i32
      %and3A_474 = vector.broadcast %and3A_473 : i32 to vector<16xi32>
      %and3A_475 = arith.andi %get3A_468, %and3A_474 : vector<16xi32>
      %bitcast_convert_type3A_476 = tpu.bitcast %and3A_475 : vector<16xi32> -> vector<16xf32>
      %get3A_477 = arith.index_cast %add3A_464 : i32 to index
      %get3A_478 = arith.constant 0 : index
      %get3A_479 = tpu.vector_load %arg16[%get3A_477, %get3A_478] {strides = array<i32>} : memref<80x128xf32, #tpu.memory_space<vmem>>, vector<1x16xf32>,
      %get3A_480 = vector.shape_cast %get3A_479 : vector<1x16xf32> to vector<16xf32>
      %mul3A_481 = arith.mulf %get3A_480, %bitcast_convert_type3A_472 : vector<16xf32>
      %swap3A_482 = arith.index_cast %add3A_464 : i32 to index
      %swap3A_483 = arith.constant 0 : index
      %swap3A_484 = tpu.vector_load %arg16[%swap3A_482, %swap3A_483] {strides = array<i32>} : memref<80x128xf32, #tpu.memory_space<vmem>>, vector<1x16xf32>,
      %swap3A_485 = vector.shape_cast %swap3A_484 : vector<1x16xf32> to vector<16xf32>
      %swap3A_486 = vector.shape_cast %mul3A_481 : vector<16xf32> to vector<1x16xf32>
      tpu.vector_store %arg16[%swap3A_482, %swap3A_483], %swap3A_486 {strides = array<i32>} : memref<80x128xf32, #tpu.memory_space<vmem>>, vector<1x16xf32>,
      %get3A_487 = arith.index_cast %add3A_464 : i32 to index
      %get3A_488 = arith.constant 16 : index
      %get3A_489 = tpu.vector_load %arg16[%get3A_487, %get3A_488] {strides = array<i32>} : memref<80x128xf32, #tpu.memory_space<vmem>>, vector<1x16xf32>,
      %get3A_490 = vector.shape_cast %get3A_489 : vector<1x16xf32> to vector<16xf32>
      %mul3A_491 = arith.mulf %get3A_490, %bitcast_convert_type3A_476 : vector<16xf32>
      %swap3A_492 = arith.index_cast %add3A_464 : i32 to index
      %swap3A_493 = arith.constant 16 : index
      %swap3A_494 = tpu.vector_load %arg16[%swap3A_492, %swap3A_493] {strides = array<i32>} : memref<80x128xf32, #tpu.memory_space<vmem>>, vector<1x16xf32>,
      %swap3A_495 = vector.shape_cast %swap3A_494 : vector<1x16xf32> to vector<16xf32>
      %swap3A_496 = vector.shape_cast %mul3A_491 : vector<16xf32> to vector<1x16xf32>
      tpu.vector_store %arg16[%swap3A_492, %swap3A_493], %swap3A_496 {strides = array<i32>} : memref<80x128xf32, #tpu.memory_space<vmem>>, vector<1x16xf32>,
      %get3A_497 = arith.index_cast %add3A_464 : i32 to index
      %get3A_498 = arith.constant 16 : index
      %get3A_499 = tpu.vector_load %arg14[%get3A_497, %get3A_498] {strides = array<i32>} : memref<80x64xi32, #tpu.memory_space<vmem>>, vector<1x16xi32>,
      %get3A_500 = vector.shape_cast %get3A_499 : vector<1x16xi32> to vector<16xi32>
      %shift_left3A_501 = arith.constant 16 : i32
      %shift_left3A_502 = vector.broadcast %shift_left3A_501 : i32 to vector<16xi32>
      %shift_left3A_503 = arith.shli %get3A_500, %shift_left3A_502 : vector<16xi32>
      %bitcast_convert_type3A_504 = tpu.bitcast %shift_left3A_503 : vector<16xi32> -> vector<16xf32>
      %and3A_505 = arith.constant -65536 : i32
      %and3A_506 = vector.broadcast %and3A_505 : i32 to vector<16xi32>
      %and3A_507 = arith.andi %get3A_500, %and3A_506 : vector<16xi32>
      %bitcast_convert_type3A_508 = tpu.bitcast %and3A_507 : vector<16xi32> -> vector<16xf32>
      %get3A_509 = arith.index_cast %add3A_464 : i32 to index
      %get3A_510 = arith.constant 32 : index
      %get3A_511 = tpu.vector_load %arg16[%get3A_509, %get3A_510] {strides = array<i32>} : memref<80x128xf32, #tpu.memory_space<vmem>>, vector<1x16xf32>,
      %get3A_512 = vector.shape_cast %get3A_511 : vector<1x16xf32> to vector<16xf32>
      %mul3A_513 = arith.mulf %get3A_512, %bitcast_convert_type3A_504 : vector<16xf32>
      %swap3A_514 = arith.index_cast %add3A_464 : i32 to index
      %swap3A_515 = arith.constant 32 : index
      %swap3A_516 = tpu.vector_load %arg16[%swap3A_514, %swap3A_515] {strides = array<i32>} : memref<80x128xf32, #tpu.memory_space<vmem>>, vector<1x16xf32>,
      %swap3A_517 = vector.shape_cast %swap3A_516 : vector<1x16xf32> to vector<16xf32>
      %swap3A_518 = vector.shape_cast %mul3A_513 : vector<16xf32> to vector<1x16xf32>
      tpu.vector_store %arg16[%swap3A_514, %swap3A_515], %swap3A_518 {strides = array<i32>} : memref<80x128xf32, #tpu.memory_space<vmem>>, vector<1x16xf32>,
      %get3A_519 = arith.index_cast %add3A_464 : i32 to index
      %get3A_520 = arith.constant 48 : index
      %get3A_521 = tpu.vector_load %arg16[%get3A_519, %get3A_520] {strides = array<i32>} : memref<80x128xf32, #tpu.memory_space<vmem>>, vector<1x16xf32>,
      %get3A_522 = vector.shape_cast %get3A_521 : vector<1x16xf32> to vector<16xf32>
      %mul3A_523 = arith.mulf %get3A_522, %bitcast_convert_type3A_508 : vector<16xf32>
      %swap3A_524 = arith.index_cast %add3A_464 : i32 to index
      %swap3A_525 = arith.constant 48 : index
      %swap3A_526 = tpu.vector_load %arg16[%swap3A_524, %swap3A_525] {strides = array<i32>} : memref<80x128xf32, #tpu.memory_space<vmem>>, vector<1x16xf32>,
      %swap3A_527 = vector.shape_cast %swap3A_526 : vector<1x16xf32> to vector<16xf32>
      %swap3A_528 = vector.shape_cast %mul3A_523 : vector<16xf32> to vector<1x16xf32>
      tpu.vector_store %arg16[%swap3A_524, %swap3A_525], %swap3A_528 {strides = array<i32>} : memref<80x128xf32, #tpu.memory_space<vmem>>, vector<1x16xf32>,
      %get3A_529 = arith.index_cast %add3A_464 : i32 to index
      %get3A_530 = arith.constant 32 : index
      %get3A_531 = tpu.vector_load %arg14[%get3A_529, %get3A_530] {strides = array<i32>} : memref<80x64xi32, #tpu.memory_space<vmem>>, vector<1x16xi32>,
      %get3A_532 = vector.shape_cast %get3A_531 : vector<1x16xi32> to vector<16xi32>
      %shift_left3A_533 = arith.constant 16 : i32
      %shift_left3A_534 = vector.broadcast %shift_left3A_533 : i32 to vector<16xi32>
      %shift_left3A_535 = arith.shli %get3A_532, %shift_left3A_534 : vector<16xi32>
      %bitcast_convert_type3A_536 = tpu.bitcast %shift_left3A_535 : vector<16xi32> -> vector<16xf32>
      %and3A_537 = arith.constant -65536 : i32
      %and3A_538 = vector.broadcast %and3A_537 : i32 to vector<16xi32>
      %and3A_539 = arith.andi %get3A_532, %and3A_538 : vector<16xi32>
      %bitcast_convert_type3A_540 = tpu.bitcast %and3A_539 : vector<16xi32> -> vector<16xf32>
      %get3A_541 = arith.index_cast %add3A_464 : i32 to index
      %get3A_542 = arith.constant 64 : index
      %get3A_543 = tpu.vector_load %arg16[%get3A_541, %get3A_542] {strides = array<i32>} : memref<80x128xf32, #tpu.memory_space<vmem>>, vector<1x16xf32>,
      %get3A_544 = vector.shape_cast %get3A_543 : vector<1x16xf32> to vector<16xf32>
      %mul3A_545 = arith.mulf %get3A_544, %bitcast_convert_type3A_536 : vector<16xf32>
      %swap3A_546 = arith.index_cast %add3A_464 : i32 to index
      %swap3A_547 = arith.constant 64 : index
      %swap3A_548 = tpu.vector_load %arg16[%swap3A_546, %swap3A_547] {strides = array<i32>} : memref<80x128xf32, #tpu.memory_space<vmem>>, vector<1x16xf32>,
      %swap3A_549 = vector.shape_cast %swap3A_548 : vector<1x16xf32> to vector<16xf32>
      %swap3A_550 = vector.shape_cast %mul3A_545 : vector<16xf32> to vector<1x16xf32>
      tpu.vector_store %arg16[%swap3A_546, %swap3A_547], %swap3A_550 {strides = array<i32>} : memref<80x128xf32, #tpu.memory_space<vmem>>, vector<1x16xf32>,
      %get3A_551 = arith.index_cast %add3A_464 : i32 to index
      %get3A_552 = arith.constant 80 : index
      %get3A_553 = tpu.vector_load %arg16[%get3A_551, %get3A_552] {strides = array<i32>} : memref<80x128xf32, #tpu.memory_space<vmem>>, vector<1x16xf32>,
      %get3A_554 = vector.shape_cast %get3A_553 : vector<1x16xf32> to vector<16xf32>
      %mul3A_555 = arith.mulf %get3A_554, %bitcast_convert_type3A_540 : vector<16xf32>
      %swap3A_556 = arith.index_cast %add3A_464 : i32 to index
      %swap3A_557 = arith.constant 80 : index
      %swap3A_558 = tpu.vector_load %arg16[%swap3A_556, %swap3A_557] {strides = array<i32>} : memref<80x128xf32, #tpu.memory_space<vmem>>, vector<1x16xf32>,
      %swap3A_559 = vector.shape_cast %swap3A_558 : vector<1x16xf32> to vector<16xf32>
      %swap3A_560 = vector.shape_cast %mul3A_555 : vector<16xf32> to vector<1x16xf32>
      tpu.vector_store %arg16[%swap3A_556, %swap3A_557], %swap3A_560 {strides = array<i32>} : memref<80x128xf32, #tpu.memory_space<vmem>>, vector<1x16xf32>,
      %get3A_561 = arith.index_cast %add3A_464 : i32 to index
      %get3A_562 = arith.constant 48 : index
      %get3A_563 = tpu.vector_load %arg14[%get3A_561, %get3A_562] {strides = array<i32>} : memref<80x64xi32, #tpu.memory_space<vmem>>, vector<1x16xi32>,
      %get3A_564 = vector.shape_cast %get3A_563 : vector<1x16xi32> to vector<16xi32>
      %shift_left3A_565 = arith.constant 16 : i32
      %shift_left3A_566 = vector.broadcast %shift_left3A_565 : i32 to vector<16xi32>
      %shift_left3A_567 = arith.shli %get3A_564, %shift_left3A_566 : vector<16xi32>
      %bitcast_convert_type3A_568 = tpu.bitcast %shift_left3A_567 : vector<16xi32> -> vector<16xf32>
      %and3A_569 = arith.constant -65536 : i32
      %and3A_570 = vector.broadcast %and3A_569 : i32 to vector<16xi32>
      %and3A_571 = arith.andi %get3A_564, %and3A_570 : vector<16xi32>
      %bitcast_convert_type3A_572 = tpu.bitcast %and3A_571 : vector<16xi32> -> vector<16xf32>
      %get3A_573 = arith.index_cast %add3A_464 : i32 to index
      %get3A_574 = arith.constant 96 : index
      %get3A_575 = tpu.vector_load %arg16[%get3A_573, %get3A_574] {strides = array<i32>} : memref<80x128xf32, #tpu.memory_space<vmem>>, vector<1x16xf32>,
      %get3A_576 = vector.shape_cast %get3A_575 : vector<1x16xf32> to vector<16xf32>
      %mul3A_577 = arith.mulf %get3A_576, %bitcast_convert_type3A_568 : vector<16xf32>
      %swap3A_578 = arith.index_cast %add3A_464 : i32 to index
      %swap3A_579 = arith.constant 96 : index
      %swap3A_580 = tpu.vector_load %arg16[%swap3A_578, %swap3A_579] {strides = array<i32>} : memref<80x128xf32, #tpu.memory_space<vmem>>, vector<1x16xf32>,
      %swap3A_581 = vector.shape_cast %swap3A_580 : vector<1x16xf32> to vector<16xf32>
      %swap3A_582 = vector.shape_cast %mul3A_577 : vector<16xf32> to vector<1x16xf32>
      tpu.vector_store %arg16[%swap3A_578, %swap3A_579], %swap3A_582 {strides = array<i32>} : memref<80x128xf32, #tpu.memory_space<vmem>>, vector<1x16xf32>,
      %get3A_583 = arith.index_cast %add3A_464 : i32 to index
      %get3A_584 = arith.constant 112 : index
      %get3A_585 = tpu.vector_load %arg16[%get3A_583, %get3A_584] {strides = array<i32>} : memref<80x128xf32, #tpu.memory_space<vmem>>, vector<1x16xf32>,
      %get3A_586 = vector.shape_cast %get3A_585 : vector<1x16xf32> to vector<16xf32>
      %mul3A_587 = arith.mulf %get3A_586, %bitcast_convert_type3A_572 : vector<16xf32>
      %swap3A_588 = arith.index_cast %add3A_464 : i32 to index
      %swap3A_589 = arith.constant 112 : index
      %swap3A_590 = tpu.vector_load %arg16[%swap3A_588, %swap3A_589] {strides = array<i32>} : memref<80x128xf32, #tpu.memory_space<vmem>>, vector<1x16xf32>,
      %swap3A_591 = vector.shape_cast %swap3A_590 : vector<1x16xf32> to vector<16xf32>
      %swap3A_592 = vector.shape_cast %mul3A_587 : vector<16xf32> to vector<1x16xf32>
      tpu.vector_store %arg16[%swap3A_588, %swap3A_589], %swap3A_592 {strides = array<i32>} : memref<80x128xf32, #tpu.memory_space<vmem>>, vector<1x16xf32>,
      %mul3A_593 = arith.constant 4 : i32
      %mul3A_594 = arith.muli %scan3A_199, %mul3A_593 : i32
      %add3A_595 = arith.constant 3 : i32
      %add3A_596 = arith.addi %mul3A_594, %add3A_595 : i32
      %get3A_597 = arith.index_cast %add3A_596 : i32 to index
      %get3A_598 = arith.constant 0 : index
      %get3A_599 = tpu.vector_load %arg14[%get3A_597, %get3A_598] {strides = array<i32>} : memref<80x64xi32, #tpu.memory_space<vmem>>, vector<1x16xi32>,
      %get3A_600 = vector.shape_cast %get3A_599 : vector<1x16xi32> to vector<16xi32>
      %shift_left3A_601 = arith.constant 16 : i32
      %shift_left3A_602 = vector.broadcast %shift_left3A_601 : i32 to vector<16xi32>
      %shift_left3A_603 = arith.shli %get3A_600, %shift_left3A_602 : vector<16xi32>
      %bitcast_convert_type3A_604 = tpu.bitcast %shift_left3A_603 : vector<16xi32> -> vector<16xf32>
      %and3A_605 = arith.constant -65536 : i32
      %and3A_606 = vector.broadcast %and3A_605 : i32 to vector<16xi32>
      %and3A_607 = arith.andi %get3A_600, %and3A_606 : vector<16xi32>
      %bitcast_convert_type3A_608 = tpu.bitcast %and3A_607 : vector<16xi32> -> vector<16xf32>
      %get3A_609 = arith.index_cast %add3A_596 : i32 to index
      %get3A_610 = arith.constant 0 : index
      %get3A_611 = tpu.vector_load %arg16[%get3A_609, %get3A_610] {strides = array<i32>} : memref<80x128xf32, #tpu.memory_space<vmem>>, vector<1x16xf32>,
      %get3A_612 = vector.shape_cast %get3A_611 : vector<1x16xf32> to vector<16xf32>
      %mul3A_613 = arith.mulf %get3A_612, %bitcast_convert_type3A_604 : vector<16xf32>
      %swap3A_614 = arith.index_cast %add3A_596 : i32 to index
      %swap3A_615 = arith.constant 0 : index
      %swap3A_616 = tpu.vector_load %arg16[%swap3A_614, %swap3A_615] {strides = array<i32>} : memref<80x128xf32, #tpu.memory_space<vmem>>, vector<1x16xf32>,
      %swap3A_617 = vector.shape_cast %swap3A_616 : vector<1x16xf32> to vector<16xf32>
      %swap3A_618 = vector.shape_cast %mul3A_613 : vector<16xf32> to vector<1x16xf32>
      tpu.vector_store %arg16[%swap3A_614, %swap3A_615], %swap3A_618 {strides = array<i32>} : memref<80x128xf32, #tpu.memory_space<vmem>>, vector<1x16xf32>,
      %get3A_619 = arith.index_cast %add3A_596 : i32 to index
      %get3A_620 = arith.constant 16 : index
      %get3A_621 = tpu.vector_load %arg16[%get3A_619, %get3A_620] {strides = array<i32>} : memref<80x128xf32, #tpu.memory_space<vmem>>, vector<1x16xf32>,
      %get3A_622 = vector.shape_cast %get3A_621 : vector<1x16xf32> to vector<16xf32>
      %mul3A_623 = arith.mulf %get3A_622, %bitcast_convert_type3A_608 : vector<16xf32>
      %swap3A_624 = arith.index_cast %add3A_596 : i32 to index
      %swap3A_625 = arith.constant 16 : index
      %swap3A_626 = tpu.vector_load %arg16[%swap3A_624, %swap3A_625] {strides = array<i32>} : memref<80x128xf32, #tpu.memory_space<vmem>>, vector<1x16xf32>,
      %swap3A_627 = vector.shape_cast %swap3A_626 : vector<1x16xf32> to vector<16xf32>
      %swap3A_628 = vector.shape_cast %mul3A_623 : vector<16xf32> to vector<1x16xf32>
      tpu.vector_store %arg16[%swap3A_624, %swap3A_625], %swap3A_628 {strides = array<i32>} : memref<80x128xf32, #tpu.memory_space<vmem>>, vector<1x16xf32>,
      %get3A_629 = arith.index_cast %add3A_596 : i32 to index
      %get3A_630 = arith.constant 16 : index
      %get3A_631 = tpu.vector_load %arg14[%get3A_629, %get3A_630] {strides = array<i32>} : memref<80x64xi32, #tpu.memory_space<vmem>>, vector<1x16xi32>,
      %get3A_632 = vector.shape_cast %get3A_631 : vector<1x16xi32> to vector<16xi32>
      %shift_left3A_633 = arith.constant 16 : i32
      %shift_left3A_634 = vector.broadcast %shift_left3A_633 : i32 to vector<16xi32>
      %shift_left3A_635 = arith.shli %get3A_632, %shift_left3A_634 : vector<16xi32>
      %bitcast_convert_type3A_636 = tpu.bitcast %shift_left3A_635 : vector<16xi32> -> vector<16xf32>
      %and3A_637 = arith.constant -65536 : i32
      %and3A_638 = vector.broadcast %and3A_637 : i32 to vector<16xi32>
      %and3A_639 = arith.andi %get3A_632, %and3A_638 : vector<16xi32>
      %bitcast_convert_type3A_640 = tpu.bitcast %and3A_639 : vector<16xi32> -> vector<16xf32>
      %get3A_641 = arith.index_cast %add3A_596 : i32 to index
      %get3A_642 = arith.constant 32 : index
      %get3A_643 = tpu.vector_load %arg16[%get3A_641, %get3A_642] {strides = array<i32>} : memref<80x128xf32, #tpu.memory_space<vmem>>, vector<1x16xf32>,
      %get3A_644 = vector.shape_cast %get3A_643 : vector<1x16xf32> to vector<16xf32>
      %mul3A_645 = arith.mulf %get3A_644, %bitcast_convert_type3A_636 : vector<16xf32>
      %swap3A_646 = arith.index_cast %add3A_596 : i32 to index
      %swap3A_647 = arith.constant 32 : index
      %swap3A_648 = tpu.vector_load %arg16[%swap3A_646, %swap3A_647] {strides = array<i32>} : memref<80x128xf32, #tpu.memory_space<vmem>>, vector<1x16xf32>,
      %swap3A_649 = vector.shape_cast %swap3A_648 : vector<1x16xf32> to vector<16xf32>
      %swap3A_650 = vector.shape_cast %mul3A_645 : vector<16xf32> to vector<1x16xf32>
      tpu.vector_store %arg16[%swap3A_646, %swap3A_647], %swap3A_650 {strides = array<i32>} : memref<80x128xf32, #tpu.memory_space<vmem>>, vector<1x16xf32>,
      %get3A_651 = arith.index_cast %add3A_596 : i32 to index
      %get3A_652 = arith.constant 48 : index
      %get3A_653 = tpu.vector_load %arg16[%get3A_651, %get3A_652] {strides = array<i32>} : memref<80x128xf32, #tpu.memory_space<vmem>>, vector<1x16xf32>,
      %get3A_654 = vector.shape_cast %get3A_653 : vector<1x16xf32> to vector<16xf32>
      %mul3A_655 = arith.mulf %get3A_654, %bitcast_convert_type3A_640 : vector<16xf32>
      %swap3A_656 = arith.index_cast %add3A_596 : i32 to index
      %swap3A_657 = arith.constant 48 : index
      %swap3A_658 = tpu.vector_load %arg16[%swap3A_656, %swap3A_657] {strides = array<i32>} : memref<80x128xf32, #tpu.memory_space<vmem>>, vector<1x16xf32>,
      %swap3A_659 = vector.shape_cast %swap3A_658 : vector<1x16xf32> to vector<16xf32>
      %swap3A_660 = vector.shape_cast %mul3A_655 : vector<16xf32> to vector<1x16xf32>
      tpu.vector_store %arg16[%swap3A_656, %swap3A_657], %swap3A_660 {strides = array<i32>} : memref<80x128xf32, #tpu.memory_space<vmem>>, vector<1x16xf32>,
      %get3A_661 = arith.index_cast %add3A_596 : i32 to index
      %get3A_662 = arith.constant 32 : index
      %get3A_663 = tpu.vector_load %arg14[%get3A_661, %get3A_662] {strides = array<i32>} : memref<80x64xi32, #tpu.memory_space<vmem>>, vector<1x16xi32>,
      %get3A_664 = vector.shape_cast %get3A_663 : vector<1x16xi32> to vector<16xi32>
      %shift_left3A_665 = arith.constant 16 : i32
      %shift_left3A_666 = vector.broadcast %shift_left3A_665 : i32 to vector<16xi32>
      %shift_left3A_667 = arith.shli %get3A_664, %shift_left3A_666 : vector<16xi32>
      %bitcast_convert_type3A_668 = tpu.bitcast %shift_left3A_667 : vector<16xi32> -> vector<16xf32>
      %and3A_669 = arith.constant -65536 : i32
      %and3A_670 = vector.broadcast %and3A_669 : i32 to vector<16xi32>
      %and3A_671 = arith.andi %get3A_664, %and3A_670 : vector<16xi32>
      %bitcast_convert_type3A_672 = tpu.bitcast %and3A_671 : vector<16xi32> -> vector<16xf32>
      %get3A_673 = arith.index_cast %add3A_596 : i32 to index
      %get3A_674 = arith.constant 64 : index
      %get3A_675 = tpu.vector_load %arg16[%get3A_673, %get3A_674] {strides = array<i32>} : memref<80x128xf32, #tpu.memory_space<vmem>>, vector<1x16xf32>,
      %get3A_676 = vector.shape_cast %get3A_675 : vector<1x16xf32> to vector<16xf32>
      %mul3A_677 = arith.mulf %get3A_676, %bitcast_convert_type3A_668 : vector<16xf32>
      %swap3A_678 = arith.index_cast %add3A_596 : i32 to index
      %swap3A_679 = arith.constant 64 : index
      %swap3A_680 = tpu.vector_load %arg16[%swap3A_678, %swap3A_679] {strides = array<i32>} : memref<80x128xf32, #tpu.memory_space<vmem>>, vector<1x16xf32>,
      %swap3A_681 = vector.shape_cast %swap3A_680 : vector<1x16xf32> to vector<16xf32>
      %swap3A_682 = vector.shape_cast %mul3A_677 : vector<16xf32> to vector<1x16xf32>
      tpu.vector_store %arg16[%swap3A_678, %swap3A_679], %swap3A_682 {strides = array<i32>} : memref<80x128xf32, #tpu.memory_space<vmem>>, vector<1x16xf32>,
      %get3A_683 = arith.index_cast %add3A_596 : i32 to index
      %get3A_684 = arith.constant 80 : index
      %get3A_685 = tpu.vector_load %arg16[%get3A_683, %get3A_684] {strides = array<i32>} : memref<80x128xf32, #tpu.memory_space<vmem>>, vector<1x16xf32>,
      %get3A_686 = vector.shape_cast %get3A_685 : vector<1x16xf32> to vector<16xf32>
      %mul3A_687 = arith.mulf %get3A_686, %bitcast_convert_type3A_672 : vector<16xf32>
      %swap3A_688 = arith.index_cast %add3A_596 : i32 to index
      %swap3A_689 = arith.constant 80 : index
      %swap3A_690 = tpu.vector_load %arg16[%swap3A_688, %swap3A_689] {strides = array<i32>} : memref<80x128xf32, #tpu.memory_space<vmem>>, vector<1x16xf32>,
      %swap3A_691 = vector.shape_cast %swap3A_690 : vector<1x16xf32> to vector<16xf32>
      %swap3A_692 = vector.shape_cast %mul3A_687 : vector<16xf32> to vector<1x16xf32>
      tpu.vector_store %arg16[%swap3A_688, %swap3A_689], %swap3A_692 {strides = array<i32>} : memref<80x128xf32, #tpu.memory_space<vmem>>, vector<1x16xf32>,
      %get3A_693 = arith.index_cast %add3A_596 : i32 to index
      %get3A_694 = arith.constant 48 : index
      %get3A_695 = tpu.vector_load %arg14[%get3A_693, %get3A_694] {strides = array<i32>} : memref<80x64xi32, #tpu.memory_space<vmem>>, vector<1x16xi32>,
      %get3A_696 = vector.shape_cast %get3A_695 : vector<1x16xi32> to vector<16xi32>
      %shift_left3A_697 = arith.constant 16 : i32
      %shift_left3A_698 = vector.broadcast %shift_left3A_697 : i32 to vector<16xi32>
      %shift_left3A_699 = arith.shli %get3A_696, %shift_left3A_698 : vector<16xi32>
      %bitcast_convert_type3A_700 = tpu.bitcast %shift_left3A_699 : vector<16xi32> -> vector<16xf32>
      %and3A_701 = arith.constant -65536 : i32
      %and3A_702 = vector.broadcast %and3A_701 : i32 to vector<16xi32>
      %and3A_703 = arith.andi %get3A_696, %and3A_702 : vector<16xi32>
      %bitcast_convert_type3A_704 = tpu.bitcast %and3A_703 : vector<16xi32> -> vector<16xf32>
      %get3A_705 = arith.index_cast %add3A_596 : i32 to index
      %get3A_706 = arith.constant 96 : index
      %get3A_707 = tpu.vector_load %arg16[%get3A_705, %get3A_706] {strides = array<i32>} : memref<80x128xf32, #tpu.memory_space<vmem>>, vector<1x16xf32>,
      %get3A_708 = vector.shape_cast %get3A_707 : vector<1x16xf32> to vector<16xf32>
      %mul3A_709 = arith.mulf %get3A_708, %bitcast_convert_type3A_700 : vector<16xf32>
      %swap3A_710 = arith.index_cast %add3A_596 : i32 to index
      %swap3A_711 = arith.constant 96 : index
      %swap3A_712 = tpu.vector_load %arg16[%swap3A_710, %swap3A_711] {strides = array<i32>} : memref<80x128xf32, #tpu.memory_space<vmem>>, vector<1x16xf32>,
      %swap3A_713 = vector.shape_cast %swap3A_712 : vector<1x16xf32> to vector<16xf32>
      %swap3A_714 = vector.shape_cast %mul3A_709 : vector<16xf32> to vector<1x16xf32>
      tpu.vector_store %arg16[%swap3A_710, %swap3A_711], %swap3A_714 {strides = array<i32>} : memref<80x128xf32, #tpu.memory_space<vmem>>, vector<1x16xf32>,
      %get3A_715 = arith.index_cast %add3A_596 : i32 to index
      %get3A_716 = arith.constant 112 : index
      %get3A_717 = tpu.vector_load %arg16[%get3A_715, %get3A_716] {strides = array<i32>} : memref<80x128xf32, #tpu.memory_space<vmem>>, vector<1x16xf32>,
      %get3A_718 = vector.shape_cast %get3A_717 : vector<1x16xf32> to vector<16xf32>
      %mul3A_719 = arith.mulf %get3A_718, %bitcast_convert_type3A_704 : vector<16xf32>
      %swap3A_720 = arith.index_cast %add3A_596 : i32 to index
      %swap3A_721 = arith.constant 112 : index
      %swap3A_722 = tpu.vector_load %arg16[%swap3A_720, %swap3A_721] {strides = array<i32>} : memref<80x128xf32, #tpu.memory_space<vmem>>, vector<1x16xf32>,
      %swap3A_723 = vector.shape_cast %swap3A_722 : vector<1x16xf32> to vector<16xf32>
      %swap3A_724 = vector.shape_cast %mul3A_719 : vector<16xf32> to vector<1x16xf32>
      tpu.vector_store %arg16[%swap3A_720, %swap3A_721], %swap3A_724 {strides = array<i32>} : memref<80x128xf32, #tpu.memory_space<vmem>>, vector<1x16xf32>,
    }
    %scan3A_120 = arith.constant 20 : i32
    %get3A = arith.constant 0 : index
    %get3A_121 = tpu.vector_load %arg10[%get3A] {strides = array<i32>} : memref<80xi32, #tpu.memory_space<vmem>>, vector<16xi32>,
    %get3A_122 = vector.shape_cast %get3A_121 : vector<16xi32> to vector<16xi32>
    %swap3A_123 = arith.constant 0 : index
    %swap3A_124 = tpu.vector_load %arg12[%swap3A_123] {strides = array<i32>} : memref<80xi32, #tpu.memory_space<vmem>>, vector<16xi32>,
    %swap3A_125 = vector.shape_cast %swap3A_124 : vector<16xi32> to vector<16xi32>
    %swap3A_126 = vector.shape_cast %get3A_122 : vector<16xi32> to vector<16xi32>
    tpu.vector_store %arg12[%swap3A_123], %swap3A_126 {strides = array<i32>} : memref<80xi32, #tpu.memory_space<vmem>>, vector<16xi32>,
    %get3A_127 = arith.constant 16 : index
    %get3A_128 = tpu.vector_load %arg10[%get3A_127] {strides = array<i32>} : memref<80xi32, #tpu.memory_space<vmem>>, vector<16xi32>,
    %get3A_129 = vector.shape_cast %get3A_128 : vector<16xi32> to vector<16xi32>
    %swap3A_130 = arith.constant 16 : index
    %swap3A_131 = tpu.vector_load %arg12[%swap3A_130] {strides = array<i32>} : memref<80xi32, #tpu.memory_space<vmem>>, vector<16xi32>,
    %swap3A_132 = vector.shape_cast %swap3A_131 : vector<16xi32> to vector<16xi32>
    %swap3A_133 = vector.shape_cast %get3A_129 : vector<16xi32> to vector<16xi32>
    tpu.vector_store %arg12[%swap3A_130], %swap3A_133 {strides = array<i32>} : memref<80xi32, #tpu.memory_space<vmem>>, vector<16xi32>,
    %get3A_134 = arith.constant 32 : index
    %get3A_135 = tpu.vector_load %arg10[%get3A_134] {strides = array<i32>} : memref<80xi32, #tpu.memory_space<vmem>>, vector<16xi32>,
    %get3A_136 = vector.shape_cast %get3A_135 : vector<16xi32> to vector<16xi32>
    %swap3A_137 = arith.constant 32 : index
    %swap3A_138 = tpu.vector_load %arg12[%swap3A_137] {strides = array<i32>} : memref<80xi32, #tpu.memory_space<vmem>>, vector<16xi32>,
    %swap3A_139 = vector.shape_cast %swap3A_138 : vector<16xi32> to vector<16xi32>
    %swap3A_140 = vector.shape_cast %get3A_136 : vector<16xi32> to vector<16xi32>
    tpu.vector_store %arg12[%swap3A_137], %swap3A_140 {strides = array<i32>} : memref<80xi32, #tpu.memory_space<vmem>>, vector<16xi32>,
    %get3A_141 = arith.constant 48 : index
    %get3A_142 = tpu.vector_load %arg10[%get3A_141] {strides = array<i32>} : memref<80xi32, #tpu.memory_space<vmem>>, vector<16xi32>,
    %get3A_143 = vector.shape_cast %get3A_142 : vector<16xi32> to vector<16xi32>
    %swap3A_144 = arith.constant 48 : index
    %swap3A_145 = tpu.vector_load %arg12[%swap3A_144] {strides = array<i32>} : memref<80xi32, #tpu.memory_space<vmem>>, vector<16xi32>,
    %swap3A_146 = vector.shape_cast %swap3A_145 : vector<16xi32> to vector<16xi32>
    %swap3A_147 = vector.shape_cast %get3A_143 : vector<16xi32> to vector<16xi32>
    tpu.vector_store %arg12[%swap3A_144], %swap3A_147 {strides = array<i32>} : memref<80xi32, #tpu.memory_space<vmem>>, vector<16xi32>,
    %get3A_148 = arith.constant 64 : index
    %get3A_149 = tpu.vector_load %arg10[%get3A_148] {strides = array<i32>} : memref<80xi32, #tpu.memory_space<vmem>>, vector<16xi32>,
    %get3A_150 = vector.shape_cast %get3A_149 : vector<16xi32> to vector<16xi32>
    %swap3A_151 = arith.constant 64 : index
    %swap3A_152 = tpu.vector_load %arg12[%swap3A_151] {strides = array<i32>} : memref<80xi32, #tpu.memory_space<vmem>>, vector<16xi32>,
    %swap3A_153 = vector.shape_cast %swap3A_152 : vector<16xi32> to vector<16xi32>
    %swap3A_154 = vector.shape_cast %get3A_150 : vector<16xi32> to vector<16xi32>
    tpu.vector_store %arg12[%swap3A_151], %swap3A_154 {strides = array<i32>} : memref<80xi32, #tpu.memory_space<vmem>>, vector<16xi32>,
    %dma_start3A_155 = arith.constant 0 : i32
    %dma_start3A_156 = arith.constant 0 : i32
    %dma_start3A_157 = tpu.memref_slice %arg7[%dma_start3A_155, %dma_start3A_156] : memref<10240x128xf32, #tpu.memory_space<vmem_shared>> -> memref<10240x128xf32, #tpu.memory_space<vmem_shared>>
    tpu.enqueue_indirect_dma source(%arg16 : memref<80x128xf32, #tpu.memory_space<vmem>>) target(%dma_start3A_157 : memref<10240x128xf32, #tpu.memory_space<vmem_shared>>) offsets(%arg12 : memref<80xi32, #tpu.memory_space<vmem>>) semaphore(%arg24 : memref<!tpu.dma_semaphore, #tpu.memory_space<semaphore_mem>>) {add = true}
    %dma_wait3A_158 = arith.constant 0 : i32
    %dma_wait3A_159 = arith.constant 0 : i32
    %dma_wait3A_160 = tpu.memref_slice %arg7[%dma_wait3A_158, %dma_wait3A_159] : memref<10240x128xf32, #tpu.memory_space<vmem_shared>> -> memref<10240x128xf32, #tpu.memory_space<vmem_shared>>
    tpu.wait_indirect_dma semaphore(%arg24 : memref<!tpu.dma_semaphore, #tpu.memory_space<semaphore_mem>>) src(%arg16 : memref<80x128xf32, #tpu.memory_space<vmem>>) dst(%dma_wait3A_160 : memref<10240x128xf32, #tpu.memory_space<vmem_shared>>)
    %dma_wait3A_161 = arith.constant 0 : i32
    %dma_wait3A_162 = arith.constant 0 : i32
    %dma_wait3A_163 = tpu.memref_slice %arg7[%dma_wait3A_161, %dma_wait3A_162] : memref<10240x128xf32, #tpu.memory_space<vmem_shared>> -> memref<10240x128xf32, #tpu.memory_space<vmem_shared>>
    tpu.wait_indirect_dma semaphore(%arg25 : memref<!tpu.dma_semaphore, #tpu.memory_space<semaphore_mem>>) src(%arg17 : memref<80x128xf32, #tpu.memory_space<vmem>>) dst(%dma_wait3A_163 : memref<10240x128xf32, #tpu.memory_space<vmem_shared>>)
    %dma_wait3A_164 = arith.constant 0 : i32
    %dma_wait3A_165 = tpu.memref_slice %arg4[%dma_wait3A_164] : memref<320000xi32, #tpu.memory_space<hbm>> -> memref<80xi32, #tpu.memory_space<hbm>>
    %dma_wait3A_166 = arith.constant 0 : i32
    %dma_wait3A_167 = tpu.memref_slice %arg4[%dma_wait3A_166] : memref<320000xi32, #tpu.memory_space<hbm>> -> memref<80xi32, #tpu.memory_space<hbm>>
    tpu.wait_dma2 semaphore(%arg19 : memref<!tpu.dma_semaphore, #tpu.memory_space<semaphore_mem>>) src(%dma_wait3A_167 : memref<80xi32, #tpu.memory_space<hbm>>) dst(%arg9 : memref<80xi32, #tpu.memory_space<vmem>>)
    %dma_wait3A_168 = arith.constant 0 : i32
    %dma_wait3A_169 = tpu.memref_slice %arg5[%dma_wait3A_168] : memref<320000xi32, #tpu.memory_space<hbm>> -> memref<80xi32, #tpu.memory_space<hbm>>
    %dma_wait3A_170 = arith.constant 0 : i32
    %dma_wait3A_171 = tpu.memref_slice %arg5[%dma_wait3A_170] : memref<320000xi32, #tpu.memory_space<hbm>> -> memref<80xi32, #tpu.memory_space<hbm>>
    tpu.wait_dma2 semaphore(%arg19 : memref<!tpu.dma_semaphore, #tpu.memory_space<semaphore_mem>>) src(%dma_wait3A_171 : memref<80xi32, #tpu.memory_space<hbm>>) dst(%arg11 : memref<80xi32, #tpu.memory_space<vmem>>)
    %dma_wait3A_172 = arith.constant 0 : i32
    %dma_wait3A_173 = arith.constant 0 : i32
    %dma_wait3A_174 = tpu.memref_slice %arg3[%dma_wait3A_172, %dma_wait3A_173] : memref<320000x64xi32, #tpu.memory_space<hbm>> -> memref<80x64xi32, #tpu.memory_space<hbm>>
    %dma_wait3A_175 = arith.constant 0 : i32
    %dma_wait3A_176 = arith.constant 0 : i32
    %dma_wait3A_177 = tpu.memref_slice %arg3[%dma_wait3A_175, %dma_wait3A_176] : memref<320000x64xi32, #tpu.memory_space<hbm>> -> memref<80x64xi32, #tpu.memory_space<hbm>>
    tpu.wait_dma2 semaphore(%arg21 : memref<!tpu.dma_semaphore, #tpu.memory_space<semaphore_mem>>) src(%dma_wait3A_177 : memref<80x64xi32, #tpu.memory_space<hbm>>) dst(%arg15 : memref<80x64xi32, #tpu.memory_space<vmem>>)
    %barrier3A_178 = arith.constant 0 : index
    tpu.barrier barrier_id(%barrier3A_178)
    %mul3A_179 = arith.constant 640 : i32
    %mul3A_180 = arith.muli %arg1, %mul3A_179 : i32
    %add3A_181 = arith.constant 0 : i32
    %add3A_182 = arith.addi %mul3A_180, %add3A_181 : i32
    "tpu.region"() ({
      %run_scoped3A = tpu.sem_alloc : memref<!tpu.dma_semaphore, #tpu.memory_space<semaphore_mem>>
      %dma_start3A_199 = arith.constant 0 : i32
      %dma_start3A_200 = tpu.memref_slice %arg6[%arg0, %add3A_182, %dma_start3A_199] : memref<2x10240x128xf32, #tpu.memory_space<hbm>> -> memref<1x128x128xf32, #tpu.memory_space<hbm>>
      %dma_start3A_201 = tpu.memref_squeeze %dma_start3A_200 : memref<1x128x128xf32, #tpu.memory_space<hbm>> -> memref<128x128xf32, #tpu.memory_space<hbm>>
      %dma_start3A_202 = arith.constant 0 : i32
      %dma_start3A_203 = tpu.memref_slice %arg7[%add3A_182, %dma_start3A_202] : memref<10240x128xf32, #tpu.memory_space<vmem_shared>> -> memref<128x128xf32, #tpu.memory_space<vmem_shared>>
      tpu.enqueue_dma source(%dma_start3A_203 : memref<128x128xf32, #tpu.memory_space<vmem_shared>>) target(%dma_start3A_201 : memref<128x128xf32, #tpu.memory_space<hbm>>) target_semaphore(%run_scoped3A : memref<!tpu.dma_semaphore, #tpu.memory_space<semaphore_mem>>)
      %dma_wait3A_204 = arith.constant 0 : i32
      %dma_wait3A_205 = tpu.memref_slice %arg6[%arg0, %add3A_182, %dma_wait3A_204] : memref<2x10240x128xf32, #tpu.memory_space<hbm>> -> memref<1x128x128xf32, #tpu.memory_space<hbm>>
      %dma_wait3A_206 = tpu.memref_squeeze %dma_wait3A_205 : memref<1x128x128xf32, #tpu.memory_space<hbm>> -> memref<128x128xf32, #tpu.memory_space<hbm>>
      %dma_wait3A_207 = arith.constant 0 : i32
      %dma_wait3A_208 = tpu.memref_slice %arg7[%add3A_182, %dma_wait3A_207] : memref<10240x128xf32, #tpu.memory_space<vmem_shared>> -> memref<128x128xf32, #tpu.memory_space<vmem_shared>>
      tpu.wait_dma2 semaphore(%run_scoped3A : memref<!tpu.dma_semaphore, #tpu.memory_space<semaphore_mem>>) src(%dma_wait3A_208 : memref<128x128xf32, #tpu.memory_space<vmem_shared>>) dst(%dma_wait3A_206 : memref<128x128xf32, #tpu.memory_space<hbm>>)
      tpu.yield
    }) : () -> ()
    %mul3A_183 = arith.constant 640 : i32
    %mul3A_184 = arith.muli %arg1, %mul3A_183 : i32
    %add3A_185 = arith.constant 128 : i32
    %add3A_186 = arith.addi %mul3A_184, %add3A_185 : i32
    "tpu.region"() ({
      %run_scoped3A = tpu.sem_alloc : memref<!tpu.dma_semaphore, #tpu.memory_space<semaphore_mem>>
      %dma_start3A_199 = arith.constant 0 : i32
      %dma_start3A_200 = tpu.memref_slice %arg6[%arg0, %add3A_186, %dma_start3A_199] : memref<2x10240x128xf32, #tpu.memory_space<hbm>> -> memref<1x128x128xf32, #tpu.memory_space<hbm>>
      %dma_start3A_201 = tpu.memref_squeeze %dma_start3A_200 : memref<1x128x128xf32, #tpu.memory_space<hbm>> -> memref<128x128xf32, #tpu.memory_space<hbm>>
      %dma_start3A_202 = arith.constant 0 : i32
      %dma_start3A_203 = tpu.memref_slice %arg7[%add3A_186, %dma_start3A_202] : memref<10240x128xf32, #tpu.memory_space<vmem_shared>> -> memref<128x128xf32, #tpu.memory_space<vmem_shared>>
      tpu.enqueue_dma source(%dma_start3A_203 : memref<128x128xf32, #tpu.memory_space<vmem_shared>>) target(%dma_start3A_201 : memref<128x128xf32, #tpu.memory_space<hbm>>) target_semaphore(%run_scoped3A : memref<!tpu.dma_semaphore, #tpu.memory_space<semaphore_mem>>)
      %dma_wait3A_204 = arith.constant 0 : i32
      %dma_wait3A_205 = tpu.memref_slice %arg6[%arg0, %add3A_186, %dma_wait3A_204] : memref<2x10240x128xf32, #tpu.memory_space<hbm>> -> memref<1x128x128xf32, #tpu.memory_space<hbm>>
      %dma_wait3A_206 = tpu.memref_squeeze %dma_wait3A_205 : memref<1x128x128xf32, #tpu.memory_space<hbm>> -> memref<128x128xf32, #tpu.memory_space<hbm>>
      %dma_wait3A_207 = arith.constant 0 : i32
      %dma_wait3A_208 = tpu.memref_slice %arg7[%add3A_186, %dma_wait3A_207] : memref<10240x128xf32, #tpu.memory_space<vmem_shared>> -> memref<128x128xf32, #tpu.memory_space<vmem_shared>>
      tpu.wait_dma2 semaphore(%run_scoped3A : memref<!tpu.dma_semaphore, #tpu.memory_space<semaphore_mem>>) src(%dma_wait3A_208 : memref<128x128xf32, #tpu.memory_space<vmem_shared>>) dst(%dma_wait3A_206 : memref<128x128xf32, #tpu.memory_space<hbm>>)
      tpu.yield
    }) : () -> ()
    %mul3A_187 = arith.constant 640 : i32
    %mul3A_188 = arith.muli %arg1, %mul3A_187 : i32
    %add3A_189 = arith.constant 256 : i32
    %add3A_190 = arith.addi %mul3A_188, %add3A_189 : i32
    "tpu.region"() ({
      %run_scoped3A = tpu.sem_alloc : memref<!tpu.dma_semaphore, #tpu.memory_space<semaphore_mem>>
      %dma_start3A_199 = arith.constant 0 : i32
      %dma_start3A_200 = tpu.memref_slice %arg6[%arg0, %add3A_190, %dma_start3A_199] : memref<2x10240x128xf32, #tpu.memory_space<hbm>> -> memref<1x128x128xf32, #tpu.memory_space<hbm>>
      %dma_start3A_201 = tpu.memref_squeeze %dma_start3A_200 : memref<1x128x128xf32, #tpu.memory_space<hbm>> -> memref<128x128xf32, #tpu.memory_space<hbm>>
      %dma_start3A_202 = arith.constant 0 : i32
      %dma_start3A_203 = tpu.memref_slice %arg7[%add3A_190, %dma_start3A_202] : memref<10240x128xf32, #tpu.memory_space<vmem_shared>> -> memref<128x128xf32, #tpu.memory_space<vmem_shared>>
      tpu.enqueue_dma source(%dma_start3A_203 : memref<128x128xf32, #tpu.memory_space<vmem_shared>>) target(%dma_start3A_201 : memref<128x128xf32, #tpu.memory_space<hbm>>) target_semaphore(%run_scoped3A : memref<!tpu.dma_semaphore, #tpu.memory_space<semaphore_mem>>)
      %dma_wait3A_204 = arith.constant 0 : i32
      %dma_wait3A_205 = tpu.memref_slice %arg6[%arg0, %add3A_190, %dma_wait3A_204] : memref<2x10240x128xf32, #tpu.memory_space<hbm>> -> memref<1x128x128xf32, #tpu.memory_space<hbm>>
      %dma_wait3A_206 = tpu.memref_squeeze %dma_wait3A_205 : memref<1x128x128xf32, #tpu.memory_space<hbm>> -> memref<128x128xf32, #tpu.memory_space<hbm>>
      %dma_wait3A_207 = arith.constant 0 : i32
      %dma_wait3A_208 = tpu.memref_slice %arg7[%add3A_190, %dma_wait3A_207] : memref<10240x128xf32, #tpu.memory_space<vmem_shared>> -> memref<128x128xf32, #tpu.memory_space<vmem_shared>>
      tpu.wait_dma2 semaphore(%run_scoped3A : memref<!tpu.dma_semaphore, #tpu.memory_space<semaphore_mem>>) src(%dma_wait3A_208 : memref<128x128xf32, #tpu.memory_space<vmem_shared>>) dst(%dma_wait3A_206 : memref<128x128xf32, #tpu.memory_space<hbm>>)
      tpu.yield
    }) : () -> ()
    %mul3A_191 = arith.constant 640 : i32
    %mul3A_192 = arith.muli %arg1, %mul3A_191 : i32
    %add3A_193 = arith.constant 384 : i32
    %add3A_194 = arith.addi %mul3A_192, %add3A_193 : i32
    "tpu.region"() ({
      %run_scoped3A = tpu.sem_alloc : memref<!tpu.dma_semaphore, #tpu.memory_space<semaphore_mem>>
      %dma_start3A_199 = arith.constant 0 : i32
      %dma_start3A_200 = tpu.memref_slice %arg6[%arg0, %add3A_194, %dma_start3A_199] : memref<2x10240x128xf32, #tpu.memory_space<hbm>> -> memref<1x128x128xf32, #tpu.memory_space<hbm>>
      %dma_start3A_201 = tpu.memref_squeeze %dma_start3A_200 : memref<1x128x128xf32, #tpu.memory_space<hbm>> -> memref<128x128xf32, #tpu.memory_space<hbm>>
      %dma_start3A_202 = arith.constant 0 : i32
      %dma_start3A_203 = tpu.memref_slice %arg7[%add3A_194, %dma_start3A_202] : memref<10240x128xf32, #tpu.memory_space<vmem_shared>> -> memref<128x128xf32, #tpu.memory_space<vmem_shared>>
      tpu.enqueue_dma source(%dma_start3A_203 : memref<128x128xf32, #tpu.memory_space<vmem_shared>>) target(%dma_start3A_201 : memref<128x128xf32, #tpu.memory_space<hbm>>) target_semaphore(%run_scoped3A : memref<!tpu.dma_semaphore, #tpu.memory_space<semaphore_mem>>)
      %dma_wait3A_204 = arith.constant 0 : i32
      %dma_wait3A_205 = tpu.memref_slice %arg6[%arg0, %add3A_194, %dma_wait3A_204] : memref<2x10240x128xf32, #tpu.memory_space<hbm>> -> memref<1x128x128xf32, #tpu.memory_space<hbm>>
      %dma_wait3A_206 = tpu.memref_squeeze %dma_wait3A_205 : memref<1x128x128xf32, #tpu.memory_space<hbm>> -> memref<128x128xf32, #tpu.memory_space<hbm>>
      %dma_wait3A_207 = arith.constant 0 : i32
      %dma_wait3A_208 = tpu.memref_slice %arg7[%add3A_194, %dma_wait3A_207] : memref<10240x128xf32, #tpu.memory_space<vmem_shared>> -> memref<128x128xf32, #tpu.memory_space<vmem_shared>>
      tpu.wait_dma2 semaphore(%run_scoped3A : memref<!tpu.dma_semaphore, #tpu.memory_space<semaphore_mem>>) src(%dma_wait3A_208 : memref<128x128xf32, #tpu.memory_space<vmem_shared>>) dst(%dma_wait3A_206 : memref<128x128xf32, #tpu.memory_space<hbm>>)
      tpu.yield
    }) : () -> ()
    %mul3A_195 = arith.constant 640 : i32
    %mul3A_196 = arith.muli %arg1, %mul3A_195 : i32
    %add3A_197 = arith.constant 512 : i32
    %add3A_198 = arith.addi %mul3A_196, %add3A_197 : i32
    "tpu.region"() ({
      %run_scoped3A = tpu.sem_alloc : memref<!tpu.dma_semaphore, #tpu.memory_space<semaphore_mem>>
      %dma_start3A_199 = arith.constant 0 : i32
      %dma_start3A_200 = tpu.memref_slice %arg6[%arg0, %add3A_198, %dma_start3A_199] : memref<2x10240x128xf32, #tpu.memory_space<hbm>> -> memref<1x128x128xf32, #tpu.memory_space<hbm>>
      %dma_start3A_201 = tpu.memref_squeeze %dma_start3A_200 : memref<1x128x128xf32, #tpu.memory_space<hbm>> -> memref<128x128xf32, #tpu.memory_space<hbm>>
      %dma_start3A_202 = arith.constant 0 : i32
      %dma_start3A_203 = tpu.memref_slice %arg7[%add3A_198, %dma_start3A_202] : memref<10240x128xf32, #tpu.memory_space<vmem_shared>> -> memref<128x128xf32, #tpu.memory_space<vmem_shared>>
      tpu.enqueue_dma source(%dma_start3A_203 : memref<128x128xf32, #tpu.memory_space<vmem_shared>>) target(%dma_start3A_201 : memref<128x128xf32, #tpu.memory_space<hbm>>) target_semaphore(%run_scoped3A : memref<!tpu.dma_semaphore, #tpu.memory_space<semaphore_mem>>)
      %dma_wait3A_204 = arith.constant 0 : i32
      %dma_wait3A_205 = tpu.memref_slice %arg6[%arg0, %add3A_198, %dma_wait3A_204] : memref<2x10240x128xf32, #tpu.memory_space<hbm>> -> memref<1x128x128xf32, #tpu.memory_space<hbm>>
      %dma_wait3A_206 = tpu.memref_squeeze %dma_wait3A_205 : memref<1x128x128xf32, #tpu.memory_space<hbm>> -> memref<128x128xf32, #tpu.memory_space<hbm>>
      %dma_wait3A_207 = arith.constant 0 : i32
      %dma_wait3A_208 = tpu.memref_slice %arg7[%add3A_198, %dma_wait3A_207] : memref<10240x128xf32, #tpu.memory_space<vmem_shared>> -> memref<128x128xf32, #tpu.memory_space<vmem_shared>>
      tpu.wait_dma2 semaphore(%run_scoped3A : memref<!tpu.dma_semaphore, #tpu.memory_space<semaphore_mem>>) src(%dma_wait3A_208 : memref<128x128xf32, #tpu.memory_space<vmem_shared>>) dst(%dma_wait3A_206 : memref<128x128xf32, #tpu.memory_space<hbm>>)
      tpu.yield
    }) : () -> ()
    return
  }
}

</mosaic_0001>

<sc_bundles>
// kernel: _sc_scatter.3.cloned.1.call-start
scs
__scs_entry_jumppad:
0x0: {  	(pc) =	sbr.rel $0x88, $3  }
0x1: {  	(tag) =	ssettag $0x0;
	lr =	simm.s32 $0x1  }
0x2: {  	[smem:$0x3F9D] =	sst lr;
	_ =	strace $0xD0000000  }
0x3: {  	_ = 	snop  }
0x4: {  	_ = 	snop  }
0x5: {  	_ = 	snop  }
0x6: {  	_ = 	snop  }
0x7: {  	_ = 	snop  }
__scs_overlays_trampoline_lowered:
0x8: {  	[smem:$0x3FAC] =	sst s0  }
0x9: {  	[smem:$0x3FAD] =	sst s1  }
0xa: {  	[smem:$0x3FAE] =	sst s2  }
0xb: {  	[smem:$0x3FAF] =	sst s3  }
0xc: {  	[smem:$0x3FB0] =	sst s4  }
0xd: {  	[smem:$0x3FB1] =	sst s5  }
0xe: {  	[smem:$0x3FB2] =	sst s6  }
0xf: {  	[smem:$0x3FB3] =	sst s7  }
0x10: {  	[smem:$0x3FB4] =	sst s8  }
0x11: {  	[smem:$0x3FB5] =	sst s9;
	s0 =	simm.s32 @!p0 $0x0  }
0x12: {  	s1 =	sld [smem:$0x3F9B];
	s0 =	simm.s32 @p0 $0x1  }
0x13: {  	[smem:$0x3FB6] =	sst s0;
	s0 =	simm.s32 @!p1 $0x0  }
0x14: {  	s2 =	sld [smem:$0x3F9A];
	s0 =	simm.s32 @p1 $0x1  }
0x15: {  	[smem:$0x3FB7] =	sst s0;
	s0 =	simm.s32 @!p2 $0x0  }
0x16: {  	s3 =	sld [smem:$0x3FDB];
	s0 =	simm.s32 @p2 $0x1  }
0x17: {  	s4 =	simm.s32 $0x1BF5;
	[smem:$0x3FB9] =	sst s0  }
0x18: {  	s0 =	sld [smem:$0x3F9C];
	_ =	swait.ge [sflag:s4], $0x0  }
0x19: {  	s7 =	sld [smem:$0x3F9D]  }
0x1a: {  	s8 =	sadd.s32 $0xFFFFE003, lr  }
0x1b: {  	s9 =	sadd.s32 $0xFFFFFEF7, lr;
	s5 =	simm.s32 $0xFFFFFFFF;
	p2 =	slt.u32 s8, $0xFFFFF086  }
0x1c: {  	p1 =	slt.u32 s9, $0xF7A;
	s5 =	simm.s32 @!p2 $0x0  }
0x1d: {  	s5 =	simm.s32 @p1 $0x1;
	p0 =	seq.s32 s7, s2  }
0x1e: {  	s7 =	smul.u32 @!p0 $0xF7A, s2;
	p2 =	seq.s32 @!p0 s5, $0x0  }
0x1f: {  	s9 =	smul.u32 $0xF7A, s1;
	s8 =	simm.s32 @!p0 $0x1BF5;
	p2 =	por !p2, p0  }
0x20: {  	[sflag:s8] =	ssyncset.s32 @!p0 $0xFFFFF086;
	s6 =	sadd.s32 @!p0 s3, s7;
	s7 =	simm.s32 @!p0 $0x108  }
0x21: {  	s3 =	sadd.s32 s3, s9;
	s6 =	sadd.s32 @!p0 $0x88, s6;
	s7 =	simm.s32 @p2 $0x1082  }
0x22: {  	[simem:s7], [sflag:s8] =	dma.local @!p0 [hbm:s6], $0xF7A  }
0x23: {  	s9 =	sor.u32 $0xD0000000, s2;
	s6 =	simm.s32 $0x108;
	_ =	swait.ge @!p0 [sflag:s8], $0x0  }
0x24: {  	s3 =	sadd.s32 $0x88, s3;
	s6 =	simm.s32 @!p1 $0x1082;
	[sflag:s4] =	ssyncset.s32 $0xFFFFF086  }
0x25: {  	[simem:s6], [sflag:s4] =	dma.local [hbm:s3], $0xF7A  }
0x26: {  	[smem:$0x3F9D] =	sst s1;
	(tag) =	ssettag s2;
	_ =	strace s9  }
0x27: {  	s1 =	sld [smem:$0x3FAD]  }
0x28: {  	s2 =	sld [smem:$0x3FAE]  }
0x29: {  	s4 =	sld [smem:$0x3FB0]  }
0x2a: {  	p0 =	seq.s32 s5, $0x0;
	s5 =	sld [smem:$0x3FB1]  }
0x2b: {  	s6 =	sld [smem:$0x3FB2]  }
0x2c: {  	s7 =	sld [smem:$0x3FB3]  }
0x2d: {  	s3 =	simm.s32 $0x108;
	s8 =	sld [smem:$0x3FB4]  }
0x2e: {  	s3 =	simm.s32 @!p0 $0x1082;
	s9 =	sld [smem:$0x3FB5]  }
0x2f: {  	lr =	sadd.s32 s0, s3;
	s0 =	sld [smem:$0x3FAC]  }
0x30: {  	s3 =	sld [smem:$0x3FAF]  }
0x31: {  	[smem:$0x3FB8] =	sst s10  }
0x32: {  	s10 =	sld [smem:$0x3FB6];
	_ =	sdelay $0x3  }
0x33: {  	p0 =	seq.s32 s10, $0x1;
	s10 =	sld [smem:$0x3FB8];
	_ =	sdelay $0x3  }
0x34: {  	[smem:$0x3FB8] =	sst s10  }
0x35: {  	s10 =	sld [smem:$0x3FB7];
	_ =	sdelay $0x3  }
0x36: {  	p1 =	seq.s32 s10, $0x1;
	s10 =	sld [smem:$0x3FB8];
	_ =	sdelay $0x3  }
0x37: {  	[smem:$0x3FB8] =	sst s10  }
0x38: {  	s10 =	sld [smem:$0x3FB9]  }
0x39: {  	_ = 	snop;
	(pc) =	sbr.ind lr, $3  }
0x3a: {  	_ = 	snop  }
0x3b: {  	_ = 	snop  }
0x3c: {  	p2 =	seq.s32 s10, $0x1;
	s10 =	sld [smem:$0x3FB8]  }
0x3d: {  	_ =	shalt  }
0x3e: {  	_ =	shalt  }
0x3f: {  	_ =	shalt  }
0x40: {  	_ =	shalt  }
0x41: {  	_ =	shalt  }
0x42: {  	_ =	shalt  }
0x43: {  	_ =	shalt  }
0x44: {  	_ =	shalt  }
0x45: {  	_ =	shalt  }
0x46: {  	_ =	shalt  }
0x47: {  	_ =	shalt  }
0x48: {  	_ =	shalt  }
0x49: {  	_ =	shalt  }
0x4a: {  	_ =	shalt  }
0x4b: {  	_ =	shalt  }
0x4c: {  	_ =	shalt  }
0x4d: {  	_ =	shalt  }
0x4e: {  	_ =	shalt  }
0x4f: {  	_ =	shalt  }
0x50: {  	_ =	shalt  }
0x51: {  	_ =	shalt  }
0x52: {  	_ =	shalt  }
0x53: {  	_ =	shalt  }
0x54: {  	_ =	shalt  }
0x55: {  	_ =	shalt  }
0x56: {  	_ =	shalt  }
0x57: {  	_ =	shalt  }
0x58: {  	_ =	shalt  }
0x59: {  	_ =	shalt  }
0x5a: {  	_ =	shalt  }
0x5b: {  	_ =	shalt  }
0x5c: {  	_ =	shalt  }
0x5d: {  	_ =	shalt  }
0x5e: {  	_ =	shalt  }
0x5f: {  	_ =	shalt  }
0x60: {  	_ =	shalt  }
0x61: {  	_ =	shalt  }
0x62: {  	_ =	shalt  }
0x63: {  	_ =	shalt  }
0x64: {  	_ =	shalt  }
0x65: {  	_ =	shalt  }
0x66: {  	_ =	shalt  }
0x67: {  	_ =	shalt  }
0x68: {  	_ =	shalt  }
0x69: {  	_ =	shalt  }
0x6a: {  	_ =	shalt  }
0x6b: {  	_ =	shalt  }
0x6c: {  	_ =	shalt  }
0x6d: {  	_ =	shalt  }
0x6e: {  	_ =	shalt  }
0x6f: {  	_ =	shalt  }
0x70: {  	_ =	shalt  }
0x71: {  	_ =	shalt  }
0x72: {  	_ =	shalt  }
0x73: {  	_ =	shalt  }
0x74: {  	_ =	shalt  }
0x75: {  	_ =	shalt  }
0x76: {  	_ =	shalt  }
0x77: {  	_ =	shalt  }
0x78: {  	_ =	shalt  }
0x79: {  	_ =	shalt  }
0x7a: {  	_ =	shalt  }
0x7b: {  	_ =	shalt  }
0x7c: {  	_ =	shalt  }
0x7d: {  	_ =	shalt  }
0x7e: {  	_ =	shalt  }
0x7f: {  	_ =	shalt  }
0x80: {  	_ =	shalt  }
0x81: {  	_ =	shalt  }
0x82: {  	_ =	shalt  }
0x83: {  	_ =	shalt  }
0x84: {  	_ =	shalt  }
0x85: {  	_ =	shalt  }
0x86: {  	_ =	shalt  }
0x87: {  	_ =	shalt  }
.Lfunc_end0:
.L_simem_size_0:
called_computation_lowered:
.L_overlay_start_0:
0x88: {  	s2 =	sld [smem:$0x3FD9]  }
0x89: {  	s3 =	sld [smem:$0x3FFE];
	_ =	sdelay $0x1  }
0x8a: {  	s1 =	srdreg.scid  }
0x8b: {  	s0 =	sand.u32 $0x1, s1  }
0x8c: {  	s17 =	sshll.u32 s0, $0xA;
	s2 =	sadd.s32 s3, s2  }
0x8d: {  	s2 =	sadd.s32 s2, s17  }
0x8e: {  	[smem:$0x3FC4] =	sst s2  }
0x8f: {  	_ = 	snop  }
0x90: {  	s2 =	sld [smem:$0x3FC9]  }
0x91: {  	s18 =	sld [smem:$0x3FC7]  }
0x92: {  	s4 =	sld [smem:$0x3FC6]  }
0x93: {  	s5 =	sld [smem:$0x3FD0];
	(tm) =	ssettm $0x1  }
0x94: {  	s6 =	sld [smem:$0x3FFB];
	_ =	sdelay $0x3  }
0x95: {  	_ =	strace s6  }
0x96: {  	s6 =	sld [smem:$0x3FFC];
	_ =	sdelay $0x3  }
0x97: {  	_ =	strace s6  }
0x98: {  	s6 =	sld [smem:$0x3FFD];
	_ =	sdelay $0x3  }
0x99: {  	_ =	strace s6  }
0x9a: {  	_ =	strace $0x8FFFFFFF  }
0x9b: {  	s19 =	sld [smem:$0x3FDB];
	_ =	sdelay $0x1  }
0x9c: {  	s7 =	simm.s32 $_scs_section_size  }
0x9d: {  	s8 =	simm.s32 $_size__tile_overlayer_lowered;
	s9 =	simm.s32 $_tile_overlayer_lowered  }
0x9e: {  	s22 =	simm.s32 $0x1BFF;
	s21 =	sshll.u32 s9, $0x1;
	s6 =	sadd.s32 s7, s19  }
0x9f: {  	s10 =	simm.s32 $0x0;
	s20 =	sshll.u32 s8, $0x1;
	s8 =	sadd.s32 s21, s6  }
0xa0: {  	[timem:s10], [sflag:s22] =	dma.local [hbm:s8], s20  }
0xa1: {  	_ =	swait.ge [sflag:s22], s20  }
0xa2: {  	s7 =	ssub.s32 $0x0, s20;
	[sflag:s22] =	ssyncset.done $0x0  }
0xa3: {  	[sflag:s22] =	ssyncadd.s32 s7;
	_ =	sdelay $0x1  }
0xa4: {  	s23 =	simm.s32 $0x1B8B  }
0xa5: {  	_ =	swait.ge [sflag:s23], $0x1  }
0xa6: {  	[sflag:s23] =	ssyncset.done $0x0  }
0xa7: {  	s25 =	simm.s32 $0x1B8E;
	s24 =	sld [smem:$0x3FFE];
	[sflag:s23] =	ssyncadd.s32 $0xFFFFFFFF  }
0xa8: {  	s26 =	simm.s32 $execute0_lowered;
	[smem:$0x3FD2] =	sst s25  }
0xa9: {  	s8 =	sshll.u32 s26, $0x1;
	_ =	strace $0x80000046;
	[dreg:$0x1] =	wrdreg $0xFFFFFFFF  }
0xaa: {  	s28 =	simm.s32 $_size_execute0_lowered;
	s6 =	sadd.s32 s6, s8;
	[dreg:$0x0] =	wrdreg $0x0  }
0xab: {  	s8 =	sshll.u32 s28, $0x1;
	[dreg:$0x2] =	wrdreg s6  }
0xac: {  	[dreg:$0x3] =	wrdreg s8  }
0xad: {  	[dreg:$0x4] =	wrdreg $0xC0  }
0xae: {  	_ =	task [dreg:s10], $0x5FFFF  }
0xaf: {  	[dreg:$0x1] =	wrdreg $0xFFFFFFFF  }
0xb0: {  	[dreg:$0x0] =	wrdreg $0x60  }
0xb1: {  	[dreg:$0x2] =	wrdreg s2  }
0xb2: {  	[dreg:$0x3] =	wrdreg s24  }
0xb3: {  	[dreg:$0x4] =	wrdreg s18  }
0xb4: {  	[dreg:$0x5] =	wrdreg s4  }
0xb5: {  	[dreg:$0x6] =	wrdreg s5  }
0xb6: {  	[dreg:$0x7] =	wrdreg $0x0  }
0xb7: {  	[dreg:$0x8] =	wrdreg $0x9  }
0xb8: {  	_ =	task.clear_ibuf [dreg:s10], $0x9FFFF;
	_ =	strace $0x90000046  }
0xb9: {  	s29 =	simm.s32 $0x9;
	_ =	strace $0x80000048  }
0xba: {  	_ =	swait.ge [sflag:s29], $0x1  }
0xbb: {  	[sflag:s29] =	ssyncadd.s32 $0xFFFFFFFF  }
0xbc: {  	_ =	strace $0x90000048  }
0xbd: {  	_ =	sfence  }
0xbe: {  	s30 =	sld [smem:$0x0];
	_ =	sdelay $0x2  }
0xbf: {  	s31 =	sshll.u32 s1, $0xD;
	s1 =	sshrl.u32 s1, $0x2  }
0xc0: {  	s3 =	sand.u32 $0x4000, s31;
	s1 =	sadd.s32 s1, s30  }
0xc1: {  	s0 =	sor.u32 s3, s0;
	s1 =	sshll.u32 s1, $0x11  }
0xc2: {  	s0 =	sor.u32 s1, s0  }
0xc3: {  	s0 =	sadd.s32 $0x8F2B, s0  }
0xc4: {  	[sflag:s0] =	ssyncadd.remote.s32 $0x1  }
0xc5: {  	_ =	sfence.sel $0xFFFF  }
0xc6: {  	[dreg:$0x0] =	wrdreg $0xFFFFFFFF;
	(pc) =	sbr.abs _section_cstart, $3  }
0xc7: {  	[dreg:$0x1] =	wrdreg $0xFFFFFFFF  }
0xc8: {  	_ =	task.clear_ibuf [dreg:s10], $0x2FFFF;
	_ =	strace $0x9FFFFFFF  }
0xc9: {  	(tm) =	ssettm $0x7FFFFFFF  }
tec
execute0_lowered:
.L_overlay_start_1:
0x0: {  	(tag) =	ssettag $0x1  }
0x1: {  	s0 =	rddreg [dreg:$0x0]  }
0x2: {  	s1 =	rddreg [dreg:$0x1]  }
0x3: {  	s2 =	rddreg [dreg:$0x2]  }
0x4: {  	s3 =	rddreg [dreg:$0x3]  }
0x5: {  	s5 =	rddreg [dreg:$0x4]  }
0x6: {  	s4 =	rddreg [dreg:$0x5]  }
0x7: {  	s6 =	srdreg.scid;
	s14 =	stileid.u32;
	s28 =	simm.s32 $0x14200  }
0x8: {  	s29 =	simm.s32 $0x6;
	s30 =	simm.s32 $0x4;
	s11 =	smul.u32 $0x2710, s14  }
0x9: {  	s31 =	simm.s32 $0x7;
	s9 =	sand.u32 $0x1, s6;
	s13 =	smul.u32 $0x50000, s14  }
0xa: {  	s6 =	simm.s32 $0x0;
	s7 =	sadd.s32 $0x400, s1;
	s26 =	smul.u32 $0x14000, s14  }
0xb: {  	s8 =	smul.u32 $0x27100, s9;
	[smem:$0x7FF] =	sst s6;
	s10 =	ssub.s32 $0x2, s9  }
0xc: {  	s9 =	smul.u32 $0x140000, s9;
	_ =	strace $0x80000047;
	s12 =	sshrl.u32 s10, $0x1  }
0xd: {  	s25 =	sshrl.u32 s13, $0x2;
	s21 =	sadd.s32 $0x8000, s26;
	s22 =	sadd.s32 $0xC000, s26  }
0xe: {  	s1 =	ssub.s32 s10, s12;
	s8 =	sadd.s32 s11, s8;
	s18 =	sadd.s32 s25, s4  }
0xf: {  	s16 =	sadd.s32 s26, s9;
	s12 =	sadd.s32 $0x10000, s26;
	s11 =	sshrl.u32 s8, $0x3  }
0x10: {  	s15 =	sshll.u32 s8, $0x4;
	s1 =	smax.u32 s1, $0x1;
	[dreg:$0x7] =	wrdreg s18  }
0x11: {  	s19 =	sadd.s32 $0x50, s8;
	s13 =	sadd.s32 s2, s11;
	[dreg:$0x13] =	wrdreg s1  }
0x12: {  	s14 =	sadd.s32 s3, s11;
	s11 =	sadd.s32 $0x4000, s26;
	[dreg:$0x8] =	wrdreg s13  }
0x13: {  	s10 =	sadd.s32 s7, s15;
	s15 =	sshrl.u32 s19, $0x3;
	[dreg:$0x9] =	wrdreg s14  }
0x14: {  	s26 =	sshll.u32 s19, $0x4;
	[dreg:$0xa] =	wrdreg s10;
	s17 =	sadd.s32 s9, s11  }
0x15: {  	s10 =	sshrl.u32 s16, $0x3;
	s16 =	sadd.s32 s9, s21;
	s24 =	sadd.s32 s2, s15  }
0x16: {  	s25 =	sadd.s32 s3, s15;
	s14 =	sadd.s32 s12, s4;
	s13 =	sshrl.u32 s17, $0x3  }
0x17: {  	s10 =	sadd.s32 s5, s10;
	s17 =	sadd.s32 s9, s22;
	[dreg:$0x10] =	wrdreg s24  }
0x18: {  	s9 =	sadd.s32 s9, s12;
	s16 =	sshrl.u32 s16, $0x3;
	[dreg:$0x11] =	wrdreg s25  }
0x19: {  	s19 =	sshrl.u32 s14, $0x3;
	s24 =	sadd.s32 $0xC800, s18;
	[dreg:$0xb] =	wrdreg s10  }
0x1a: {  	s25 =	sadd.s32 $0xF000, s18;
	s12 =	simm.s32 $0x9;
	[dreg:$0x17] =	wrdreg s19  }
0x1b: {  	s20 =	sadd.s32 s5, s13;
	s17 =	sshrl.u32 s17, $0x3;
	[dreg:$0x1c] =	wrdreg s24  }
0x1c: {  	s9 =	sshrl.u32 s9, $0x3;
	s16 =	sadd.s32 s5, s16;
	[dreg:$0x1d] =	wrdreg s25  }
0x1d: {  	s13 =	sadd.s32 s22, s4;
	s22 =	sadd.s32 $0x7800, s18;
	[dreg:$0xc] =	wrdreg s20  }
0x1e: {  	s10 =	sadd.s32 $0xA0, s8;
	s19 =	simm.s32 $0x14180;
	[dreg:$0xd] =	wrdreg s16  }
0x1f: {  	s24 =	simm.s32 $0x1BB00;
	s23 =	sadd.s32 s5, s17;
	[dreg:$0x1a] =	wrdreg s22  }
0x20: {  	s25 =	simm.s32 $0x5;
	s5 =	sadd.s32 s5, s9;
	[dreg:$0xe] =	wrdreg s23  }
0x21: {  	s9 =	sadd.s32 s11, s4;
	s17 =	sshrl.u32 s13, $0x3;
	[dreg:$0xf] =	wrdreg s5  }
0x22: {  	s11 =	sadd.s32 s21, s4;
	s20 =	sadd.s32 $0x2800, s18;
	[dreg:$0x16] =	wrdreg s17  }
0x23: {  	s21 =	sadd.s32 $0x5000, s18;
	s13 =	simm.s32 $0x50;
	[dreg:$0x18] =	wrdreg s20  }
0x24: {  	s22 =	simm.s32 $0x2;
	s5 =	sadd.s32 s7, s26;
	[dreg:$0x19] =	wrdreg s21  }
0x25: {  	s15 =	sshrl.u32 s9, $0x3;
	s16 =	sshrl.u32 s11, $0x3;
	[dreg:$0x12] =	wrdreg s5  }
0x26: {  	s23 =	sadd.s32 $0xA000, s18;
	s26 =	sadd.s32 $0x11800, s18;
	[dreg:$0x14] =	wrdreg s15  }
0x27: {  	s11 =	simm.s32 $0x19300;
	s18 =	simm.s32 $0x14080;
	[dreg:$0x15] =	wrdreg s16  }
0x28: {  	s20 =	simm.s32 $0x16B00;
	s21 =	simm.s32 $0x1;
	[dreg:$0x1b] =	wrdreg s23  }
0x29: {  	s17 =	simm.s32 $0x0;
	[dreg:$0x1e] =	wrdreg s26;
	s15 =	simm.s32 $0x14000  }
0x2a: {  	v0 =	vimm.f32 $0.0e+00;
	v1 =	vimm.s32 $0x0;
	s23 =	simm.s32 $0x8;
	s26 =	simm.s32 $0x3;
	s5 =	simm.s32 $0x0  }
.LBB2_1:
0x2b: {  	[dreg:$0x1f] =	wrdreg s5;
	s1 =	simm.s32 $0x0;
	s5 =	simm.s32 $0x200  }
.LBB2_2:
0x2c: {  	p0 =	sne.s32 s5, $0x9E00;
	[tilespmem:s1+$0x19370] =	vst v0  }
0x2d: {  	[tilespmem:s1+$0x19300] =	vst v0  }
0x2e: {  	[tilespmem:s1+$0x19310] =	vst v0  }
.Ltmp0:
0x2f: {  	[tilespmem:s1+$0x19320] =	vst v0;
	(pc) =	sbr.rel @p0 .LBB2_2-.Ltmp0, $4  }
0x30: {  	[tilespmem:s1+$0x19330] =	vst v0  }
0x31: {  	[tilespmem:s1+$0x19340] =	vst v0  }
0x32: {  	[tilespmem:s1+$0x19350] =	vst v0  }
0x33: {  	[tilespmem:s1+$0x19360] =	vst v0;
	s1 =	sshra.s32 s5, $0x2;
	s5 =	sadd.s32 $0x200, s5  }
0x34: {  	[tilespmem:s1+$0x19370] =	vst v0  }
0x35: {  	[tilespmem:s1+$0x19300] =	vst v0  }
0x36: {  	[tilespmem:s1+$0x19310] =	vst v0  }
0x37: {  	[tilespmem:s1+$0x19320] =	vst v0  }
0x38: {  	[tilespmem:s1+$0x19330] =	vst v0  }
0x39: {  	[tilespmem:s1+$0x19340] =	vst v0  }
0x3a: {  	[tilespmem:s1+$0x19350] =	vst v0  }
0x3b: {  	[tilespmem:s1+$0x19360] =	vst v0  }
0x3c: {  	[tilespmem:$0x14280] =	vst v1  }
0x3d: {  	[tilespmem:$0x14290] =	vst v1  }
0x3e: {  	[tilespmem:$0x142A0] =	vst v1  }
0x3f: {  	[tilespmem:$0x142B0] =	vst v1  }
0x40: {  	s9 =	rddreg [dreg:$0x7];
	[tilespmem:$0x142C0] =	vst v1  }
0x41: {  	[spmem:s9] =	stream.linear.scatter [tilespmem:s11], [sflag:$0x9], $0x2800, $0x38;
	[tilespmem:$0x1E300] =	vst v63  }
0x42: {  	_ =	swait.ge [sflag:s12], $0x2800  }
0x43: {  	[sflag:s12] =	ssyncset.done $0x0  }
0x44: {  	s14 =	rddreg [dreg:$0x18];
	[sflag:s12] =	ssyncadd.s32 $0xFFFFD800  }
0x45: {  	[spmem:s14] =	stream.linear.scatter [tilespmem:s11], [sflag:$0x9], $0x2800, $0x38;
	[tilespmem:$0x1E300] =	vst v63  }
0x46: {  	_ =	swait.ge [sflag:s12], $0x2800  }
0x47: {  	[sflag:s12] =	ssyncset.done $0x0  }
0x48: {  	s16 =	rddreg [dreg:$0x19];
	[sflag:s12] =	ssyncadd.s32 $0xFFFFD800  }
0x49: {  	[spmem:s16] =	stream.linear.scatter [tilespmem:s11], [sflag:$0x9], $0x2800, $0x38;
	[tilespmem:$0x1E300] =	vst v63  }
0x4a: {  	_ =	swait.ge [sflag:s12], $0x2800  }
0x4b: {  	[sflag:s12] =	ssyncset.done $0x0  }
0x4c: {  	s5 =	rddreg [dreg:$0x1a];
	[sflag:s12] =	ssyncadd.s32 $0xFFFFD800  }
0x4d: {  	[spmem:s5] =	stream.linear.scatter [tilespmem:s11], [sflag:$0x9], $0x2800, $0x38;
	[tilespmem:$0x1E300] =	vst v63  }
0x4e: {  	_ =	swait.ge [sflag:s12], $0x2800  }
0x4f: {  	[sflag:s12] =	ssyncset.done $0x0  }
0x50: {  	s9 =	rddreg [dreg:$0x1b];
	[sflag:s12] =	ssyncadd.s32 $0xFFFFD800  }
0x51: {  	[spmem:s9] =	stream.linear.scatter [tilespmem:s11], [sflag:$0x9], $0x2800, $0x38;
	[tilespmem:$0x1E300] =	vst v63  }
0x52: {  	_ =	swait.ge [sflag:s12], $0x2800  }
0x53: {  	[sflag:s12] =	ssyncset.done $0x0  }
0x54: {  	s14 =	rddreg [dreg:$0x1c];
	[sflag:s12] =	ssyncadd.s32 $0xFFFFD800  }
0x55: {  	[spmem:s14] =	stream.linear.scatter [tilespmem:s11], [sflag:$0x9], $0x2800, $0x38;
	[tilespmem:$0x1E300] =	vst v63  }
0x56: {  	_ =	swait.ge [sflag:s12], $0x2800  }
0x57: {  	[sflag:s12] =	ssyncset.done $0x0  }
0x58: {  	s16 =	rddreg [dreg:$0x1d];
	[sflag:s12] =	ssyncadd.s32 $0xFFFFD800  }
0x59: {  	[spmem:s16] =	stream.linear.scatter [tilespmem:s11], [sflag:$0x9], $0x2800, $0x38;
	[tilespmem:$0x1E300] =	vst v63  }
0x5a: {  	_ =	swait.ge [sflag:s12], $0x2800  }
0x5b: {  	[sflag:s12] =	ssyncset.done $0x0  }
0x5c: {  	s5 =	rddreg [dreg:$0x1e];
	[sflag:s12] =	ssyncadd.s32 $0xFFFFD800  }
0x5d: {  	[spmem:s5] =	stream.linear.scatter [tilespmem:s11], [sflag:$0x9], $0x2800, $0x38;
	[tilespmem:$0x1E300] =	vst v63  }
0x5e: {  	_ =	swait.ge [sflag:s12], $0x2800  }
0x5f: {  	[sflag:s12] =	ssyncset.done $0x0  }
0x60: {  	s9 =	simm.s32 $0x14280;
	[sflag:s12] =	ssyncadd.s32 $0xFFFFD800  }
0x61: {  	[spmem:s4] =	stream.indirect.scatter.add.f32 [tilespmem:s11], [sflag:$0x8], $0x80, s9, s13, $0xb8;
	[tilespmem:$0x1E300] =	vst v63  }
0x62: {  	[bflag:$0x0] =	sbarrier.arrive $0xFFFF  }
0x63: {  	s5 =	simm.s32 $0x0;
	s14 =	rddreg [dreg:$0x8]  }
0x64: {  	[tilespmem:s15], [sflag:$0x1] =	stream.linear.gather [hbm4b:s14+s5], $0x50, $0x38;
	[tilespmem:$0x1E300] =	vst v63  }
0x65: {  	s9 =	simm.s32 $0x14100;
	s16 =	rddreg [dreg:$0x9]  }
0x66: {  	[tilespmem:s9], [sflag:$0x1] =	stream.linear.gather [hbm4b:s16+s5], $0x50, $0x38;
	[tilespmem:$0x1E300] =	vst v63  }
0x67: {  	s14 =	rddreg [dreg:$0xa];
	s16 =	simm.s32 $0x14300  }
0x68: {  	[tilespmem:s16], [sflag:$0x3] =	stream.linear.gather [hbm4b:s14+s5], $0x2800, $0x38;
	[tilespmem:$0x1E300] =	vst v63  }
0x69: {  	s9 =	rddreg [dreg:$0x10]  }
0x6a: {  	[tilespmem:s18], [sflag:$0x2] =	stream.linear.gather [hbm4b:s9+s5], $0x50, $0x38;
	[tilespmem:$0x1E300] =	vst v63  }
0x6b: {  	s14 =	rddreg [dreg:$0x11]  }
0x6c: {  	[tilespmem:s19], [sflag:$0x2] =	stream.linear.gather [hbm4b:s14+s5], $0x50, $0x38;
	[tilespmem:$0x1E300] =	vst v63  }
0x6d: {  	s16 =	rddreg [dreg:$0x12]  }
0x6e: {  	[tilespmem:s20], [sflag:$0x4] =	stream.linear.gather [hbm4b:s16+s5], $0x2800, $0x38;
	[tilespmem:$0x1E300] =	vst v63  }
0x6f: {  	_ =	swait.ge [sflag:s21], $0x50  }
0x70: {  	[sflag:s21] =	ssyncset.done $0x0  }
0x71: {  	[sflag:s21] =	ssyncadd.s32 $0xFFFFFFB0  }
0x72: {  	_ =	swait.ge [sflag:s21], $0x50  }
0x73: {  	[sflag:s21] =	ssyncset.done $0x0  }
0x74: {  	[sflag:s21] =	ssyncadd.s32 $0xFFFFFFB0  }
0x75: {  	[tilespmem:s11], [sflag:$0x5] =	stream.indirect.gather [hbm4b:s0+s13], $0x80, s15, s13, $0xb8;
	[tilespmem:$0x1E300] =	vst v63  }
.LBB2_4:
0x76: {  	_ =	swait.ge [sflag:s22], $0x50  }
0x77: {  	[sflag:s22] =	ssyncset.done $0x0  }
0x78: {  	[sflag:s22] =	ssyncadd.s32 $0xFFFFFFB0  }
0x79: {  	_ =	swait.ge [sflag:s22], $0x50  }
0x7a: {  	[sflag:s22] =	ssyncset.done $0x0  }
0x7b: {  	[sflag:s22] =	ssyncadd.s32 $0xFFFFFFB0  }
0x7c: {  	_ =	swait.ge [sflag:s23], $0x2800  }
0x7d: {  	[sflag:s23] =	ssyncset.done $0x0  }
0x7e: {  	[sflag:s23] =	ssyncadd.s32 $0xFFFFD800  }
0x7f: {  	[tilespmem:s24], [sflag:$0x6] =	stream.indirect.gather [hbm4b:s0+s13], $0x80, s18, s13, $0xb8;
	[tilespmem:$0x1E300] =	vst v63  }
0x80: {  	_ =	swait.ge [sflag:s25], $0x2800  }
0x81: {  	[sflag:s25] =	ssyncset.done $0x0  }
0x82: {  	[sflag:s25] =	ssyncadd.s32 $0xFFFFD800  }
0x83: {  	_ =	swait.ge [sflag:s26], $0x2800  }
0x84: {  	[sflag:s26] =	ssyncset.done $0x0  }
0x85: {  	s9 =	simm.s32 $0x0;
	[sflag:s26] =	ssyncadd.s32 $0xFFFFD800  }
0x86: {  	v5 =	vld [tilespmem:s9+$0x14300]  }
0x87: {  	v6 =	vld [tilespmem:s9+$0x14310]  }
0x88: {  	v7 =	vld [tilespmem:s9+$0x14320]  }
0x89: {  	v8 =	vld [tilespmem:s9+$0x14330]  }
0x8a: {  	v9 =	vld [tilespmem:s9+$0x14380]  }
0x8b: {  	v10 =	vld [tilespmem:s9+$0x14390]  }
0x8c: {  	v19 =	vld [tilespmem:s9+$0x19310]  }
0x8d: {  	v11 =	vld [tilespmem:s9+$0x143A0]  }
0x8e: {  	v12 =	vld [tilespmem:s9+$0x143B0]  }
0x8f: {  	v21 =	vld [tilespmem:s9+$0x19330]  }
0x90: {  	v13 =	vld [tilespmem:s9+$0x14400];
	v22 =	vshll.u32 v5, $0x10;
	v5 =	vand.u32 $0xFFFF0000, v5  }
0x91: {  	v14 =	vld [tilespmem:s9+$0x14410];
	v5 =	vmul.f32 v5, v19  }
0x92: {  	v53 =	vld [tilespmem:s9+$0x19350]  }
0x93: {  	v15 =	vld [tilespmem:s9+$0x14420];
	[tilespmem:s9+$0x19310] =	vst v5;
	v5 =	vand.u32 $0xFFFF0000, v6  }
0x94: {  	v16 =	vld [tilespmem:s9+$0x14430];
	v5 =	vmul.f32 v5, v21  }
0x95: {  	v55 =	vld [tilespmem:s9+$0x19370]  }
0x96: {  	v54 =	vshll.u32 v6, $0x10;
	v6 =	vld [tilespmem:s9+$0x19380];
	[tilespmem:s9+$0x19330] =	vst v5;
	v5 =	vand.u32 $0xFFFF0000, v7  }
0x97: {  	v17 =	vld [tilespmem:s9+$0x14480];
	v5 =	vmul.f32 v5, v53  }
0x98: {  	v57 =	vld [tilespmem:s9+$0x19390]  }
0x99: {  	v56 =	vshll.u32 v7, $0x10;
	v7 =	vld [tilespmem:s9+$0x193A0];
	[tilespmem:s9+$0x19350] =	vst v5;
	v5 =	vand.u32 $0xFFFF0000, v8  }
0x9a: {  	v4 =	vld [tilespmem:s9+$0x14490];
	v60 =	vshll.u32 v9, $0x10;
	v5 =	vmul.f32 v5, v55  }
0x9b: {  	v59 =	vld [tilespmem:s9+$0x193B0];
	v6 =	vmul.f32 v60, v6  }
0x9c: {  	v58 =	vshll.u32 v8, $0x10;
	v8 =	vld [tilespmem:s9+$0x193C0];
	[tilespmem:s9+$0x19370] =	vst v5;
	v5 =	vand.u32 $0xFFFF0000, v9  }
0x9d: {  	v3 =	vld [tilespmem:s9+$0x144A0];
	[tilespmem:s9+$0x19380] =	vst v6;
	v6 =	vshll.u32 v10, $0x10;
	v5 =	vmul.f32 v5, v57  }
0x9e: {  	v61 =	vld [tilespmem:s9+$0x193D0];
	v6 =	vmul.f32 v6, v7  }
0x9f: {  	v9 =	vld [tilespmem:s9+$0x193E0];
	[tilespmem:s9+$0x19390] =	vst v5;
	v5 =	vand.u32 $0xFFFF0000, v10  }
0xa0: {  	v2 =	vld [tilespmem:s9+$0x144B0];
	[tilespmem:s9+$0x193A0] =	vst v6;
	v6 =	vshll.u32 v11, $0x10;
	v5 =	vmul.f32 v5, v59  }
0xa1: {  	v62 =	vld [tilespmem:s9+$0x193F0];
	v6 =	vmul.f32 v6, v8  }
0xa2: {  	v7 =	vld [tilespmem:s9+$0x19400];
	[tilespmem:s9+$0x193B0] =	vst v5;
	v5 =	vand.u32 $0xFFFF0000, v11  }
0xa3: {  	v18 =	vld [tilespmem:s9+$0x19300];
	[tilespmem:s9+$0x193C0] =	vst v6;
	v6 =	vshll.u32 v12, $0x10;
	v5 =	vmul.f32 v5, v61  }
0xa4: {  	v10 =	vld [tilespmem:s9+$0x19410];
	v6 =	vmul.f32 v6, v9  }
0xa5: {  	v8 =	vld [tilespmem:s9+$0x19420];
	[tilespmem:s9+$0x193D0] =	vst v5;
	v5 =	vand.u32 $0xFFFF0000, v12  }
0xa6: {  	v20 =	vld [tilespmem:s9+$0x19320];
	[tilespmem:s9+$0x193E0] =	vst v6;
	v6 =	vshll.u32 v13, $0x10;
	v5 =	vmul.f32 v5, v62  }
0xa7: {  	v11 =	vld [tilespmem:s9+$0x19430];
	v6 =	vmul.f32 v6, v7  }
0xa8: {  	v18 =	vmul.f32 v22, v18;
	v12 =	vld [tilespmem:s9+$0x19440];
	[tilespmem:s9+$0x193F0] =	vst v5;
	v5 =	vand.u32 $0xFFFF0000, v13  }
0xa9: {  	v23 =	vld [tilespmem:s9+$0x19340];
	[tilespmem:s9+$0x19400] =	vst v6;
	v6 =	vshll.u32 v14, $0x10;
	v5 =	vmul.f32 v5, v10  }
0xaa: {  	v63 =	vld [tilespmem:s9+$0x19450];
	[tilespmem:s9+$0x19300] =	vst v18;
	v6 =	vmul.f32 v6, v8  }
0xab: {  	v18 =	vmul.f32 v54, v20;
	v13 =	vld [tilespmem:s9+$0x19460];
	[tilespmem:s9+$0x19410] =	vst v5;
	v5 =	vand.u32 $0xFFFF0000, v14  }
0xac: {  	v24 =	vld [tilespmem:s9+$0x19360];
	[tilespmem:s9+$0x19420] =	vst v6;
	v6 =	vshll.u32 v15, $0x10;
	v5 =	vmul.f32 v5, v11  }
0xad: {  	[tilespmem:s9+$0x19320] =	vst v18;
	v10 =	vld [tilespmem:s9+$0x19470];
	v6 =	vmul.f32 v6, v12  }
0xae: {  	v18 =	vmul.f32 v56, v23;
	v14 =	vld [tilespmem:s9+$0x19480];
	[tilespmem:s9+$0x19430] =	vst v5;
	v5 =	vand.u32 $0xFFFF0000, v15  }
0xaf: {  	v9 =	vld [tilespmem:s9+$0x19490];
	[tilespmem:s9+$0x19440] =	vst v6;
	v6 =	vshll.u32 v16, $0x10;
	v5 =	vmul.f32 v5, v63  }
0xb0: {  	[tilespmem:s9+$0x19340] =	vst v18;
	v7 =	vld [tilespmem:s9+$0x194A0];
	v11 =	vmul.f32 v6, v13  }
0xb1: {  	v18 =	vmul.f32 v58, v24;
	v8 =	vld [tilespmem:s9+$0x194B0];
	[tilespmem:s9+$0x19450] =	vst v5;
	v5 =	vand.u32 $0xFFFF0000, v16  }
0xb2: {  	v6 =	vld [tilespmem:s9+$0x194C0];
	v13 =	vshll.u32 v17, $0x10;
	[tilespmem:s9+$0x19460] =	vst v11;
	v11 =	vmul.f32 v5, v10  }
0xb3: {  	s1 =	simm.s32 $0x800;
	[tilespmem:s9+$0x19360] =	vst v18;
	v12 =	vand.u32 $0xFFFF0000, v17;
	v10 =	vmul.f32 v13, v14;
	v5 =	vld [tilespmem:s9+$0x194D0]  }
.LBB2_5:
0xb4: {  	p0 =	sne.s32 s1, $0x9800;
	[tilespmem:s9+$0x19470] =	vst v11;
	v9 =	vmul.f32 v12, v9;
	v11 =	vshll.u32 v4, $0x10;
	v12 =	vld [tilespmem:s9+$0x194E0]  }
0xb5: {  	s14 =	sshra.s32 s1, $0x2;
	v4 =	vand.u32 $0xFFFF0000, v4;
	[tilespmem:s9+$0x19480] =	vst v10;
	v7 =	vmul.f32 v11, v7;
	v10 =	vld [tilespmem:s9+$0x194F0]  }
0xb6: {  	v11 =	vld [tilespmem:s14+$0x14300];
	[tilespmem:s9+$0x19490] =	vst v9;
	v4 =	vmul.f32 v4, v8;
	v8 =	vshll.u32 v3, $0x10  }
0xb7: {  	v3 =	vand.u32 $0xFFFF0000, v3;
	v9 =	vld [tilespmem:s14+$0x14310];
	[tilespmem:s9+$0x194A0] =	vst v7;
	v6 =	vmul.f32 v8, v6  }
0xb8: {  	v7 =	vld [tilespmem:s14+$0x14320];
	[tilespmem:s9+$0x194B0] =	vst v4;
	v3 =	vmul.f32 v3, v5;
	v4 =	vshll.u32 v2, $0x10  }
0xb9: {  	v2 =	vand.u32 $0xFFFF0000, v2;
	v8 =	vld [tilespmem:s14+$0x14330];
	[tilespmem:s9+$0x194C0] =	vst v6;
	v4 =	vmul.f32 v4, v12  }
0xba: {  	v12 =	vld [tilespmem:s14+$0x14380];
	[tilespmem:s9+$0x194D0] =	vst v3;
	v2 =	vmul.f32 v2, v10  }
0xbb: {  	v10 =	vld [tilespmem:s14+$0x14390];
	[tilespmem:s9+$0x194E0] =	vst v4  }
0xbc: {  	v13 =	vld [tilespmem:s14+$0x143A0];
	[tilespmem:s9+$0x194F0] =	vst v2;
	s9 =	smov.u32 s14  }
0xbd: {  	v14 =	vld [tilespmem:s9+$0x143B0]  }
0xbe: {  	v15 =	vld [tilespmem:s9+$0x14400]  }
0xbf: {  	v16 =	vld [tilespmem:s9+$0x14410]  }
0xc0: {  	v17 =	vld [tilespmem:s9+$0x14420]  }
0xc1: {  	v6 =	vld [tilespmem:s9+$0x14430]  }
0xc2: {  	v5 =	vld [tilespmem:s9+$0x14480]  }
0xc3: {  	v4 =	vld [tilespmem:s9+$0x14490]  }
0xc4: {  	v3 =	vld [tilespmem:s9+$0x144A0]  }
0xc5: {  	v2 =	vld [tilespmem:s9+$0x144B0]  }
0xc6: {  	v18 =	vld [tilespmem:s9+$0x19300]  }
0xc7: {  	v19 =	vld [tilespmem:s9+$0x19310]  }
0xc8: {  	v20 =	vld [tilespmem:s9+$0x19320]  }
0xc9: {  	v21 =	vld [tilespmem:s9+$0x19330]  }
0xca: {  	v22 =	vshll.u32 v11, $0x10;
	v23 =	vld [tilespmem:s9+$0x19340]  }
0xcb: {  	v11 =	vand.u32 $0xFFFF0000, v11;
	v18 =	vmul.f32 v22, v18;
	v22 =	vld [tilespmem:s9+$0x19350]  }
0xcc: {  	v11 =	vmul.f32 v11, v19;
	v19 =	vshll.u32 v9, $0x10;
	v24 =	vld [tilespmem:s9+$0x19360]  }
0xcd: {  	v9 =	vand.u32 $0xFFFF0000, v9;
	[tilespmem:s9+$0x19300] =	vst v18;
	v18 =	vmul.f32 v19, v20;
	v19 =	vld [tilespmem:s9+$0x19370]  }
0xce: {  	[tilespmem:s9+$0x19310] =	vst v11;
	v9 =	vmul.f32 v9, v21;
	v11 =	vshll.u32 v7, $0x10;
	v20 =	vld [tilespmem:s9+$0x19380]  }
0xcf: {  	v7 =	vand.u32 $0xFFFF0000, v7;
	[tilespmem:s9+$0x19320] =	vst v18;
	v11 =	vmul.f32 v11, v23;
	v18 =	vld [tilespmem:s9+$0x19390]  }
0xd0: {  	[tilespmem:s9+$0x19330] =	vst v9;
	v7 =	vmul.f32 v7, v22;
	v9 =	vshll.u32 v8, $0x10;
	v21 =	vld [tilespmem:s9+$0x193A0]  }
0xd1: {  	v8 =	vand.u32 $0xFFFF0000, v8;
	[tilespmem:s9+$0x19340] =	vst v11;
	v9 =	vmul.f32 v9, v24;
	v11 =	vld [tilespmem:s9+$0x193B0]  }
0xd2: {  	[tilespmem:s9+$0x19350] =	vst v7;
	v7 =	vmul.f32 v8, v19;
	v8 =	vshll.u32 v12, $0x10;
	v19 =	vld [tilespmem:s9+$0x193C0]  }
0xd3: {  	[tilespmem:s9+$0x19360] =	vst v9;
	v9 =	vand.u32 $0xFFFF0000, v12;
	v8 =	vmul.f32 v8, v20;
	v12 =	vld [tilespmem:s9+$0x193D0]  }
0xd4: {  	[tilespmem:s9+$0x19370] =	vst v7;
	v7 =	vmul.f32 v9, v18;
	v9 =	vshll.u32 v10, $0x10;
	v18 =	vld [tilespmem:s9+$0x193E0]  }
0xd5: {  	[tilespmem:s9+$0x19380] =	vst v8;
	v8 =	vand.u32 $0xFFFF0000, v10;
	v9 =	vmul.f32 v9, v21;
	v10 =	vld [tilespmem:s9+$0x193F0]  }
0xd6: {  	[tilespmem:s9+$0x19390] =	vst v7;
	v7 =	vmul.f32 v8, v11;
	v8 =	vshll.u32 v13, $0x10;
	v11 =	vld [tilespmem:s9+$0x19400]  }
0xd7: {  	[tilespmem:s9+$0x193A0] =	vst v9;
	v9 =	vand.u32 $0xFFFF0000, v13;
	v8 =	vmul.f32 v8, v19;
	v13 =	vld [tilespmem:s9+$0x19410]  }
0xd8: {  	[tilespmem:s9+$0x193B0] =	vst v7;
	v7 =	vmul.f32 v9, v12;
	v9 =	vshll.u32 v14, $0x10;
	v12 =	vld [tilespmem:s9+$0x19420]  }
0xd9: {  	[tilespmem:s9+$0x193C0] =	vst v8;
	v8 =	vand.u32 $0xFFFF0000, v14;
	v9 =	vmul.f32 v9, v18;
	v14 =	vld [tilespmem:s9+$0x19430]  }
0xda: {  	[tilespmem:s9+$0x193D0] =	vst v7;
	v7 =	vmul.f32 v8, v10;
	v8 =	vshll.u32 v15, $0x10;
	v10 =	vld [tilespmem:s9+$0x19440]  }
0xdb: {  	[tilespmem:s9+$0x193E0] =	vst v9;
	v9 =	vand.u32 $0xFFFF0000, v15;
	v8 =	vmul.f32 v8, v11;
	v11 =	vld [tilespmem:s9+$0x19450]  }
0xdc: {  	[tilespmem:s9+$0x193F0] =	vst v7;
	v7 =	vmul.f32 v9, v13;
	v9 =	vshll.u32 v16, $0x10;
	v13 =	vld [tilespmem:s9+$0x19460]  }
0xdd: {  	[tilespmem:s9+$0x19400] =	vst v8;
	v8 =	vand.u32 $0xFFFF0000, v16;
	v9 =	vmul.f32 v9, v12;
	v12 =	vld [tilespmem:s9+$0x19470]  }
0xde: {  	[tilespmem:s9+$0x19410] =	vst v7;
	v7 =	vmul.f32 v8, v14;
	v8 =	vshll.u32 v17, $0x10;
	v14 =	vld [tilespmem:s9+$0x19480]  }
.Ltmp1:
0xdf: {  	v15 =	vand.u32 $0xFFFF0000, v17;
	[tilespmem:s9+$0x19420] =	vst v9;
	v8 =	vmul.f32 v8, v10;
	v9 =	vld [tilespmem:s9+$0x19490];
	(pc) =	sbr.rel @p0 .LBB2_5-.Ltmp1, $4  }
0xe0: {  	[tilespmem:s9+$0x19430] =	vst v7;
	v10 =	vmul.f32 v15, v11;
	v11 =	vshll.u32 v6, $0x10;
	v7 =	vld [tilespmem:s9+$0x194A0]  }
0xe1: {  	v6 =	vand.u32 $0xFFFF0000, v6;
	[tilespmem:s9+$0x19440] =	vst v8;
	v13 =	vmul.f32 v11, v13;
	v8 =	vld [tilespmem:s9+$0x194B0]  }
0xe2: {  	[tilespmem:s9+$0x19450] =	vst v10;
	v11 =	vmul.f32 v6, v12;
	v10 =	vshll.u32 v5, $0x10;
	v6 =	vld [tilespmem:s9+$0x194C0]  }
0xe3: {  	s1 =	sadd.s32 $0x800, s1;
	v12 =	vand.u32 $0xFFFF0000, v5;
	[tilespmem:s9+$0x19460] =	vst v13;
	v10 =	vmul.f32 v10, v14;
	v5 =	vld [tilespmem:s9+$0x194D0]  }
0xe4: {  	[tilespmem:s9+$0x19470] =	vst v11;
	v11 =	vld [tilespmem:s9+$0x194E0];
	v9 =	vmul.f32 v12, v9;
	v12 =	vshll.u32 v4, $0x10  }
0xe5: {  	v4 =	vand.u32 $0xFFFF0000, v4;
	[tilespmem:s9+$0x19480] =	vst v10;
	v7 =	vmul.f32 v12, v7;
	v10 =	vld [tilespmem:s9+$0x194F0]  }
0xe6: {  	[tilespmem:s9+$0x19490] =	vst v9;
	v4 =	vmul.f32 v4, v8;
	v8 =	vshll.u32 v3, $0x10  }
0xe7: {  	v3 =	vand.u32 $0xFFFF0000, v3;
	[tilespmem:s9+$0x194A0] =	vst v7;
	v6 =	vmul.f32 v8, v6  }
0xe8: {  	[tilespmem:s9+$0x194B0] =	vst v4;
	v3 =	vmul.f32 v3, v5;
	v4 =	vshll.u32 v2, $0x10  }
0xe9: {  	v2 =	vand.u32 $0xFFFF0000, v2;
	[tilespmem:s9+$0x194C0] =	vst v6;
	v4 =	vmul.f32 v4, v11  }
0xea: {  	[tilespmem:s9+$0x194D0] =	vst v3;
	v2 =	vmul.f32 v2, v10  }
0xeb: {  	[tilespmem:s9+$0x194E0] =	vst v4  }
0xec: {  	[tilespmem:s9+$0x194F0] =	vst v2  }
0xed: {  	v2 =	vld [tilespmem:$0x14100]  }
0xee: {  	v3 =	vld [tilespmem:$0x14110]  }
0xef: {  	v4 =	vld [tilespmem:$0x14120]  }
0xf0: {  	v5 =	vld [tilespmem:$0x14130]  }
0xf1: {  	v6 =	vld [tilespmem:$0x14140]  }
0xf2: {  	[tilespmem:$0x14200] =	vst v2  }
0xf3: {  	s9 =	smul.u32 $0xA0, s5;
	[tilespmem:$0x14210] =	vst v3  }
0xf4: {  	[tilespmem:$0x14220] =	vst v4  }
0xf5: {  	s1 =	sadd.s32 s9, s10;
	[tilespmem:$0x14230] =	vst v5  }
0xf6: {  	s14 =	sshrl.u32 s1, $0x3;
	[tilespmem:$0x14240] =	vst v6  }
0xf7: {  	[spmem:s4] =	stream.indirect.scatter.add.f32 [tilespmem:s11], [sflag:$0x7], $0x80, s28, s13, $0xb8;
	[tilespmem:$0x1E300] =	vst v63  }
0xf8: {  	s16 =	sadd.s32 s2, s14  }
0xf9: {  	[tilespmem:s15], [sflag:$0x1] =	stream.linear.gather [hbm4b:s16+s17], $0x50, $0x38;
	[tilespmem:$0x1E300] =	vst v63  }
0xfa: {  	s1 =	sshll.u32 s1, $0x4;
	s14 =	sadd.s32 s3, s14;
	s16 =	simm.s32 $0x14100  }
0xfb: {  	[tilespmem:s16], [sflag:$0x1] =	stream.linear.gather [hbm4b:s14+s17], $0x50, $0x38;
	[tilespmem:$0x1E300] =	vst v63  }
0xfc: {  	s1 =	sadd.s32 s7, s1;
	s16 =	simm.s32 $0x14300  }
0xfd: {  	[tilespmem:s16], [sflag:$0x3] =	stream.linear.gather [hbm4b:s1+s17], $0x2800, $0x38;
	[tilespmem:$0x1E300] =	vst v63  }
0xfe: {  	_ =	swait.ge [sflag:s29], $0x2800  }
0xff: {  	[sflag:s29] =	ssyncset.done $0x0  }
0x100: {  	[sflag:s29] =	ssyncadd.s32 $0xFFFFD800  }
0x101: {  	_ =	swait.ge [sflag:s30], $0x2800  }
0x102: {  	[sflag:s30] =	ssyncset.done $0x0  }
0x103: {  	s1 =	simm.s32 $0x0;
	[sflag:s30] =	ssyncadd.s32 $0xFFFFD800  }
0x104: {  	v5 =	vld [tilespmem:s1+$0x16B00]  }
0x105: {  	v6 =	vld [tilespmem:s1+$0x16B10]  }
0x106: {  	v7 =	vld [tilespmem:s1+$0x16B20]  }
0x107: {  	v8 =	vld [tilespmem:s1+$0x16B30]  }
0x108: {  	v9 =	vld [tilespmem:s1+$0x16B80]  }
0x109: {  	v10 =	vld [tilespmem:s1+$0x16B90]  }
0x10a: {  	v19 =	vld [tilespmem:s1+$0x1BB10]  }
0x10b: {  	v11 =	vld [tilespmem:s1+$0x16BA0]  }
0x10c: {  	v12 =	vld [tilespmem:s1+$0x16BB0]  }
0x10d: {  	v21 =	vld [tilespmem:s1+$0x1BB30]  }
0x10e: {  	v13 =	vld [tilespmem:s1+$0x16C00];
	v22 =	vshll.u32 v5, $0x10;
	v5 =	vand.u32 $0xFFFF0000, v5  }
0x10f: {  	v14 =	vld [tilespmem:s1+$0x16C10];
	v5 =	vmul.f32 v5, v19  }
0x110: {  	v53 =	vld [tilespmem:s1+$0x1BB50]  }
0x111: {  	v15 =	vld [tilespmem:s1+$0x16C20];
	[tilespmem:s1+$0x1BB10] =	vst v5;
	v5 =	vand.u32 $0xFFFF0000, v6  }
0x112: {  	v16 =	vld [tilespmem:s1+$0x16C30];
	v5 =	vmul.f32 v5, v21  }
0x113: {  	v55 =	vld [tilespmem:s1+$0x1BB70]  }
0x114: {  	v54 =	vshll.u32 v6, $0x10;
	v6 =	vld [tilespmem:s1+$0x1BB80];
	[tilespmem:s1+$0x1BB30] =	vst v5;
	v5 =	vand.u32 $0xFFFF0000, v7  }
0x115: {  	v17 =	vld [tilespmem:s1+$0x16C80];
	v5 =	vmul.f32 v5, v53  }
0x116: {  	v57 =	vld [tilespmem:s1+$0x1BB90]  }
0x117: {  	v56 =	vshll.u32 v7, $0x10;
	v7 =	vld [tilespmem:s1+$0x1BBA0];
	[tilespmem:s1+$0x1BB50] =	vst v5;
	v5 =	vand.u32 $0xFFFF0000, v8  }
0x118: {  	v4 =	vld [tilespmem:s1+$0x16C90];
	v60 =	vshll.u32 v9, $0x10;
	v5 =	vmul.f32 v5, v55  }
0x119: {  	v59 =	vld [tilespmem:s1+$0x1BBB0];
	v6 =	vmul.f32 v60, v6  }
0x11a: {  	v58 =	vshll.u32 v8, $0x10;
	v8 =	vld [tilespmem:s1+$0x1BBC0];
	[tilespmem:s1+$0x1BB70] =	vst v5;
	v5 =	vand.u32 $0xFFFF0000, v9  }
0x11b: {  	v3 =	vld [tilespmem:s1+$0x16CA0];
	[tilespmem:s1+$0x1BB80] =	vst v6;
	v6 =	vshll.u32 v10, $0x10;
	v5 =	vmul.f32 v5, v57  }
0x11c: {  	v61 =	vld [tilespmem:s1+$0x1BBD0];
	v6 =	vmul.f32 v6, v7  }
0x11d: {  	v9 =	vld [tilespmem:s1+$0x1BBE0];
	[tilespmem:s1+$0x1BB90] =	vst v5;
	v5 =	vand.u32 $0xFFFF0000, v10  }
0x11e: {  	v2 =	vld [tilespmem:s1+$0x16CB0];
	[tilespmem:s1+$0x1BBA0] =	vst v6;
	v6 =	vshll.u32 v11, $0x10;
	v5 =	vmul.f32 v5, v59  }
0x11f: {  	v62 =	vld [tilespmem:s1+$0x1BBF0];
	v6 =	vmul.f32 v6, v8  }
0x120: {  	v7 =	vld [tilespmem:s1+$0x1BC00];
	[tilespmem:s1+$0x1BBB0] =	vst v5;
	v5 =	vand.u32 $0xFFFF0000, v11  }
0x121: {  	v18 =	vld [tilespmem:s1+$0x1BB00];
	[tilespmem:s1+$0x1BBC0] =	vst v6;
	v6 =	vshll.u32 v12, $0x10;
	v5 =	vmul.f32 v5, v61  }
0x122: {  	v10 =	vld [tilespmem:s1+$0x1BC10];
	v6 =	vmul.f32 v6, v9  }
0x123: {  	v8 =	vld [tilespmem:s1+$0x1BC20];
	[tilespmem:s1+$0x1BBD0] =	vst v5;
	v5 =	vand.u32 $0xFFFF0000, v12  }
0x124: {  	v20 =	vld [tilespmem:s1+$0x1BB20];
	[tilespmem:s1+$0x1BBE0] =	vst v6;
	v6 =	vshll.u32 v13, $0x10;
	v5 =	vmul.f32 v5, v62  }
0x125: {  	v11 =	vld [tilespmem:s1+$0x1BC30];
	v6 =	vmul.f32 v6, v7  }
0x126: {  	v18 =	vmul.f32 v22, v18;
	v12 =	vld [tilespmem:s1+$0x1BC40];
	[tilespmem:s1+$0x1BBF0] =	vst v5;
	v5 =	vand.u32 $0xFFFF0000, v13  }
0x127: {  	v23 =	vld [tilespmem:s1+$0x1BB40];
	[tilespmem:s1+$0x1BC00] =	vst v6;
	v6 =	vshll.u32 v14, $0x10;
	v5 =	vmul.f32 v5, v10  }
0x128: {  	v63 =	vld [tilespmem:s1+$0x1BC50];
	[tilespmem:s1+$0x1BB00] =	vst v18;
	v6 =	vmul.f32 v6, v8  }
0x129: {  	v18 =	vmul.f32 v54, v20;
	v13 =	vld [tilespmem:s1+$0x1BC60];
	[tilespmem:s1+$0x1BC10] =	vst v5;
	v5 =	vand.u32 $0xFFFF0000, v14  }
0x12a: {  	v24 =	vld [tilespmem:s1+$0x1BB60];
	[tilespmem:s1+$0x1BC20] =	vst v6;
	v6 =	vshll.u32 v15, $0x10;
	v5 =	vmul.f32 v5, v11  }
0x12b: {  	[tilespmem:s1+$0x1BB20] =	vst v18;
	v10 =	vld [tilespmem:s1+$0x1BC70];
	v6 =	vmul.f32 v6, v12  }
0x12c: {  	v18 =	vmul.f32 v56, v23;
	v14 =	vld [tilespmem:s1+$0x1BC80];
	[tilespmem:s1+$0x1BC30] =	vst v5;
	v5 =	vand.u32 $0xFFFF0000, v15  }
0x12d: {  	v9 =	vld [tilespmem:s1+$0x1BC90];
	[tilespmem:s1+$0x1BC40] =	vst v6;
	v6 =	vshll.u32 v16, $0x10;
	v5 =	vmul.f32 v5, v63  }
0x12e: {  	[tilespmem:s1+$0x1BB40] =	vst v18;
	v7 =	vld [tilespmem:s1+$0x1BCA0];
	v11 =	vmul.f32 v6, v13  }
0x12f: {  	v18 =	vmul.f32 v58, v24;
	v8 =	vld [tilespmem:s1+$0x1BCB0];
	[tilespmem:s1+$0x1BC50] =	vst v5;
	v5 =	vand.u32 $0xFFFF0000, v16  }
0x130: {  	v6 =	vld [tilespmem:s1+$0x1BCC0];
	v13 =	vshll.u32 v17, $0x10;
	[tilespmem:s1+$0x1BC60] =	vst v11;
	v11 =	vmul.f32 v5, v10  }
0x131: {  	s14 =	simm.s32 $0x800;
	[tilespmem:s1+$0x1BB60] =	vst v18;
	v12 =	vand.u32 $0xFFFF0000, v17;
	v10 =	vmul.f32 v13, v14;
	v5 =	vld [tilespmem:s1+$0x1BCD0]  }
.LBB2_7:
0x132: {  	p0 =	sne.s32 s14, $0x9800;
	[tilespmem:s1+$0x1BC70] =	vst v11;
	v9 =	vmul.f32 v12, v9;
	v11 =	vshll.u32 v4, $0x10;
	v12 =	vld [tilespmem:s1+$0x1BCE0]  }
0x133: {  	s16 =	sshra.s32 s14, $0x2;
	v4 =	vand.u32 $0xFFFF0000, v4;
	[tilespmem:s1+$0x1BC80] =	vst v10;
	v7 =	vmul.f32 v11, v7;
	v10 =	vld [tilespmem:s1+$0x1BCF0]  }
0x134: {  	v11 =	vld [tilespmem:s16+$0x16B00];
	[tilespmem:s1+$0x1BC90] =	vst v9;
	v4 =	vmul.f32 v4, v8;
	v8 =	vshll.u32 v3, $0x10  }
0x135: {  	v3 =	vand.u32 $0xFFFF0000, v3;
	v9 =	vld [tilespmem:s16+$0x16B10];
	[tilespmem:s1+$0x1BCA0] =	vst v7;
	v6 =	vmul.f32 v8, v6  }
0x136: {  	v7 =	vld [tilespmem:s16+$0x16B20];
	[tilespmem:s1+$0x1BCB0] =	vst v4;
	v3 =	vmul.f32 v3, v5;
	v4 =	vshll.u32 v2, $0x10  }
0x137: {  	v2 =	vand.u32 $0xFFFF0000, v2;
	v8 =	vld [tilespmem:s16+$0x16B30];
	[tilespmem:s1+$0x1BCC0] =	vst v6;
	v4 =	vmul.f32 v4, v12  }
0x138: {  	v12 =	vld [tilespmem:s16+$0x16B80];
	[tilespmem:s1+$0x1BCD0] =	vst v3;
	v2 =	vmul.f32 v2, v10  }
0x139: {  	v10 =	vld [tilespmem:s16+$0x16B90];
	[tilespmem:s1+$0x1BCE0] =	vst v4  }
0x13a: {  	v13 =	vld [tilespmem:s16+$0x16BA0];
	[tilespmem:s1+$0x1BCF0] =	vst v2;
	s1 =	smov.u32 s16  }
0x13b: {  	v14 =	vld [tilespmem:s1+$0x16BB0]  }
0x13c: {  	v15 =	vld [tilespmem:s1+$0x16C00]  }
0x13d: {  	v16 =	vld [tilespmem:s1+$0x16C10]  }
0x13e: {  	v17 =	vld [tilespmem:s1+$0x16C20]  }
0x13f: {  	v6 =	vld [tilespmem:s1+$0x16C30]  }
0x140: {  	v5 =	vld [tilespmem:s1+$0x16C80]  }
0x141: {  	v4 =	vld [tilespmem:s1+$0x16C90]  }
0x142: {  	v3 =	vld [tilespmem:s1+$0x16CA0]  }
0x143: {  	v2 =	vld [tilespmem:s1+$0x16CB0]  }
0x144: {  	v18 =	vld [tilespmem:s1+$0x1BB00]  }
0x145: {  	v19 =	vld [tilespmem:s1+$0x1BB10]  }
0x146: {  	v20 =	vld [tilespmem:s1+$0x1BB20]  }
0x147: {  	v21 =	vld [tilespmem:s1+$0x1BB30]  }
0x148: {  	v22 =	vshll.u32 v11, $0x10;
	v23 =	vld [tilespmem:s1+$0x1BB40]  }
0x149: {  	v11 =	vand.u32 $0xFFFF0000, v11;
	v18 =	vmul.f32 v22, v18;
	v22 =	vld [tilespmem:s1+$0x1BB50]  }
0x14a: {  	v11 =	vmul.f32 v11, v19;
	v19 =	vshll.u32 v9, $0x10;
	v24 =	vld [tilespmem:s1+$0x1BB60]  }
0x14b: {  	v9 =	vand.u32 $0xFFFF0000, v9;
	[tilespmem:s1+$0x1BB00] =	vst v18;
	v18 =	vmul.f32 v19, v20;
	v19 =	vld [tilespmem:s1+$0x1BB70]  }
0x14c: {  	[tilespmem:s1+$0x1BB10] =	vst v11;
	v9 =	vmul.f32 v9, v21;
	v11 =	vshll.u32 v7, $0x10;
	v20 =	vld [tilespmem:s1+$0x1BB80]  }
0x14d: {  	v7 =	vand.u32 $0xFFFF0000, v7;
	[tilespmem:s1+$0x1BB20] =	vst v18;
	v11 =	vmul.f32 v11, v23;
	v18 =	vld [tilespmem:s1+$0x1BB90]  }
0x14e: {  	[tilespmem:s1+$0x1BB30] =	vst v9;
	v7 =	vmul.f32 v7, v22;
	v9 =	vshll.u32 v8, $0x10;
	v21 =	vld [tilespmem:s1+$0x1BBA0]  }
0x14f: {  	v8 =	vand.u32 $0xFFFF0000, v8;
	[tilespmem:s1+$0x1BB40] =	vst v11;
	v9 =	vmul.f32 v9, v24;
	v11 =	vld [tilespmem:s1+$0x1BBB0]  }
0x150: {  	[tilespmem:s1+$0x1BB50] =	vst v7;
	v7 =	vmul.f32 v8, v19;
	v8 =	vshll.u32 v12, $0x10;
	v19 =	vld [tilespmem:s1+$0x1BBC0]  }
0x151: {  	[tilespmem:s1+$0x1BB60] =	vst v9;
	v9 =	vand.u32 $0xFFFF0000, v12;
	v8 =	vmul.f32 v8, v20;
	v12 =	vld [tilespmem:s1+$0x1BBD0]  }
0x152: {  	[tilespmem:s1+$0x1BB70] =	vst v7;
	v7 =	vmul.f32 v9, v18;
	v9 =	vshll.u32 v10, $0x10;
	v18 =	vld [tilespmem:s1+$0x1BBE0]  }
0x153: {  	[tilespmem:s1+$0x1BB80] =	vst v8;
	v8 =	vand.u32 $0xFFFF0000, v10;
	v9 =	vmul.f32 v9, v21;
	v10 =	vld [tilespmem:s1+$0x1BBF0]  }
0x154: {  	[tilespmem:s1+$0x1BB90] =	vst v7;
	v7 =	vmul.f32 v8, v11;
	v8 =	vshll.u32 v13, $0x10;
	v11 =	vld [tilespmem:s1+$0x1BC00]  }
0x155: {  	[tilespmem:s1+$0x1BBA0] =	vst v9;
	v9 =	vand.u32 $0xFFFF0000, v13;
	v8 =	vmul.f32 v8, v19;
	v13 =	vld [tilespmem:s1+$0x1BC10]  }
0x156: {  	[tilespmem:s1+$0x1BBB0] =	vst v7;
	v7 =	vmul.f32 v9, v12;
	v9 =	vshll.u32 v14, $0x10;
	v12 =	vld [tilespmem:s1+$0x1BC20]  }
0x157: {  	[tilespmem:s1+$0x1BBC0] =	vst v8;
	v8 =	vand.u32 $0xFFFF0000, v14;
	v9 =	vmul.f32 v9, v18;
	v14 =	vld [tilespmem:s1+$0x1BC30]  }
0x158: {  	[tilespmem:s1+$0x1BBD0] =	vst v7;
	v7 =	vmul.f32 v8, v10;
	v8 =	vshll.u32 v15, $0x10;
	v10 =	vld [tilespmem:s1+$0x1BC40]  }
0x159: {  	[tilespmem:s1+$0x1BBE0] =	vst v9;
	v9 =	vand.u32 $0xFFFF0000, v15;
	v8 =	vmul.f32 v8, v11;
	v11 =	vld [tilespmem:s1+$0x1BC50]  }
0x15a: {  	[tilespmem:s1+$0x1BBF0] =	vst v7;
	v7 =	vmul.f32 v9, v13;
	v9 =	vshll.u32 v16, $0x10;
	v13 =	vld [tilespmem:s1+$0x1BC60]  }
0x15b: {  	[tilespmem:s1+$0x1BC00] =	vst v8;
	v8 =	vand.u32 $0xFFFF0000, v16;
	v9 =	vmul.f32 v9, v12;
	v12 =	vld [tilespmem:s1+$0x1BC70]  }
0x15c: {  	[tilespmem:s1+$0x1BC10] =	vst v7;
	v7 =	vmul.f32 v8, v14;
	v8 =	vshll.u32 v17, $0x10;
	v14 =	vld [tilespmem:s1+$0x1BC80]  }
.Ltmp2:
0x15d: {  	v15 =	vand.u32 $0xFFFF0000, v17;
	[tilespmem:s1+$0x1BC20] =	vst v9;
	v8 =	vmul.f32 v8, v10;
	v9 =	vld [tilespmem:s1+$0x1BC90];
	(pc) =	sbr.rel @p0 .LBB2_7-.Ltmp2, $4  }
0x15e: {  	[tilespmem:s1+$0x1BC30] =	vst v7;
	v10 =	vmul.f32 v15, v11;
	v11 =	vshll.u32 v6, $0x10;
	v7 =	vld [tilespmem:s1+$0x1BCA0]  }
0x15f: {  	v6 =	vand.u32 $0xFFFF0000, v6;
	[tilespmem:s1+$0x1BC40] =	vst v8;
	v13 =	vmul.f32 v11, v13;
	v8 =	vld [tilespmem:s1+$0x1BCB0]  }
0x160: {  	[tilespmem:s1+$0x1BC50] =	vst v10;
	v11 =	vmul.f32 v6, v12;
	v10 =	vshll.u32 v5, $0x10;
	v6 =	vld [tilespmem:s1+$0x1BCC0]  }
0x161: {  	s14 =	sadd.s32 $0x800, s14;
	v12 =	vand.u32 $0xFFFF0000, v5;
	[tilespmem:s1+$0x1BC60] =	vst v13;
	v10 =	vmul.f32 v10, v14;
	v5 =	vld [tilespmem:s1+$0x1BCD0]  }
0x162: {  	[tilespmem:s1+$0x1BC70] =	vst v11;
	v57 =	vld [tilespmem:s1+$0x1BCE0];
	v9 =	vmul.f32 v12, v9;
	v58 =	vshll.u32 v4, $0x10  }
0x163: {  	v59 =	vand.u32 $0xFFFF0000, v4;
	v60 =	vld [tilespmem:s1+$0x1BCF0];
	[tilespmem:s1+$0x1BC80] =	vst v10;
	v7 =	vmul.f32 v58, v7  }
0x164: {  	v61 =	vshll.u32 v3, $0x10;
	[tilespmem:s1+$0x1BC90] =	vst v9;
	v4 =	vmul.f32 v59, v8  }
0x165: {  	v3 =	vand.u32 $0xFFFF0000, v3;
	[tilespmem:s1+$0x1BCA0] =	vst v7;
	v6 =	vmul.f32 v61, v6  }
0x166: {  	v62 =	vshll.u32 v2, $0x10;
	[tilespmem:s1+$0x1BCB0] =	vst v4;
	v3 =	vmul.f32 v3, v5  }
0x167: {  	v2 =	vand.u32 $0xFFFF0000, v2;
	[tilespmem:s1+$0x1BCC0] =	vst v6;
	v4 =	vmul.f32 v62, v57  }
0x168: {  	v2 =	vmul.f32 v2, v60;
	[tilespmem:s1+$0x1BCD0] =	vst v3  }
0x169: {  	[tilespmem:s1+$0x1BCE0] =	vst v4  }
0x16a: {  	[tilespmem:s1+$0x1BCF0] =	vst v2  }
0x16b: {  	v2 =	vld [tilespmem:$0x14180]  }
0x16c: {  	v3 =	vld [tilespmem:$0x14190]  }
0x16d: {  	v4 =	vld [tilespmem:$0x141A0]  }
0x16e: {  	v63 =	vld [tilespmem:$0x141B0]  }
0x16f: {  	v6 =	vld [tilespmem:$0x141C0]  }
0x170: {  	[tilespmem:$0x14280] =	vst v2  }
0x171: {  	p0 =	seq.s32 s5, $0x3D;
	s1 =	sadd.s32 $0xF0, s9;
	[tilespmem:$0x14290] =	vst v3  }
0x172: {  	s1 =	simm.s32 @p0 $0x0;
	[tilespmem:$0x142A0] =	vst v4  }
0x173: {  	s1 =	sadd.s32 s8, s1;
	[tilespmem:$0x142B0] =	vst v63  }
0x174: {  	s14 =	simm.s32 $0x14280;
	s16 =	sshrl.u32 s1, $0x3;
	[tilespmem:$0x142C0] =	vst v6  }
0x175: {  	[spmem:s4] =	stream.indirect.scatter.add.f32 [tilespmem:s24], [sflag:$0x8], $0x80, s14, s13, $0xb8;
	[tilespmem:$0x1E300] =	vst v63  }
0x176: {  	s14 =	sadd.s32 s2, s16  }
0x177: {  	[tilespmem:s18], [sflag:$0x2] =	stream.linear.gather [hbm4b:s14+s6], $0x50, $0x38;
	[tilespmem:$0x1E300] =	vst v63  }
0x178: {  	s1 =	sshll.u32 s1, $0x4;
	s9 =	sadd.s32 s3, s16  }
0x179: {  	[tilespmem:s19], [sflag:$0x2] =	stream.linear.gather [hbm4b:s9+s6], $0x50, $0x38;
	[tilespmem:$0x1E300] =	vst v63  }
0x17a: {  	s1 =	sadd.s32 s7, s1  }
0x17b: {  	[tilespmem:s20], [sflag:$0x4] =	stream.linear.gather [hbm4b:s1+s6], $0x2800, $0x38;
	[tilespmem:$0x1E300] =	vst v63  }
0x17c: {  	_ =	swait.ge [sflag:s21], $0x50  }
0x17d: {  	[sflag:s21] =	ssyncset.done $0x0  }
0x17e: {  	[sflag:s21] =	ssyncadd.s32 $0xFFFFFFB0  }
0x17f: {  	s5 =	sadd.s32 $0x1, s5;
	_ =	swait.ge [sflag:s21], $0x50  }
0x180: {  	p0 =	sne.s32 s5, $0x3E;
	[sflag:s21] =	ssyncset.done $0x0  }
.Ltmp3:
0x181: {  	[sflag:s21] =	ssyncadd.s32 $0xFFFFFFB0;
	(pc) =	sbr.rel @p0 .LBB2_4-.Ltmp3, $4  }
0x182: {  	_ =	swait.ge [sflag:s31], $0x2800  }
0x183: {  	[sflag:s31] =	ssyncset.done $0x0  }
0x184: {  	[sflag:s31] =	ssyncadd.s32 $0xFFFFD800  }
0x185: {  	[tilespmem:s11], [sflag:$0x5] =	stream.indirect.gather [hbm4b:s0+s13], $0x80, s15, s13, $0xb8;
	[tilespmem:$0x1E300] =	vst v63  }
0x186: {  	_ =	swait.ge [sflag:s25], $0x2800  }
0x187: {  	[sflag:s25] =	ssyncset.done $0x0  }
0x188: {  	[sflag:s25] =	ssyncadd.s32 $0xFFFFD800  }
0x189: {  	_ =	swait.ge [sflag:s26], $0x2800  }
0x18a: {  	[sflag:s26] =	ssyncset.done $0x0  }
0x18b: {  	s1 =	simm.s32 $0x0;
	[sflag:s26] =	ssyncadd.s32 $0xFFFFD800  }
0x18c: {  	v5 =	vld [tilespmem:s1+$0x14300]  }
0x18d: {  	v6 =	vld [tilespmem:s1+$0x14310]  }
0x18e: {  	v7 =	vld [tilespmem:s1+$0x14320]  }
0x18f: {  	v8 =	vld [tilespmem:s1+$0x14330]  }
0x190: {  	v9 =	vld [tilespmem:s1+$0x14380]  }
0x191: {  	v10 =	vld [tilespmem:s1+$0x14390]  }
0x192: {  	v19 =	vld [tilespmem:s1+$0x19310]  }
0x193: {  	v11 =	vld [tilespmem:s1+$0x143A0]  }
0x194: {  	v12 =	vld [tilespmem:s1+$0x143B0]  }
0x195: {  	v21 =	vld [tilespmem:s1+$0x19330]  }
0x196: {  	v13 =	vld [tilespmem:s1+$0x14400];
	v22 =	vshll.u32 v5, $0x10;
	v5 =	vand.u32 $0xFFFF0000, v5  }
0x197: {  	v14 =	vld [tilespmem:s1+$0x14410];
	v5 =	vmul.f32 v5, v19  }
0x198: {  	v53 =	vld [tilespmem:s1+$0x19350]  }
0x199: {  	v15 =	vld [tilespmem:s1+$0x14420];
	[tilespmem:s1+$0x19310] =	vst v5;
	v5 =	vand.u32 $0xFFFF0000, v6  }
0x19a: {  	v16 =	vld [tilespmem:s1+$0x14430];
	v5 =	vmul.f32 v5, v21  }
0x19b: {  	v55 =	vld [tilespmem:s1+$0x19370]  }
0x19c: {  	v54 =	vshll.u32 v6, $0x10;
	v6 =	vld [tilespmem:s1+$0x19380];
	[tilespmem:s1+$0x19330] =	vst v5;
	v5 =	vand.u32 $0xFFFF0000, v7  }
0x19d: {  	v17 =	vld [tilespmem:s1+$0x14480];
	v5 =	vmul.f32 v5, v53  }
0x19e: {  	v57 =	vld [tilespmem:s1+$0x19390]  }
0x19f: {  	v56 =	vshll.u32 v7, $0x10;
	v7 =	vld [tilespmem:s1+$0x193A0];
	[tilespmem:s1+$0x19350] =	vst v5;
	v5 =	vand.u32 $0xFFFF0000, v8  }
0x1a0: {  	v4 =	vld [tilespmem:s1+$0x14490];
	v60 =	vshll.u32 v9, $0x10;
	v5 =	vmul.f32 v5, v55  }
0x1a1: {  	v59 =	vld [tilespmem:s1+$0x193B0];
	v6 =	vmul.f32 v60, v6  }
0x1a2: {  	v58 =	vshll.u32 v8, $0x10;
	v8 =	vld [tilespmem:s1+$0x193C0];
	[tilespmem:s1+$0x19370] =	vst v5;
	v5 =	vand.u32 $0xFFFF0000, v9  }
0x1a3: {  	v3 =	vld [tilespmem:s1+$0x144A0];
	[tilespmem:s1+$0x19380] =	vst v6;
	v6 =	vshll.u32 v10, $0x10;
	v5 =	vmul.f32 v5, v57  }
0x1a4: {  	v61 =	vld [tilespmem:s1+$0x193D0];
	v6 =	vmul.f32 v6, v7  }
0x1a5: {  	v9 =	vld [tilespmem:s1+$0x193E0];
	[tilespmem:s1+$0x19390] =	vst v5;
	v5 =	vand.u32 $0xFFFF0000, v10  }
0x1a6: {  	v2 =	vld [tilespmem:s1+$0x144B0];
	[tilespmem:s1+$0x193A0] =	vst v6;
	v6 =	vshll.u32 v11, $0x10;
	v5 =	vmul.f32 v5, v59  }
0x1a7: {  	v62 =	vld [tilespmem:s1+$0x193F0];
	v6 =	vmul.f32 v6, v8  }
0x1a8: {  	v7 =	vld [tilespmem:s1+$0x19400];
	[tilespmem:s1+$0x193B0] =	vst v5;
	v5 =	vand.u32 $0xFFFF0000, v11  }
0x1a9: {  	v18 =	vld [tilespmem:s1+$0x19300];
	[tilespmem:s1+$0x193C0] =	vst v6;
	v6 =	vshll.u32 v12, $0x10;
	v5 =	vmul.f32 v5, v61  }
0x1aa: {  	v10 =	vld [tilespmem:s1+$0x19410];
	v6 =	vmul.f32 v6, v9  }
0x1ab: {  	v8 =	vld [tilespmem:s1+$0x19420];
	[tilespmem:s1+$0x193D0] =	vst v5;
	v5 =	vand.u32 $0xFFFF0000, v12  }
0x1ac: {  	v20 =	vld [tilespmem:s1+$0x19320];
	[tilespmem:s1+$0x193E0] =	vst v6;
	v6 =	vshll.u32 v13, $0x10;
	v5 =	vmul.f32 v5, v62  }
0x1ad: {  	v11 =	vld [tilespmem:s1+$0x19430];
	v6 =	vmul.f32 v6, v7  }
0x1ae: {  	v18 =	vmul.f32 v22, v18;
	v12 =	vld [tilespmem:s1+$0x19440];
	[tilespmem:s1+$0x193F0] =	vst v5;
	v5 =	vand.u32 $0xFFFF0000, v13  }
0x1af: {  	v23 =	vld [tilespmem:s1+$0x19340];
	[tilespmem:s1+$0x19400] =	vst v6;
	v6 =	vshll.u32 v14, $0x10;
	v5 =	vmul.f32 v5, v10  }
0x1b0: {  	v63 =	vld [tilespmem:s1+$0x19450];
	[tilespmem:s1+$0x19300] =	vst v18;
	v6 =	vmul.f32 v6, v8  }
0x1b1: {  	v18 =	vmul.f32 v54, v20;
	v13 =	vld [tilespmem:s1+$0x19460];
	[tilespmem:s1+$0x19410] =	vst v5;
	v5 =	vand.u32 $0xFFFF0000, v14  }
0x1b2: {  	v24 =	vld [tilespmem:s1+$0x19360];
	[tilespmem:s1+$0x19420] =	vst v6;
	v6 =	vshll.u32 v15, $0x10;
	v5 =	vmul.f32 v5, v11  }
0x1b3: {  	[tilespmem:s1+$0x19320] =	vst v18;
	v10 =	vld [tilespmem:s1+$0x19470];
	v6 =	vmul.f32 v6, v12  }
0x1b4: {  	v18 =	vmul.f32 v56, v23;
	v14 =	vld [tilespmem:s1+$0x19480];
	[tilespmem:s1+$0x19430] =	vst v5;
	v5 =	vand.u32 $0xFFFF0000, v15  }
0x1b5: {  	v9 =	vld [tilespmem:s1+$0x19490];
	[tilespmem:s1+$0x19440] =	vst v6;
	v6 =	vshll.u32 v16, $0x10;
	v5 =	vmul.f32 v5, v63  }
0x1b6: {  	[tilespmem:s1+$0x19340] =	vst v18;
	v7 =	vld [tilespmem:s1+$0x194A0];
	v11 =	vmul.f32 v6, v13  }
0x1b7: {  	v18 =	vmul.f32 v58, v24;
	v8 =	vld [tilespmem:s1+$0x194B0];
	[tilespmem:s1+$0x19450] =	vst v5;
	v5 =	vand.u32 $0xFFFF0000, v16  }
0x1b8: {  	v6 =	vld [tilespmem:s1+$0x194C0];
	v13 =	vshll.u32 v17, $0x10;
	[tilespmem:s1+$0x19460] =	vst v11;
	v11 =	vmul.f32 v5, v10  }
0x1b9: {  	s5 =	simm.s32 $0x800;
	[tilespmem:s1+$0x19360] =	vst v18;
	v12 =	vand.u32 $0xFFFF0000, v17;
	v10 =	vmul.f32 v13, v14;
	v5 =	vld [tilespmem:s1+$0x194D0]  }
.LBB2_10:
0x1ba: {  	p0 =	sne.s32 s5, $0x9800;
	[tilespmem:s1+$0x19470] =	vst v11;
	v9 =	vmul.f32 v12, v9;
	v11 =	vshll.u32 v4, $0x10;
	v12 =	vld [tilespmem:s1+$0x194E0]  }
0x1bb: {  	s9 =	sshra.s32 s5, $0x2;
	v4 =	vand.u32 $0xFFFF0000, v4;
	[tilespmem:s1+$0x19480] =	vst v10;
	v7 =	vmul.f32 v11, v7;
	v10 =	vld [tilespmem:s1+$0x194F0]  }
0x1bc: {  	v11 =	vld [tilespmem:s9+$0x14300];
	[tilespmem:s1+$0x19490] =	vst v9;
	v4 =	vmul.f32 v4, v8;
	v8 =	vshll.u32 v3, $0x10  }
0x1bd: {  	v3 =	vand.u32 $0xFFFF0000, v3;
	v9 =	vld [tilespmem:s9+$0x14310];
	[tilespmem:s1+$0x194A0] =	vst v7;
	v6 =	vmul.f32 v8, v6  }
0x1be: {  	v7 =	vld [tilespmem:s9+$0x14320];
	[tilespmem:s1+$0x194B0] =	vst v4;
	v3 =	vmul.f32 v3, v5;
	v4 =	vshll.u32 v2, $0x10  }
0x1bf: {  	v2 =	vand.u32 $0xFFFF0000, v2;
	v8 =	vld [tilespmem:s9+$0x14330];
	[tilespmem:s1+$0x194C0] =	vst v6;
	v4 =	vmul.f32 v4, v12  }
0x1c0: {  	v12 =	vld [tilespmem:s9+$0x14380];
	[tilespmem:s1+$0x194D0] =	vst v3;
	v2 =	vmul.f32 v2, v10  }
0x1c1: {  	v10 =	vld [tilespmem:s9+$0x14390];
	[tilespmem:s1+$0x194E0] =	vst v4  }
0x1c2: {  	v13 =	vld [tilespmem:s9+$0x143A0];
	[tilespmem:s1+$0x194F0] =	vst v2;
	s1 =	smov.u32 s9  }
0x1c3: {  	v14 =	vld [tilespmem:s1+$0x143B0]  }
0x1c4: {  	v15 =	vld [tilespmem:s1+$0x14400]  }
0x1c5: {  	v16 =	vld [tilespmem:s1+$0x14410]  }
0x1c6: {  	v17 =	vld [tilespmem:s1+$0x14420]  }
0x1c7: {  	v6 =	vld [tilespmem:s1+$0x14430]  }
0x1c8: {  	v5 =	vld [tilespmem:s1+$0x14480]  }
0x1c9: {  	v4 =	vld [tilespmem:s1+$0x14490]  }
0x1ca: {  	v3 =	vld [tilespmem:s1+$0x144A0]  }
0x1cb: {  	v2 =	vld [tilespmem:s1+$0x144B0]  }
0x1cc: {  	v18 =	vld [tilespmem:s1+$0x19300]  }
0x1cd: {  	v19 =	vld [tilespmem:s1+$0x19310]  }
0x1ce: {  	v20 =	vld [tilespmem:s1+$0x19320]  }
0x1cf: {  	v21 =	vld [tilespmem:s1+$0x19330]  }
0x1d0: {  	v22 =	vshll.u32 v11, $0x10;
	v23 =	vld [tilespmem:s1+$0x19340]  }
0x1d1: {  	v11 =	vand.u32 $0xFFFF0000, v11;
	v18 =	vmul.f32 v22, v18;
	v22 =	vld [tilespmem:s1+$0x19350]  }
0x1d2: {  	v11 =	vmul.f32 v11, v19;
	v19 =	vshll.u32 v9, $0x10;
	v24 =	vld [tilespmem:s1+$0x19360]  }
0x1d3: {  	v9 =	vand.u32 $0xFFFF0000, v9;
	[tilespmem:s1+$0x19300] =	vst v18;
	v18 =	vmul.f32 v19, v20;
	v19 =	vld [tilespmem:s1+$0x19370]  }
0x1d4: {  	[tilespmem:s1+$0x19310] =	vst v11;
	v9 =	vmul.f32 v9, v21;
	v11 =	vshll.u32 v7, $0x10;
	v20 =	vld [tilespmem:s1+$0x19380]  }
0x1d5: {  	v7 =	vand.u32 $0xFFFF0000, v7;
	[tilespmem:s1+$0x19320] =	vst v18;
	v11 =	vmul.f32 v11, v23;
	v18 =	vld [tilespmem:s1+$0x19390]  }
0x1d6: {  	[tilespmem:s1+$0x19330] =	vst v9;
	v7 =	vmul.f32 v7, v22;
	v9 =	vshll.u32 v8, $0x10;
	v21 =	vld [tilespmem:s1+$0x193A0]  }
0x1d7: {  	v8 =	vand.u32 $0xFFFF0000, v8;
	[tilespmem:s1+$0x19340] =	vst v11;
	v9 =	vmul.f32 v9, v24;
	v11 =	vld [tilespmem:s1+$0x193B0]  }
0x1d8: {  	[tilespmem:s1+$0x19350] =	vst v7;
	v7 =	vmul.f32 v8, v19;
	v8 =	vshll.u32 v12, $0x10;
	v19 =	vld [tilespmem:s1+$0x193C0]  }
0x1d9: {  	[tilespmem:s1+$0x19360] =	vst v9;
	v9 =	vand.u32 $0xFFFF0000, v12;
	v8 =	vmul.f32 v8, v20;
	v12 =	vld [tilespmem:s1+$0x193D0]  }
0x1da: {  	[tilespmem:s1+$0x19370] =	vst v7;
	v7 =	vmul.f32 v9, v18;
	v9 =	vshll.u32 v10, $0x10;
	v18 =	vld [tilespmem:s1+$0x193E0]  }
0x1db: {  	[tilespmem:s1+$0x19380] =	vst v8;
	v8 =	vand.u32 $0xFFFF0000, v10;
	v9 =	vmul.f32 v9, v21;
	v10 =	vld [tilespmem:s1+$0x193F0]  }
0x1dc: {  	[tilespmem:s1+$0x19390] =	vst v7;
	v7 =	vmul.f32 v8, v11;
	v8 =	vshll.u32 v13, $0x10;
	v11 =	vld [tilespmem:s1+$0x19400]  }
0x1dd: {  	[tilespmem:s1+$0x193A0] =	vst v9;
	v9 =	vand.u32 $0xFFFF0000, v13;
	v8 =	vmul.f32 v8, v19;
	v13 =	vld [tilespmem:s1+$0x19410]  }
0x1de: {  	[tilespmem:s1+$0x193B0] =	vst v7;
	v7 =	vmul.f32 v9, v12;
	v9 =	vshll.u32 v14, $0x10;
	v12 =	vld [tilespmem:s1+$0x19420]  }
0x1df: {  	[tilespmem:s1+$0x193C0] =	vst v8;
	v8 =	vand.u32 $0xFFFF0000, v14;
	v9 =	vmul.f32 v9, v18;
	v14 =	vld [tilespmem:s1+$0x19430]  }
0x1e0: {  	[tilespmem:s1+$0x193D0] =	vst v7;
	v7 =	vmul.f32 v8, v10;
	v8 =	vshll.u32 v15, $0x10;
	v10 =	vld [tilespmem:s1+$0x19440]  }
0x1e1: {  	[tilespmem:s1+$0x193E0] =	vst v9;
	v9 =	vand.u32 $0xFFFF0000, v15;
	v8 =	vmul.f32 v8, v11;
	v11 =	vld [tilespmem:s1+$0x19450]  }
0x1e2: {  	[tilespmem:s1+$0x193F0] =	vst v7;
	v7 =	vmul.f32 v9, v13;
	v9 =	vshll.u32 v16, $0x10;
	v13 =	vld [tilespmem:s1+$0x19460]  }
0x1e3: {  	[tilespmem:s1+$0x19400] =	vst v8;
	v8 =	vand.u32 $0xFFFF0000, v16;
	v9 =	vmul.f32 v9, v12;
	v12 =	vld [tilespmem:s1+$0x19470]  }
0x1e4: {  	[tilespmem:s1+$0x19410] =	vst v7;
	v7 =	vmul.f32 v8, v14;
	v8 =	vshll.u32 v17, $0x10;
	v14 =	vld [tilespmem:s1+$0x19480]  }
.Ltmp4:
0x1e5: {  	v15 =	vand.u32 $0xFFFF0000, v17;
	[tilespmem:s1+$0x19420] =	vst v9;
	v8 =	vmul.f32 v8, v10;
	v9 =	vld [tilespmem:s1+$0x19490];
	(pc) =	sbr.rel @p0 .LBB2_10-.Ltmp4, $4  }
0x1e6: {  	[tilespmem:s1+$0x19430] =	vst v7;
	v10 =	vmul.f32 v15, v11;
	v11 =	vshll.u32 v6, $0x10;
	v7 =	vld [tilespmem:s1+$0x194A0]  }
0x1e7: {  	v6 =	vand.u32 $0xFFFF0000, v6;
	[tilespmem:s1+$0x19440] =	vst v8;
	v13 =	vmul.f32 v11, v13;
	v8 =	vld [tilespmem:s1+$0x194B0]  }
0x1e8: {  	[tilespmem:s1+$0x19450] =	vst v10;
	v11 =	vmul.f32 v6, v12;
	v10 =	vshll.u32 v5, $0x10;
	v6 =	vld [tilespmem:s1+$0x194C0]  }
0x1e9: {  	s5 =	sadd.s32 $0x800, s5;
	v12 =	vand.u32 $0xFFFF0000, v5;
	[tilespmem:s1+$0x19460] =	vst v13;
	v10 =	vmul.f32 v10, v14;
	v5 =	vld [tilespmem:s1+$0x194D0]  }
0x1ea: {  	[tilespmem:s1+$0x19470] =	vst v11;
	v57 =	vld [tilespmem:s1+$0x194E0];
	v9 =	vmul.f32 v12, v9;
	v58 =	vshll.u32 v4, $0x10  }
0x1eb: {  	v59 =	vand.u32 $0xFFFF0000, v4;
	v60 =	vld [tilespmem:s1+$0x194F0];
	[tilespmem:s1+$0x19480] =	vst v10;
	v7 =	vmul.f32 v58, v7  }
0x1ec: {  	v61 =	vshll.u32 v3, $0x10;
	[tilespmem:s1+$0x19490] =	vst v9;
	v4 =	vmul.f32 v59, v8  }
0x1ed: {  	v3 =	vand.u32 $0xFFFF0000, v3;
	[tilespmem:s1+$0x194A0] =	vst v7;
	v6 =	vmul.f32 v61, v6  }
0x1ee: {  	v62 =	vshll.u32 v2, $0x10;
	[tilespmem:s1+$0x194B0] =	vst v4;
	v3 =	vmul.f32 v3, v5  }
0x1ef: {  	v2 =	vand.u32 $0xFFFF0000, v2;
	[tilespmem:s1+$0x194C0] =	vst v6;
	v4 =	vmul.f32 v62, v57  }
0x1f0: {  	v2 =	vmul.f32 v2, v60;
	[tilespmem:s1+$0x194D0] =	vst v3  }
0x1f1: {  	[tilespmem:s1+$0x194E0] =	vst v4  }
0x1f2: {  	[tilespmem:s1+$0x194F0] =	vst v2  }
0x1f3: {  	v2 =	vld [tilespmem:$0x14100]  }
0x1f4: {  	v3 =	vld [tilespmem:$0x14110]  }
0x1f5: {  	v4 =	vld [tilespmem:$0x14120]  }
0x1f6: {  	v63 =	vld [tilespmem:$0x14130]  }
0x1f7: {  	v6 =	vld [tilespmem:$0x14140]  }
0x1f8: {  	[tilespmem:$0x14200] =	vst v2  }
0x1f9: {  	[tilespmem:$0x14210] =	vst v3  }
0x1fa: {  	[tilespmem:$0x14220] =	vst v4  }
0x1fb: {  	[tilespmem:$0x14230] =	vst v63  }
0x1fc: {  	[tilespmem:$0x14240] =	vst v6  }
0x1fd: {  	[spmem:s4] =	stream.indirect.scatter.add.f32 [tilespmem:s11], [sflag:$0x7], $0x80, s28, s13, $0xb8;
	[tilespmem:$0x1E300] =	vst v63  }
0x1fe: {  	_ =	swait.ge [sflag:s31], $0x2800  }
0x1ff: {  	[sflag:s31] =	ssyncset.done $0x0  }
0x200: {  	[sflag:s31] =	ssyncadd.s32 $0xFFFFD800  }
0x201: {  	_ =	swait.ge [sflag:s23], $0x2800  }
0x202: {  	[sflag:s23] =	ssyncset.done $0x0  }
0x203: {  	[sflag:s23] =	ssyncadd.s32 $0xFFFFD800  }
0x204: {  	_ =	swait.ge [sflag:s22], $0x50  }
0x205: {  	[sflag:s22] =	ssyncset.done $0x0  }
0x206: {  	[sflag:s22] =	ssyncadd.s32 $0xFFFFFFB0  }
0x207: {  	_ =	swait.ge [sflag:s22], $0x50  }
0x208: {  	[sflag:s22] =	ssyncset.done $0x0  }
0x209: {  	[sflag:s22] =	ssyncadd.s32 $0xFFFFFFB0  }
0x20a: {  	_ =	swait.ge [sflag:s30], $0x2800  }
0x20b: {  	[sflag:s30] =	ssyncset.done $0x0  }
0x20c: {  	[sflag:s30] =	ssyncadd.s32 $0xFFFFD800  }
0x20d: {  	s9 =	stileid.u32;
	[bflag:$0x0] =	sbarrier.arrive $0xFFFF  }
0x20e: {  	s1 =	sshll.u32 s9, $0x6;
	s5 =	rddreg [dreg:$0x7]  }
0x20f: {  	s1 =	sor.u32 $0x1C09, s1;
	s9 =	rddreg [dreg:$0xb];
	s5 =	sshrl.u32 s5, $0x3  }
0x210: {  	[hbm:s9], [sflag:s1] =	dma.local [spmem:s5], $0x800  }
0x211: {  	_ =	swait.ge [sflag:s12], $0x800  }
0x212: {  	[sflag:s12] =	ssyncset.done $0x0;
	s14 =	rddreg [dreg:$0xc]  }
0x213: {  	s16 =	rddreg [dreg:$0x14];
	[sflag:s12] =	ssyncadd.s32 $0xFFFFF800  }
0x214: {  	[hbm:s14], [sflag:s1] =	dma.local [spmem:s16], $0x800  }
0x215: {  	_ =	swait.ge [sflag:s12], $0x800  }
0x216: {  	[sflag:s12] =	ssyncset.done $0x0;
	s14 =	rddreg [dreg:$0xd]  }
0x217: {  	s16 =	rddreg [dreg:$0x15];
	[sflag:s12] =	ssyncadd.s32 $0xFFFFF800  }
0x218: {  	[hbm:s14], [sflag:s1] =	dma.local [spmem:s16], $0x800  }
0x219: {  	_ =	swait.ge [sflag:s12], $0x800  }
0x21a: {  	[sflag:s12] =	ssyncset.done $0x0;
	s14 =	rddreg [dreg:$0xe]  }
0x21b: {  	s16 =	rddreg [dreg:$0x16];
	[sflag:s12] =	ssyncadd.s32 $0xFFFFF800  }
0x21c: {  	[hbm:s14], [sflag:s1] =	dma.local [spmem:s16], $0x800  }
0x21d: {  	_ =	swait.ge [sflag:s12], $0x800  }
0x21e: {  	[sflag:s12] =	ssyncset.done $0x0;
	s14 =	rddreg [dreg:$0xf]  }
0x21f: {  	s16 =	rddreg [dreg:$0x17];
	[sflag:s12] =	ssyncadd.s32 $0xFFFFF800  }
0x220: {  	[hbm:s14], [sflag:s1] =	dma.local [spmem:s16], $0x800  }
0x221: {  	_ =	swait.ge [sflag:s12], $0x800  }
0x222: {  	s14 =	rddreg [dreg:$0x1f]  }
0x223: {  	s16 =	rddreg [dreg:$0x13];
	s5 =	sadd.s32 $0x1, s14  }
0x224: {  	p0 =	sne.s32 s5, s16  }
.Ltmp5:
0x225: {  	_ = 	snop;
	(pc) =	sbr.rel @p0 .LBB2_1-.Ltmp5, $3  }
0x226: {  	_ =	sdelay $0x1  }
0x227: {  	[sflag:s12] =	ssyncset.done $0x0  }
0x228: {  	[sflag:s12] =	ssyncadd.s32 $0xFFFFF800  }
0x229: {  	_ =	sfence.sel $0x180000  }
0x22a: {  	[bflag:$0x0] =	sbarrier.arrive $0xFFFF  }
0x22b: {  	_ =	strace $0x90000047  }
0x22c: {  	s0 =	stileid.u32;
	[bflag:$0x2] =	sbarrier.arrive $0xFFFF  }
0x22d: {  	p0 =	sne.s32 s0, $0x0;
	s0 =	rddreg [dreg:$0x6]  }
0x22e: {  	s0 =	sadd.s32 @!p0 $0x100000, s0  }
0x22f: {  	[sflag:s0] =	ssyncadd.tile.s32 @!p0 $0x1;
	_ =	shalt  }
.Lfunc_end2:
_tile_overlayer_lowered:
.L_overlay_start_2:
0x230: {  	(tag) =	ssettag $0x2  }
0x231: {  	s0 =	rddreg [dreg:$0x0];
	s2 =	stileid.u32  }
0x232: {  	s1 =	rddreg [dreg:$0x1];
	p0 =	sne.s32 s2, $0x0  }
0x233: {  	s3 =	rddreg [dreg:$0x2];
	[bflag:$0x3] =	sbarrier.arrive $0xFFFF;
	s2 =	simm.s32 @!p0 $0x1C09  }
0x234: {  	[timem:s3], [sflag:s2] =	dma.local @!p0 [hbm:s0], s1  }
0x235: {  	s0 =	simm.s32 @!p0 $0x9  }
0x236: {  	_ =	swait.ge @!p0 [sflag:s0], s1  }
0x237: {  	s1 =	ssub.s32 @!p0 $0x0, s1;
	[sflag:s0] =	ssyncset.done @!p0 $0x0  }
0x238: {  	[sflag:s0] =	ssyncadd.s32 @!p0 s1  }
0x239: {  	[bflag:$0x3] =	sbarrier.arrive $0xFFFF  }
0x23a: {  	_ =	shalt  }

</sc_bundles>
